<compile_context>
chip_gen: v7x
topology: tpu7x:2x2x1
jax: 0.10.2.dev20260603
libtpu: 0.0.44.dev20260713+nightly
codegen_flags: <defaults>
</compile_context>

<pallas_src>
import functools

import jax
import jax.numpy as jnp
from jax import lax
from jax.experimental import pallas as pl
from jax.experimental.pallas import tpu as pltpu
from jax.experimental.pallas import tpu_sc as plsc

_HIDDEN = 1024
_BATCH = 4
_SEQ = 2048
_TOK = _BATCH * _SEQ
_NW = 32
_SPW = _SEQ // _NW
_CH = 8
_NG = _SPW // _CH
_LANES = 16
_HG = _HIDDEN // _LANES

_mesh = plsc.VectorSubcoreMesh(core_axis_name="c", subcore_axis_name="s")


@functools.partial(
    pl.kernel,
    out_type=jax.ShapeDtypeStruct((_TOK, _HIDDEN), jnp.float32),
    mesh=_mesh,
    scratch_types=[
        pltpu.VMEM((_BATCH * _SPW,), jnp.int32),
        [pltpu.VMEM((_CH, _HIDDEN), jnp.float32)] * (2 * _BATCH),
        [pltpu.VMEM((_CH, _HIDDEN), jnp.float32)] * 2,
        [pltpu.SemaphoreType.DMA] * (2 * _BATCH),
        [pltpu.SemaphoreType.DMA] * (2 * _BATCH),
        [pltpu.SemaphoreType.DMA] * 2,
    ],
)
def _emb_kernel(idx_hbm, wtab_hbm, ptab_hbm, out_hbm, idx_v, wbufs, pbufs,
                gsems, osems, psems):
    wid = lax.axis_index("s") * 2 + lax.axis_index("c")
    s0 = wid * _SPW

    idx_descs = [
        pltpu.async_copy(idx_hbm.at[pl.ds(b * _SEQ + s0, _SPW)],
                         idx_v.at[pl.ds(b * _SPW, _SPW)], osems[b])
        for b in range(_BATCH)
    ]
    for d in idx_descs:
        d.wait()

    def gather(j, b):
        slot = (j % 2) * _BATCH + b
        return pltpu.async_copy(
            wtab_hbm.at[idx_v.at[pl.ds(b * _SPW + j * _CH, _CH)]],
            wbufs[slot], gsems[slot])

    def writeback(j, b):
        slot = (j % 2) * _BATCH + b
        row0 = b * _SEQ + s0 + j * _CH
        return pltpu.async_copy(wbufs[slot], out_hbm.at[pl.ds(row0, _CH)],
                                osems[slot])

    def load_pos(j):
        return pltpu.async_copy(ptab_hbm.at[pl.ds(s0 + j * _CH, _CH)],
                                pbufs[j % 2], psems[j % 2])

    p_descs = [None] * _NG
    g_descs = [[None] * _BATCH for _ in range(_NG)]
    o_descs = [[None] * _BATCH for _ in range(_NG)]
    p_descs[0] = load_pos(0)
    for b in range(_BATCH):
        g_descs[0][b] = gather(0, b)

    for j in range(_NG):
        half = j % 2
        if j + 1 < _NG:
            p_descs[j + 1] = load_pos(j + 1)
            if j >= 1:
                for b in range(_BATCH):
                    o_descs[j - 1][b].wait()
            for b in range(_BATCH):
                g_descs[j + 1][b] = gather(j + 1, b)
        p_descs[j].wait()
        for b in range(_BATCH):
            g_descs[j][b].wait()
        wset = wbufs[half * _BATCH:(half + 1) * _BATCH]
        pb = pbufs[half]

        def blk(i, _, wset=wset, pb=pb):
            r = i // 32
            g0 = (i % 32) * 2
            for g in range(2):
                sl = pl.ds((g0 + g) * _LANES, _LANES)
                x = pb[r, sl]
                for wb in wset:
                    plsc.addupdate(wb.at[r, sl], x)
            return 0

        lax.fori_loop(0, _CH * 32, blk, 0)
        for b in range(_BATCH):
            o_descs[j][b] = writeback(j, b)

    for b in range(_BATCH):
        o_descs[_NG - 2][b].wait()
        o_descs[_NG - 1][b].wait()


def kernel(inputs, word_embeddings, position_embeddings):
    flat_idx = inputs.reshape(_TOK).astype(jnp.int32)
    out = _emb_kernel(flat_idx, word_embeddings, position_embeddings)
    return out.reshape(_BATCH, _SEQ, _HIDDEN)

# --- scband reference (transcript-rebuilt; emitter-appended) ---
"""Pipeline reference for scband-gpt-embeddings-85495618994939 (READ-ONLY COPY).

The authoritative reference and input builder live on the scoring server;
editing this copy changes nothing except your own understanding.
"""

import jax, jax.numpy as jnp
import numpy as np

VOCAB = 100000
HIDDEN = 1024
MAX_POS = 2048
BATCH = 4
SEQ = 2048

def setup_inputs(seed: int = 0) -> dict:
    key = jax.random.key(seed)
    k1, k2, k3 = jax.random.split(key, 3)
    inputs = jax.random.randint(k1, (BATCH, SEQ), 0, VOCAB, dtype=jnp.int64 if jax.config.read('jax_enable_x64') else jnp.int32)
    word_embeddings = jax.random.normal(k2, (VOCAB, HIDDEN), dtype=jnp.float32) * 0.02
    position_embeddings = jax.random.normal(k3, (MAX_POS, HIDDEN), dtype=jnp.float32) * 0.02
    return {"inputs": inputs, "word_embeddings": word_embeddings, "position_embeddings": position_embeddings}

def reference(inputs, word_embeddings, position_embeddings):
    # word embedding gather
    input_embeddings = jnp.take(word_embeddings, inputs, axis=0)  # [B, S, H]
    seq_length = input_embeddings.shape[1]
    # position embedding gather over range(seq_length)
    pos = jnp.take(position_embeddings, jnp.arange(0, seq_length), axis=0)  # [S, H]
    pos = jnp.expand_dims(pos, 0)  # [1, S, H]
    output = input_embeddings + pos
    return output

if __name__ == "__main__":
    import jax
    _d = setup_inputs()
    print(jax.jit(kernel)(*tuple(_d.values())))

</pallas_src>

<mosaic_0001>
#map = affine_map<(d0, d1) -> (0)>
#map1 = affine_map<(d0, d1) -> (0, 0)>
module attributes {stable_mosaic.version = 14 : i64} {
  func.func @_emb_kernel(%arg0: i32, %arg1: i32, %arg2: memref<8192xi32, #tpu.memory_space<hbm>>, %arg3: memref<100000x1024xf32, #tpu.memory_space<hbm>>, %arg4: memref<2048x1024xf32, #tpu.memory_space<hbm>>, %arg5: memref<8192x1024xf32, #tpu.memory_space<hbm>>, %arg6: memref<256xi32, #tpu.memory_space<vmem>>, %arg7: memref<8x1024xf32, #tpu.memory_space<vmem>>, %arg8: memref<8x1024xf32, #tpu.memory_space<vmem>>, %arg9: memref<8x1024xf32, #tpu.memory_space<vmem>>, %arg10: memref<8x1024xf32, #tpu.memory_space<vmem>>, %arg11: memref<8x1024xf32, #tpu.memory_space<vmem>>, %arg12: memref<8x1024xf32, #tpu.memory_space<vmem>>, %arg13: memref<8x1024xf32, #tpu.memory_space<vmem>>, %arg14: memref<8x1024xf32, #tpu.memory_space<vmem>>, %arg15: memref<8x1024xf32, #tpu.memory_space<vmem>>, %arg16: memref<8x1024xf32, #tpu.memory_space<vmem>>, %arg17: memref<!tpu.dma_semaphore, #tpu.memory_space<semaphore_mem>>, %arg18: memref<!tpu.dma_semaphore, #tpu.memory_space<semaphore_mem>>, %arg19: memref<!tpu.dma_semaphore, #tpu.memory_space<semaphore_mem>>, %arg20: memref<!tpu.dma_semaphore, #tpu.memory_space<semaphore_mem>>, %arg21: memref<!tpu.dma_semaphore, #tpu.memory_space<semaphore_mem>>, %arg22: memref<!tpu.dma_semaphore, #tpu.memory_space<semaphore_mem>>, %arg23: memref<!tpu.dma_semaphore, #tpu.memory_space<semaphore_mem>>, %arg24: memref<!tpu.dma_semaphore, #tpu.memory_space<semaphore_mem>>, %arg25: memref<!tpu.dma_semaphore, #tpu.memory_space<semaphore_mem>>, %arg26: memref<!tpu.dma_semaphore, #tpu.memory_space<semaphore_mem>>, %arg27: memref<!tpu.dma_semaphore, #tpu.memory_space<semaphore_mem>>, %arg28: memref<!tpu.dma_semaphore, #tpu.memory_space<semaphore_mem>>, %arg29: memref<!tpu.dma_semaphore, #tpu.memory_space<semaphore_mem>>, %arg30: memref<!tpu.dma_semaphore, #tpu.memory_space<semaphore_mem>>, %arg31: memref<!tpu.dma_semaphore, #tpu.memory_space<semaphore_mem>>, %arg32: memref<!tpu.dma_semaphore, #tpu.memory_space<semaphore_mem>>, %arg33: memref<!tpu.dma_semaphore, #tpu.memory_space<semaphore_mem>>, %arg34: memref<!tpu.dma_semaphore, #tpu.memory_space<semaphore_mem>>) attributes {dimension_semantics = [#tpu.dimension_semantics<core_parallel>, #tpu.dimension_semantics<subcore_parallel>], iteration_bounds = array<i64: 2, 16>, scalar_prefetch = 0 : i64, scratch_operands = 29 : i64, tpu.core_type = #tpu.core_type<sc_vector_subcore>, window_params = [{transform_indices = #map}, {transform_indices = #map1}, {transform_indices = #map1}, {transform_indices = #map1}]} {
    %mul3A = arith.constant 2 : i32
    %mul3A_0 = arith.muli %arg1, %mul3A : i32
    %add3A = arith.addi %mul3A_0, %arg0 : i32
    %mul3A_1 = arith.constant 64 : i32
    %mul3A_2 = arith.muli %add3A, %mul3A_1 : i32
    %add3A_3 = arith.constant 0 : i32
    %add3A_4 = arith.addi %add3A_3, %mul3A_2 : i32
    %dma_start3A = arith.constant 0 : i32
    %dma_start3A_5 = tpu.memref_slice %arg6[%dma_start3A] : memref<256xi32, #tpu.memory_space<vmem>> -> memref<64xi32, #tpu.memory_space<vmem>>
    %dma_start3A_6 = tpu.memref_slice %arg2[%add3A_4] : memref<8192xi32, #tpu.memory_space<hbm>> -> memref<64xi32, #tpu.memory_space<hbm>>
    %dma_start3A_7 = arith.constant 0 : i32
    %dma_start3A_8 = tpu.memref_slice %arg6[%dma_start3A_7] : memref<256xi32, #tpu.memory_space<vmem>> -> memref<64xi32, #tpu.memory_space<vmem>>
    %dma_start3A_9 = tpu.memref_slice %arg2[%add3A_4] : memref<8192xi32, #tpu.memory_space<hbm>> -> memref<64xi32, #tpu.memory_space<hbm>>
    tpu.enqueue_dma source(%dma_start3A_9 : memref<64xi32, #tpu.memory_space<hbm>>) target(%dma_start3A_8 : memref<64xi32, #tpu.memory_space<vmem>>) target_semaphore(%arg25 : memref<!tpu.dma_semaphore, #tpu.memory_space<semaphore_mem>>)
    %add3A_10 = arith.constant 2048 : i32
    %add3A_11 = arith.addi %add3A_10, %mul3A_2 : i32
    %dma_start3A_12 = arith.constant 64 : i32
    %dma_start3A_13 = tpu.memref_slice %arg6[%dma_start3A_12] : memref<256xi32, #tpu.memory_space<vmem>> -> memref<64xi32, #tpu.memory_space<vmem>>
    %dma_start3A_14 = tpu.memref_slice %arg2[%add3A_11] : memref<8192xi32, #tpu.memory_space<hbm>> -> memref<64xi32, #tpu.memory_space<hbm>>
    %dma_start3A_15 = arith.constant 64 : i32
    %dma_start3A_16 = tpu.memref_slice %arg6[%dma_start3A_15] : memref<256xi32, #tpu.memory_space<vmem>> -> memref<64xi32, #tpu.memory_space<vmem>>
    %dma_start3A_17 = tpu.memref_slice %arg2[%add3A_11] : memref<8192xi32, #tpu.memory_space<hbm>> -> memref<64xi32, #tpu.memory_space<hbm>>
    tpu.enqueue_dma source(%dma_start3A_17 : memref<64xi32, #tpu.memory_space<hbm>>) target(%dma_start3A_16 : memref<64xi32, #tpu.memory_space<vmem>>) target_semaphore(%arg26 : memref<!tpu.dma_semaphore, #tpu.memory_space<semaphore_mem>>)
    %add3A_18 = arith.constant 4096 : i32
    %add3A_19 = arith.addi %add3A_18, %mul3A_2 : i32
    %dma_start3A_20 = arith.constant 128 : i32
    %dma_start3A_21 = tpu.memref_slice %arg6[%dma_start3A_20] : memref<256xi32, #tpu.memory_space<vmem>> -> memref<64xi32, #tpu.memory_space<vmem>>
    %dma_start3A_22 = tpu.memref_slice %arg2[%add3A_19] : memref<8192xi32, #tpu.memory_space<hbm>> -> memref<64xi32, #tpu.memory_space<hbm>>
    %dma_start3A_23 = arith.constant 128 : i32
    %dma_start3A_24 = tpu.memref_slice %arg6[%dma_start3A_23] : memref<256xi32, #tpu.memory_space<vmem>> -> memref<64xi32, #tpu.memory_space<vmem>>
    %dma_start3A_25 = tpu.memref_slice %arg2[%add3A_19] : memref<8192xi32, #tpu.memory_space<hbm>> -> memref<64xi32, #tpu.memory_space<hbm>>
    tpu.enqueue_dma source(%dma_start3A_25 : memref<64xi32, #tpu.memory_space<hbm>>) target(%dma_start3A_24 : memref<64xi32, #tpu.memory_space<vmem>>) target_semaphore(%arg27 : memref<!tpu.dma_semaphore, #tpu.memory_space<semaphore_mem>>)
    %add3A_26 = arith.constant 6144 : i32
    %add3A_27 = arith.addi %add3A_26, %mul3A_2 : i32
    %dma_start3A_28 = arith.constant 192 : i32
    %dma_start3A_29 = tpu.memref_slice %arg6[%dma_start3A_28] : memref<256xi32, #tpu.memory_space<vmem>> -> memref<64xi32, #tpu.memory_space<vmem>>
    %dma_start3A_30 = tpu.memref_slice %arg2[%add3A_27] : memref<8192xi32, #tpu.memory_space<hbm>> -> memref<64xi32, #tpu.memory_space<hbm>>
    %dma_start3A_31 = arith.constant 192 : i32
    %dma_start3A_32 = tpu.memref_slice %arg6[%dma_start3A_31] : memref<256xi32, #tpu.memory_space<vmem>> -> memref<64xi32, #tpu.memory_space<vmem>>
    %dma_start3A_33 = tpu.memref_slice %arg2[%add3A_27] : memref<8192xi32, #tpu.memory_space<hbm>> -> memref<64xi32, #tpu.memory_space<hbm>>
    tpu.enqueue_dma source(%dma_start3A_33 : memref<64xi32, #tpu.memory_space<hbm>>) target(%dma_start3A_32 : memref<64xi32, #tpu.memory_space<vmem>>) target_semaphore(%arg28 : memref<!tpu.dma_semaphore, #tpu.memory_space<semaphore_mem>>)
    %dma_wait3A = arith.constant 0 : i32
    %dma_wait3A_34 = tpu.memref_slice %arg6[%dma_wait3A] : memref<256xi32, #tpu.memory_space<vmem>> -> memref<64xi32, #tpu.memory_space<vmem>>
    %dma_wait3A_35 = tpu.memref_slice %arg2[%add3A_4] : memref<8192xi32, #tpu.memory_space<hbm>> -> memref<64xi32, #tpu.memory_space<hbm>>
    %dma_wait3A_36 = arith.constant 0 : i32
    %dma_wait3A_37 = tpu.memref_slice %arg6[%dma_wait3A_36] : memref<256xi32, #tpu.memory_space<vmem>> -> memref<64xi32, #tpu.memory_space<vmem>>
    %dma_wait3A_38 = tpu.memref_slice %arg2[%add3A_4] : memref<8192xi32, #tpu.memory_space<hbm>> -> memref<64xi32, #tpu.memory_space<hbm>>
    tpu.wait_dma2 semaphore(%arg25 : memref<!tpu.dma_semaphore, #tpu.memory_space<semaphore_mem>>) src(%dma_wait3A_38 : memref<64xi32, #tpu.memory_space<hbm>>) dst(%dma_wait3A_37 : memref<64xi32, #tpu.memory_space<vmem>>)
    %dma_wait3A_39 = arith.constant 64 : i32
    %dma_wait3A_40 = tpu.memref_slice %arg6[%dma_wait3A_39] : memref<256xi32, #tpu.memory_space<vmem>> -> memref<64xi32, #tpu.memory_space<vmem>>
    %dma_wait3A_41 = tpu.memref_slice %arg2[%add3A_11] : memref<8192xi32, #tpu.memory_space<hbm>> -> memref<64xi32, #tpu.memory_space<hbm>>
    %dma_wait3A_42 = arith.constant 64 : i32
    %dma_wait3A_43 = tpu.memref_slice %arg6[%dma_wait3A_42] : memref<256xi32, #tpu.memory_space<vmem>> -> memref<64xi32, #tpu.memory_space<vmem>>
    %dma_wait3A_44 = tpu.memref_slice %arg2[%add3A_11] : memref<8192xi32, #tpu.memory_space<hbm>> -> memref<64xi32, #tpu.memory_space<hbm>>
    tpu.wait_dma2 semaphore(%arg26 : memref<!tpu.dma_semaphore, #tpu.memory_space<semaphore_mem>>) src(%dma_wait3A_44 : memref<64xi32, #tpu.memory_space<hbm>>) dst(%dma_wait3A_43 : memref<64xi32, #tpu.memory_space<vmem>>)
    %dma_wait3A_45 = arith.constant 128 : i32
    %dma_wait3A_46 = tpu.memref_slice %arg6[%dma_wait3A_45] : memref<256xi32, #tpu.memory_space<vmem>> -> memref<64xi32, #tpu.memory_space<vmem>>
    %dma_wait3A_47 = tpu.memref_slice %arg2[%add3A_19] : memref<8192xi32, #tpu.memory_space<hbm>> -> memref<64xi32, #tpu.memory_space<hbm>>
    %dma_wait3A_48 = arith.constant 128 : i32
    %dma_wait3A_49 = tpu.memref_slice %arg6[%dma_wait3A_48] : memref<256xi32, #tpu.memory_space<vmem>> -> memref<64xi32, #tpu.memory_space<vmem>>
    %dma_wait3A_50 = tpu.memref_slice %arg2[%add3A_19] : memref<8192xi32, #tpu.memory_space<hbm>> -> memref<64xi32, #tpu.memory_space<hbm>>
    tpu.wait_dma2 semaphore(%arg27 : memref<!tpu.dma_semaphore, #tpu.memory_space<semaphore_mem>>) src(%dma_wait3A_50 : memref<64xi32, #tpu.memory_space<hbm>>) dst(%dma_wait3A_49 : memref<64xi32, #tpu.memory_space<vmem>>)
    %dma_wait3A_51 = arith.constant 192 : i32
    %dma_wait3A_52 = tpu.memref_slice %arg6[%dma_wait3A_51] : memref<256xi32, #tpu.memory_space<vmem>> -> memref<64xi32, #tpu.memory_space<vmem>>
    %dma_wait3A_53 = tpu.memref_slice %arg2[%add3A_27] : memref<8192xi32, #tpu.memory_space<hbm>> -> memref<64xi32, #tpu.memory_space<hbm>>
    %dma_wait3A_54 = arith.constant 192 : i32
    %dma_wait3A_55 = tpu.memref_slice %arg6[%dma_wait3A_54] : memref<256xi32, #tpu.memory_space<vmem>> -> memref<64xi32, #tpu.memory_space<vmem>>
    %dma_wait3A_56 = tpu.memref_slice %arg2[%add3A_27] : memref<8192xi32, #tpu.memory_space<hbm>> -> memref<64xi32, #tpu.memory_space<hbm>>
    tpu.wait_dma2 semaphore(%arg28 : memref<!tpu.dma_semaphore, #tpu.memory_space<semaphore_mem>>) src(%dma_wait3A_56 : memref<64xi32, #tpu.memory_space<hbm>>) dst(%dma_wait3A_55 : memref<64xi32, #tpu.memory_space<vmem>>)
    %add3A_57 = arith.constant 0 : i32
    %add3A_58 = arith.addi %mul3A_2, %add3A_57 : i32
    %dma_start3A_59 = arith.constant 0 : i32
    %dma_start3A_60 = tpu.memref_slice %arg4[%add3A_58, %dma_start3A_59] : memref<2048x1024xf32, #tpu.memory_space<hbm>> -> memref<8x1024xf32, #tpu.memory_space<hbm>>
    %dma_start3A_61 = arith.constant 0 : i32
    %dma_start3A_62 = tpu.memref_slice %arg4[%add3A_58, %dma_start3A_61] : memref<2048x1024xf32, #tpu.memory_space<hbm>> -> memref<8x1024xf32, #tpu.memory_space<hbm>>
    tpu.enqueue_dma source(%dma_start3A_62 : memref<8x1024xf32, #tpu.memory_space<hbm>>) target(%arg15 : memref<8x1024xf32, #tpu.memory_space<vmem>>) target_semaphore(%arg33 : memref<!tpu.dma_semaphore, #tpu.memory_space<semaphore_mem>>)
    %dma_start3A_63 = arith.constant 0 : i32
    %dma_start3A_64 = tpu.memref_slice %arg6[%dma_start3A_63] : memref<256xi32, #tpu.memory_space<vmem>> -> memref<8xi32, #tpu.memory_space<vmem>>
    %dma_start3A_65 = arith.constant 0 : i32
    %dma_start3A_66 = arith.constant 0 : i32
    %dma_start3A_67 = tpu.memref_slice %arg3[%dma_start3A_65, %dma_start3A_66] : memref<100000x1024xf32, #tpu.memory_space<hbm>> -> memref<100000x1024xf32, #tpu.memory_space<hbm>>
    tpu.enqueue_indirect_dma source(%dma_start3A_67 : memref<100000x1024xf32, #tpu.memory_space<hbm>>) target(%arg7 : memref<8x1024xf32, #tpu.memory_space<vmem>>) offsets(%dma_start3A_64 : memref<8xi32, #tpu.memory_space<vmem>>) semaphore(%arg17 : memref<!tpu.dma_semaphore, #tpu.memory_space<semaphore_mem>>)
    %dma_start3A_68 = arith.constant 64 : i32
    %dma_start3A_69 = tpu.memref_slice %arg6[%dma_start3A_68] : memref<256xi32, #tpu.memory_space<vmem>> -> memref<8xi32, #tpu.memory_space<vmem>>
    %dma_start3A_70 = arith.constant 0 : i32
    %dma_start3A_71 = arith.constant 0 : i32
    %dma_start3A_72 = tpu.memref_slice %arg3[%dma_start3A_70, %dma_start3A_71] : memref<100000x1024xf32, #tpu.memory_space<hbm>> -> memref<100000x1024xf32, #tpu.memory_space<hbm>>
    tpu.enqueue_indirect_dma source(%dma_start3A_72 : memref<100000x1024xf32, #tpu.memory_space<hbm>>) target(%arg8 : memref<8x1024xf32, #tpu.memory_space<vmem>>) offsets(%dma_start3A_69 : memref<8xi32, #tpu.memory_space<vmem>>) semaphore(%arg18 : memref<!tpu.dma_semaphore, #tpu.memory_space<semaphore_mem>>)
    %dma_start3A_73 = arith.constant 128 : i32
    %dma_start3A_74 = tpu.memref_slice %arg6[%dma_start3A_73] : memref<256xi32, #tpu.memory_space<vmem>> -> memref<8xi32, #tpu.memory_space<vmem>>
    %dma_start3A_75 = arith.constant 0 : i32
    %dma_start3A_76 = arith.constant 0 : i32
    %dma_start3A_77 = tpu.memref_slice %arg3[%dma_start3A_75, %dma_start3A_76] : memref<100000x1024xf32, #tpu.memory_space<hbm>> -> memref<100000x1024xf32, #tpu.memory_space<hbm>>
    tpu.enqueue_indirect_dma source(%dma_start3A_77 : memref<100000x1024xf32, #tpu.memory_space<hbm>>) target(%arg9 : memref<8x1024xf32, #tpu.memory_space<vmem>>) offsets(%dma_start3A_74 : memref<8xi32, #tpu.memory_space<vmem>>) semaphore(%arg19 : memref<!tpu.dma_semaphore, #tpu.memory_space<semaphore_mem>>)
    %dma_start3A_78 = arith.constant 192 : i32
    %dma_start3A_79 = tpu.memref_slice %arg6[%dma_start3A_78] : memref<256xi32, #tpu.memory_space<vmem>> -> memref<8xi32, #tpu.memory_space<vmem>>
    %dma_start3A_80 = arith.constant 0 : i32
    %dma_start3A_81 = arith.constant 0 : i32
    %dma_start3A_82 = tpu.memref_slice %arg3[%dma_start3A_80, %dma_start3A_81] : memref<100000x1024xf32, #tpu.memory_space<hbm>> -> memref<100000x1024xf32, #tpu.memory_space<hbm>>
    tpu.enqueue_indirect_dma source(%dma_start3A_82 : memref<100000x1024xf32, #tpu.memory_space<hbm>>) target(%arg10 : memref<8x1024xf32, #tpu.memory_space<vmem>>) offsets(%dma_start3A_79 : memref<8xi32, #tpu.memory_space<vmem>>) semaphore(%arg20 : memref<!tpu.dma_semaphore, #tpu.memory_space<semaphore_mem>>)
    %add3A_83 = arith.constant 8 : i32
    %add3A_84 = arith.addi %mul3A_2, %add3A_83 : i32
    %dma_start3A_85 = arith.constant 0 : i32
    %dma_start3A_86 = tpu.memref_slice %arg4[%add3A_84, %dma_start3A_85] : memref<2048x1024xf32, #tpu.memory_space<hbm>> -> memref<8x1024xf32, #tpu.memory_space<hbm>>
    %dma_start3A_87 = arith.constant 0 : i32
    %dma_start3A_88 = tpu.memref_slice %arg4[%add3A_84, %dma_start3A_87] : memref<2048x1024xf32, #tpu.memory_space<hbm>> -> memref<8x1024xf32, #tpu.memory_space<hbm>>
    tpu.enqueue_dma source(%dma_start3A_88 : memref<8x1024xf32, #tpu.memory_space<hbm>>) target(%arg16 : memref<8x1024xf32, #tpu.memory_space<vmem>>) target_semaphore(%arg34 : memref<!tpu.dma_semaphore, #tpu.memory_space<semaphore_mem>>)
    %dma_start3A_89 = arith.constant 8 : i32
    %dma_start3A_90 = tpu.memref_slice %arg6[%dma_start3A_89] : memref<256xi32, #tpu.memory_space<vmem>> -> memref<8xi32, #tpu.memory_space<vmem>>
    %dma_start3A_91 = arith.constant 0 : i32
    %dma_start3A_92 = arith.constant 0 : i32
    %dma_start3A_93 = tpu.memref_slice %arg3[%dma_start3A_91, %dma_start3A_92] : memref<100000x1024xf32, #tpu.memory_space<hbm>> -> memref<100000x1024xf32, #tpu.memory_space<hbm>>
    tpu.enqueue_indirect_dma source(%dma_start3A_93 : memref<100000x1024xf32, #tpu.memory_space<hbm>>) target(%arg11 : memref<8x1024xf32, #tpu.memory_space<vmem>>) offsets(%dma_start3A_90 : memref<8xi32, #tpu.memory_space<vmem>>) semaphore(%arg21 : memref<!tpu.dma_semaphore, #tpu.memory_space<semaphore_mem>>)
    %dma_start3A_94 = arith.constant 72 : i32
    %dma_start3A_95 = tpu.memref_slice %arg6[%dma_start3A_94] : memref<256xi32, #tpu.memory_space<vmem>> -> memref<8xi32, #tpu.memory_space<vmem>>
    %dma_start3A_96 = arith.constant 0 : i32
    %dma_start3A_97 = arith.constant 0 : i32
    %dma_start3A_98 = tpu.memref_slice %arg3[%dma_start3A_96, %dma_start3A_97] : memref<100000x1024xf32, #tpu.memory_space<hbm>> -> memref<100000x1024xf32, #tpu.memory_space<hbm>>
    tpu.enqueue_indirect_dma source(%dma_start3A_98 : memref<100000x1024xf32, #tpu.memory_space<hbm>>) target(%arg12 : memref<8x1024xf32, #tpu.memory_space<vmem>>) offsets(%dma_start3A_95 : memref<8xi32, #tpu.memory_space<vmem>>) semaphore(%arg22 : memref<!tpu.dma_semaphore, #tpu.memory_space<semaphore_mem>>)
    %dma_start3A_99 = arith.constant 136 : i32
    %dma_start3A_100 = tpu.memref_slice %arg6[%dma_start3A_99] : memref<256xi32, #tpu.memory_space<vmem>> -> memref<8xi32, #tpu.memory_space<vmem>>
    %dma_start3A_101 = arith.constant 0 : i32
    %dma_start3A_102 = arith.constant 0 : i32
    %dma_start3A_103 = tpu.memref_slice %arg3[%dma_start3A_101, %dma_start3A_102] : memref<100000x1024xf32, #tpu.memory_space<hbm>> -> memref<100000x1024xf32, #tpu.memory_space<hbm>>
    tpu.enqueue_indirect_dma source(%dma_start3A_103 : memref<100000x1024xf32, #tpu.memory_space<hbm>>) target(%arg13 : memref<8x1024xf32, #tpu.memory_space<vmem>>) offsets(%dma_start3A_100 : memref<8xi32, #tpu.memory_space<vmem>>) semaphore(%arg23 : memref<!tpu.dma_semaphore, #tpu.memory_space<semaphore_mem>>)
    %dma_start3A_104 = arith.constant 200 : i32
    %dma_start3A_105 = tpu.memref_slice %arg6[%dma_start3A_104] : memref<256xi32, #tpu.memory_space<vmem>> -> memref<8xi32, #tpu.memory_space<vmem>>
    %dma_start3A_106 = arith.constant 0 : i32
    %dma_start3A_107 = arith.constant 0 : i32
    %dma_start3A_108 = tpu.memref_slice %arg3[%dma_start3A_106, %dma_start3A_107] : memref<100000x1024xf32, #tpu.memory_space<hbm>> -> memref<100000x1024xf32, #tpu.memory_space<hbm>>
    tpu.enqueue_indirect_dma source(%dma_start3A_108 : memref<100000x1024xf32, #tpu.memory_space<hbm>>) target(%arg14 : memref<8x1024xf32, #tpu.memory_space<vmem>>) offsets(%dma_start3A_105 : memref<8xi32, #tpu.memory_space<vmem>>) semaphore(%arg24 : memref<!tpu.dma_semaphore, #tpu.memory_space<semaphore_mem>>)
    %dma_wait3A_109 = arith.constant 0 : i32
    %dma_wait3A_110 = tpu.memref_slice %arg4[%add3A_58, %dma_wait3A_109] : memref<2048x1024xf32, #tpu.memory_space<hbm>> -> memref<8x1024xf32, #tpu.memory_space<hbm>>
    %dma_wait3A_111 = arith.constant 0 : i32
    %dma_wait3A_112 = tpu.memref_slice %arg4[%add3A_58, %dma_wait3A_111] : memref<2048x1024xf32, #tpu.memory_space<hbm>> -> memref<8x1024xf32, #tpu.memory_space<hbm>>
    tpu.wait_dma2 semaphore(%arg33 : memref<!tpu.dma_semaphore, #tpu.memory_space<semaphore_mem>>) src(%dma_wait3A_112 : memref<8x1024xf32, #tpu.memory_space<hbm>>) dst(%arg15 : memref<8x1024xf32, #tpu.memory_space<vmem>>)
    %dma_wait3A_113 = arith.constant 0 : i32
    %dma_wait3A_114 = tpu.memref_slice %arg6[%dma_wait3A_113] : memref<256xi32, #tpu.memory_space<vmem>> -> memref<8xi32, #tpu.memory_space<vmem>>
    %dma_wait3A_115 = arith.constant 0 : i32
    %dma_wait3A_116 = arith.constant 0 : i32
    %dma_wait3A_117 = tpu.memref_slice %arg3[%dma_wait3A_115, %dma_wait3A_116] : memref<100000x1024xf32, #tpu.memory_space<hbm>> -> memref<100000x1024xf32, #tpu.memory_space<hbm>>
    tpu.wait_indirect_dma semaphore(%arg17 : memref<!tpu.dma_semaphore, #tpu.memory_space<semaphore_mem>>) src(%dma_wait3A_117 : memref<100000x1024xf32, #tpu.memory_space<hbm>>) dst(%arg7 : memref<8x1024xf32, #tpu.memory_space<vmem>>)
    %dma_wait3A_118 = arith.constant 64 : i32
    %dma_wait3A_119 = tpu.memref_slice %arg6[%dma_wait3A_118] : memref<256xi32, #tpu.memory_space<vmem>> -> memref<8xi32, #tpu.memory_space<vmem>>
    %dma_wait3A_120 = arith.constant 0 : i32
    %dma_wait3A_121 = arith.constant 0 : i32
    %dma_wait3A_122 = tpu.memref_slice %arg3[%dma_wait3A_120, %dma_wait3A_121] : memref<100000x1024xf32, #tpu.memory_space<hbm>> -> memref<100000x1024xf32, #tpu.memory_space<hbm>>
    tpu.wait_indirect_dma semaphore(%arg18 : memref<!tpu.dma_semaphore, #tpu.memory_space<semaphore_mem>>) src(%dma_wait3A_122 : memref<100000x1024xf32, #tpu.memory_space<hbm>>) dst(%arg8 : memref<8x1024xf32, #tpu.memory_space<vmem>>)
    %dma_wait3A_123 = arith.constant 128 : i32
    %dma_wait3A_124 = tpu.memref_slice %arg6[%dma_wait3A_123] : memref<256xi32, #tpu.memory_space<vmem>> -> memref<8xi32, #tpu.memory_space<vmem>>
    %dma_wait3A_125 = arith.constant 0 : i32
    %dma_wait3A_126 = arith.constant 0 : i32
    %dma_wait3A_127 = tpu.memref_slice %arg3[%dma_wait3A_125, %dma_wait3A_126] : memref<100000x1024xf32, #tpu.memory_space<hbm>> -> memref<100000x1024xf32, #tpu.memory_space<hbm>>
    tpu.wait_indirect_dma semaphore(%arg19 : memref<!tpu.dma_semaphore, #tpu.memory_space<semaphore_mem>>) src(%dma_wait3A_127 : memref<100000x1024xf32, #tpu.memory_space<hbm>>) dst(%arg9 : memref<8x1024xf32, #tpu.memory_space<vmem>>)
    %dma_wait3A_128 = arith.constant 192 : i32
    %dma_wait3A_129 = tpu.memref_slice %arg6[%dma_wait3A_128] : memref<256xi32, #tpu.memory_space<vmem>> -> memref<8xi32, #tpu.memory_space<vmem>>
    %dma_wait3A_130 = arith.constant 0 : i32
    %dma_wait3A_131 = arith.constant 0 : i32
    %dma_wait3A_132 = tpu.memref_slice %arg3[%dma_wait3A_130, %dma_wait3A_131] : memref<100000x1024xf32, #tpu.memory_space<hbm>> -> memref<100000x1024xf32, #tpu.memory_space<hbm>>
    tpu.wait_indirect_dma semaphore(%arg20 : memref<!tpu.dma_semaphore, #tpu.memory_space<semaphore_mem>>) src(%dma_wait3A_132 : memref<100000x1024xf32, #tpu.memory_space<hbm>>) dst(%arg10 : memref<8x1024xf32, #tpu.memory_space<vmem>>)
    %scan3A = arith.constant 0 : i32
    %scan3A_133 = arith.constant 0 : i32
    %scan3A_134 = arith.constant 256 : i32
    %scan3A_135 = arith.addi %scan3A_133, %scan3A_134 : i32
    %scan3A_136 = arith.constant 1 : i32
    %scan3A_137 = scf.for %scan3A_896 = %scan3A_133 to %scan3A_135 step %scan3A_136 iter_args(%scan3A_897 = %scan3A) -> (i32)  : i32 {
      %jit3A = arith.constant 32 : i32
      %div3A = arith.divsi %scan3A_896, %jit3A : i32
      %sign3A = arith.constant 0 : i32
      %sign3A_898 = arith.cmpi sgt, %scan3A_896, %sign3A : i32
      %sign3A_899 = arith.extui %sign3A_898 : i1 to i32
      %sign3A_900 = arith.constant 0 : i32
      %sign3A_901 = arith.cmpi slt, %scan3A_896, %sign3A_900 : i32
      %sign3A_902 = arith.extui %sign3A_901 : i1 to i32
      %sign3A_903 = arith.subi %sign3A_899, %sign3A_902 : i32
      %sign3A_904 = arith.constant 0 : i32
      %sign3A_905 = arith.cmpi sgt, %jit3A, %sign3A_904 : i32
      %sign3A_906 = arith.extui %sign3A_905 : i1 to i32
      %sign3A_907 = arith.constant 0 : i32
      %sign3A_908 = arith.cmpi slt, %jit3A, %sign3A_907 : i32
      %sign3A_909 = arith.extui %sign3A_908 : i1 to i32
      %sign3A_910 = arith.subi %sign3A_906, %sign3A_909 : i32
      %ne3A = arith.cmpi ne, %sign3A_903, %sign3A_910 : i32
      %rem3A = arith.remsi %scan3A_896, %jit3A : i32
      %ne3A_911 = arith.constant 0 : i32
      %ne3A_912 = arith.cmpi ne, %rem3A, %ne3A_911 : i32
      %and3A = arith.andi %ne3A, %ne3A_912 : i1
      %sub3A = arith.constant 1 : i32
      %sub3A_913 = arith.subi %div3A, %sub3A : i32
      %select_n3A = arith.select %and3A, %sub3A_913, %div3A : i32
      %jit3A_914 = arith.constant 32 : i32
      %eq3A = arith.constant 0 : i32
      %eq3A_915 = arith.cmpi eq, %jit3A_914, %eq3A : i32
      %jit3A_916 = arith.constant 1 : i32
      %select_n3A_917 = arith.select %eq3A_915, %jit3A_916, %jit3A_914 : i32
      %rem3A_918 = arith.remsi %scan3A_896, %select_n3A_917 : i32
      %ne3A_919 = arith.constant 0 : i32
      %ne3A_920 = arith.cmpi ne, %rem3A_918, %ne3A_919 : i32
      %lt3A = arith.constant 0 : i32
      %lt3A_921 = arith.cmpi slt, %rem3A_918, %lt3A : i32
      %lt3A_922 = arith.constant 0 : i32
      %lt3A_923 = arith.cmpi slt, %select_n3A_917, %lt3A_922 : i32
      %ne3A_924 = arith.xori %lt3A_921, %lt3A_923 : i1
      %and3A_925 = arith.andi %ne3A_924, %ne3A_920 : i1
      %add3A_926 = arith.addi %rem3A_918, %select_n3A_917 : i32
      %select_n3A_927 = arith.select %and3A_925, %add3A_926, %rem3A_918 : i32
      %mul3A_928 = arith.constant 2 : i32
      %mul3A_929 = arith.muli %select_n3A_927, %mul3A_928 : i32
      %add3A_930 = arith.constant 0 : i32
      %add3A_931 = arith.addi %mul3A_929, %add3A_930 : i32
      %mul3A_932 = arith.constant 16 : i32
      %mul3A_933 = arith.muli %add3A_931, %mul3A_932 : i32
      %get3A = arith.index_cast %select_n3A : i32 to index
      %get3A_934 = arith.index_cast %mul3A_933 : i32 to index
      %get3A_935 = tpu.vector_load %arg15[%get3A, %get3A_934] {strides = array<i32>} : memref<8x1024xf32, #tpu.memory_space<vmem>>, vector<1x16xf32>,
      %get3A_936 = vector.shape_cast %get3A_935 : vector<1x16xf32> to vector<16xf32>
      %swap3A = arith.index_cast %select_n3A : i32 to index
      %swap3A_937 = arith.index_cast %mul3A_933 : i32 to index
      %swap3A_938 = tpu.vector_load %arg7[%swap3A, %swap3A_937] {strides = array<i32>} : memref<8x1024xf32, #tpu.memory_space<vmem>>, vector<1x16xf32>,
      %swap3A_939 = vector.shape_cast %swap3A_938 : vector<1x16xf32> to vector<16xf32>
      %swap3A_940 = vector.shape_cast %get3A_936 : vector<16xf32> to vector<1x16xf32>
      tpu.vector_store %arg7[%swap3A, %swap3A_937], %swap3A_940 {add = true, strides = array<i32>} : memref<8x1024xf32, #tpu.memory_space<vmem>>, vector<1x16xf32>,
      %swap3A_941 = arith.index_cast %select_n3A : i32 to index
      %swap3A_942 = arith.index_cast %mul3A_933 : i32 to index
      %swap3A_943 = tpu.vector_load %arg8[%swap3A_941, %swap3A_942] {strides = array<i32>} : memref<8x1024xf32, #tpu.memory_space<vmem>>, vector<1x16xf32>,
      %swap3A_944 = vector.shape_cast %swap3A_943 : vector<1x16xf32> to vector<16xf32>
      %swap3A_945 = vector.shape_cast %get3A_936 : vector<16xf32> to vector<1x16xf32>
      tpu.vector_store %arg8[%swap3A_941, %swap3A_942], %swap3A_945 {add = true, strides = array<i32>} : memref<8x1024xf32, #tpu.memory_space<vmem>>, vector<1x16xf32>,
      %swap3A_946 = arith.index_cast %select_n3A : i32 to index
      %swap3A_947 = arith.index_cast %mul3A_933 : i32 to index
      %swap3A_948 = tpu.vector_load %arg9[%swap3A_946, %swap3A_947] {strides = array<i32>} : memref<8x1024xf32, #tpu.memory_space<vmem>>, vector<1x16xf32>,
      %swap3A_949 = vector.shape_cast %swap3A_948 : vector<1x16xf32> to vector<16xf32>
      %swap3A_950 = vector.shape_cast %get3A_936 : vector<16xf32> to vector<1x16xf32>
      tpu.vector_store %arg9[%swap3A_946, %swap3A_947], %swap3A_950 {add = true, strides = array<i32>} : memref<8x1024xf32, #tpu.memory_space<vmem>>, vector<1x16xf32>,
      %swap3A_951 = arith.index_cast %select_n3A : i32 to index
      %swap3A_952 = arith.index_cast %mul3A_933 : i32 to index
      %swap3A_953 = tpu.vector_load %arg10[%swap3A_951, %swap3A_952] {strides = array<i32>} : memref<8x1024xf32, #tpu.memory_space<vmem>>, vector<1x16xf32>,
      %swap3A_954 = vector.shape_cast %swap3A_953 : vector<1x16xf32> to vector<16xf32>
      %swap3A_955 = vector.shape_cast %get3A_936 : vector<16xf32> to vector<1x16xf32>
      tpu.vector_store %arg10[%swap3A_951, %swap3A_952], %swap3A_955 {add = true, strides = array<i32>} : memref<8x1024xf32, #tpu.memory_space<vmem>>, vector<1x16xf32>,
      %add3A_956 = arith.constant 1 : i32
      %add3A_957 = arith.addi %mul3A_929, %add3A_956 : i32
      %mul3A_958 = arith.constant 16 : i32
      %mul3A_959 = arith.muli %add3A_957, %mul3A_958 : i32
      %get3A_960 = arith.index_cast %select_n3A : i32 to index
      %get3A_961 = arith.index_cast %mul3A_959 : i32 to index
      %get3A_962 = tpu.vector_load %arg15[%get3A_960, %get3A_961] {strides = array<i32>} : memref<8x1024xf32, #tpu.memory_space<vmem>>, vector<1x16xf32>,
      %get3A_963 = vector.shape_cast %get3A_962 : vector<1x16xf32> to vector<16xf32>
      %swap3A_964 = arith.index_cast %select_n3A : i32 to index
      %swap3A_965 = arith.index_cast %mul3A_959 : i32 to index
      %swap3A_966 = tpu.vector_load %arg7[%swap3A_964, %swap3A_965] {strides = array<i32>} : memref<8x1024xf32, #tpu.memory_space<vmem>>, vector<1x16xf32>,
      %swap3A_967 = vector.shape_cast %swap3A_966 : vector<1x16xf32> to vector<16xf32>
      %swap3A_968 = vector.shape_cast %get3A_963 : vector<16xf32> to vector<1x16xf32>
      tpu.vector_store %arg7[%swap3A_964, %swap3A_965], %swap3A_968 {add = true, strides = array<i32>} : memref<8x1024xf32, #tpu.memory_space<vmem>>, vector<1x16xf32>,
      %swap3A_969 = arith.index_cast %select_n3A : i32 to index
      %swap3A_970 = arith.index_cast %mul3A_959 : i32 to index
      %swap3A_971 = tpu.vector_load %arg8[%swap3A_969, %swap3A_970] {strides = array<i32>} : memref<8x1024xf32, #tpu.memory_space<vmem>>, vector<1x16xf32>,
      %swap3A_972 = vector.shape_cast %swap3A_971 : vector<1x16xf32> to vector<16xf32>
      %swap3A_973 = vector.shape_cast %get3A_963 : vector<16xf32> to vector<1x16xf32>
      tpu.vector_store %arg8[%swap3A_969, %swap3A_970], %swap3A_973 {add = true, strides = array<i32>} : memref<8x1024xf32, #tpu.memory_space<vmem>>, vector<1x16xf32>,
      %swap3A_974 = arith.index_cast %select_n3A : i32 to index
      %swap3A_975 = arith.index_cast %mul3A_959 : i32 to index
      %swap3A_976 = tpu.vector_load %arg9[%swap3A_974, %swap3A_975] {strides = array<i32>} : memref<8x1024xf32, #tpu.memory_space<vmem>>, vector<1x16xf32>,
      %swap3A_977 = vector.shape_cast %swap3A_976 : vector<1x16xf32> to vector<16xf32>
      %swap3A_978 = vector.shape_cast %get3A_963 : vector<16xf32> to vector<1x16xf32>
      tpu.vector_store %arg9[%swap3A_974, %swap3A_975], %swap3A_978 {add = true, strides = array<i32>} : memref<8x1024xf32, #tpu.memory_space<vmem>>, vector<1x16xf32>,
      %swap3A_979 = arith.index_cast %select_n3A : i32 to index
      %swap3A_980 = arith.index_cast %mul3A_959 : i32 to index
      %swap3A_981 = tpu.vector_load %arg10[%swap3A_979, %swap3A_980] {strides = array<i32>} : memref<8x1024xf32, #tpu.memory_space<vmem>>, vector<1x16xf32>,
      %swap3A_982 = vector.shape_cast %swap3A_981 : vector<1x16xf32> to vector<16xf32>
      %swap3A_983 = vector.shape_cast %get3A_963 : vector<16xf32> to vector<1x16xf32>
      tpu.vector_store %arg10[%swap3A_979, %swap3A_980], %swap3A_983 {add = true, strides = array<i32>} : memref<8x1024xf32, #tpu.memory_space<vmem>>, vector<1x16xf32>,
      %scan3A_984 = arith.constant 0 : i32
      scf.yield %scan3A_984 : i32
    }
    %scan3A_138 = arith.constant 256 : i32
    %add3A_139 = arith.constant 0 : i32
    %add3A_140 = arith.addi %add3A_139, %mul3A_2 : i32
    %add3A_141 = arith.constant 0 : i32
    %add3A_142 = arith.addi %add3A_140, %add3A_141 : i32
    %dma_start3A_143 = arith.constant 0 : i32
    %dma_start3A_144 = tpu.memref_slice %arg5[%add3A_142, %dma_start3A_143] : memref<8192x1024xf32, #tpu.memory_space<hbm>> -> memref<8x1024xf32, #tpu.memory_space<hbm>>
    %dma_start3A_145 = arith.constant 0 : i32
    %dma_start3A_146 = tpu.memref_slice %arg5[%add3A_142, %dma_start3A_145] : memref<8192x1024xf32, #tpu.memory_space<hbm>> -> memref<8x1024xf32, #tpu.memory_space<hbm>>
    tpu.enqueue_dma source(%arg7 : memref<8x1024xf32, #tpu.memory_space<vmem>>) target(%dma_start3A_146 : memref<8x1024xf32, #tpu.memory_space<hbm>>) target_semaphore(%arg25 : memref<!tpu.dma_semaphore, #tpu.memory_space<semaphore_mem>>)
    %add3A_147 = arith.constant 2048 : i32
    %add3A_148 = arith.addi %add3A_147, %mul3A_2 : i32
    %add3A_149 = arith.constant 0 : i32
    %add3A_150 = arith.addi %add3A_148, %add3A_149 : i32
    %dma_start3A_151 = arith.constant 0 : i32
    %dma_start3A_152 = tpu.memref_slice %arg5[%add3A_150, %dma_start3A_151] : memref<8192x1024xf32, #tpu.memory_space<hbm>> -> memref<8x1024xf32, #tpu.memory_space<hbm>>
    %dma_start3A_153 = arith.constant 0 : i32
    %dma_start3A_154 = tpu.memref_slice %arg5[%add3A_150, %dma_start3A_153] : memref<8192x1024xf32, #tpu.memory_space<hbm>> -> memref<8x1024xf32, #tpu.memory_space<hbm>>
    tpu.enqueue_dma source(%arg8 : memref<8x1024xf32, #tpu.memory_space<vmem>>) target(%dma_start3A_154 : memref<8x1024xf32, #tpu.memory_space<hbm>>) target_semaphore(%arg26 : memref<!tpu.dma_semaphore, #tpu.memory_space<semaphore_mem>>)
    %add3A_155 = arith.constant 4096 : i32
    %add3A_156 = arith.addi %add3A_155, %mul3A_2 : i32
    %add3A_157 = arith.constant 0 : i32
    %add3A_158 = arith.addi %add3A_156, %add3A_157 : i32
    %dma_start3A_159 = arith.constant 0 : i32
    %dma_start3A_160 = tpu.memref_slice %arg5[%add3A_158, %dma_start3A_159] : memref<8192x1024xf32, #tpu.memory_space<hbm>> -> memref<8x1024xf32, #tpu.memory_space<hbm>>
    %dma_start3A_161 = arith.constant 0 : i32
    %dma_start3A_162 = tpu.memref_slice %arg5[%add3A_158, %dma_start3A_161] : memref<8192x1024xf32, #tpu.memory_space<hbm>> -> memref<8x1024xf32, #tpu.memory_space<hbm>>
    tpu.enqueue_dma source(%arg9 : memref<8x1024xf32, #tpu.memory_space<vmem>>) target(%dma_start3A_162 : memref<8x1024xf32, #tpu.memory_space<hbm>>) target_semaphore(%arg27 : memref<!tpu.dma_semaphore, #tpu.memory_space<semaphore_mem>>)
    %add3A_163 = arith.constant 6144 : i32
    %add3A_164 = arith.addi %add3A_163, %mul3A_2 : i32
    %add3A_165 = arith.constant 0 : i32
    %add3A_166 = arith.addi %add3A_164, %add3A_165 : i32
    %dma_start3A_167 = arith.constant 0 : i32
    %dma_start3A_168 = tpu.memref_slice %arg5[%add3A_166, %dma_start3A_167] : memref<8192x1024xf32, #tpu.memory_space<hbm>> -> memref<8x1024xf32, #tpu.memory_space<hbm>>
    %dma_start3A_169 = arith.constant 0 : i32
    %dma_start3A_170 = tpu.memref_slice %arg5[%add3A_166, %dma_start3A_169] : memref<8192x1024xf32, #tpu.memory_space<hbm>> -> memref<8x1024xf32, #tpu.memory_space<hbm>>
    tpu.enqueue_dma source(%arg10 : memref<8x1024xf32, #tpu.memory_space<vmem>>) target(%dma_start3A_170 : memref<8x1024xf32, #tpu.memory_space<hbm>>) target_semaphore(%arg28 : memref<!tpu.dma_semaphore, #tpu.memory_space<semaphore_mem>>)
    %add3A_171 = arith.constant 16 : i32
    %add3A_172 = arith.addi %mul3A_2, %add3A_171 : i32
    %dma_start3A_173 = arith.constant 0 : i32
    %dma_start3A_174 = tpu.memref_slice %arg4[%add3A_172, %dma_start3A_173] : memref<2048x1024xf32, #tpu.memory_space<hbm>> -> memref<8x1024xf32, #tpu.memory_space<hbm>>
    %dma_start3A_175 = arith.constant 0 : i32
    %dma_start3A_176 = tpu.memref_slice %arg4[%add3A_172, %dma_start3A_175] : memref<2048x1024xf32, #tpu.memory_space<hbm>> -> memref<8x1024xf32, #tpu.memory_space<hbm>>
    tpu.enqueue_dma source(%dma_start3A_176 : memref<8x1024xf32, #tpu.memory_space<hbm>>) target(%arg15 : memref<8x1024xf32, #tpu.memory_space<vmem>>) target_semaphore(%arg33 : memref<!tpu.dma_semaphore, #tpu.memory_space<semaphore_mem>>)
    %dma_wait3A_177 = arith.constant 0 : i32
    %dma_wait3A_178 = tpu.memref_slice %arg5[%add3A_142, %dma_wait3A_177] : memref<8192x1024xf32, #tpu.memory_space<hbm>> -> memref<8x1024xf32, #tpu.memory_space<hbm>>
    %dma_wait3A_179 = arith.constant 0 : i32
    %dma_wait3A_180 = tpu.memref_slice %arg5[%add3A_142, %dma_wait3A_179] : memref<8192x1024xf32, #tpu.memory_space<hbm>> -> memref<8x1024xf32, #tpu.memory_space<hbm>>
    tpu.wait_dma2 semaphore(%arg25 : memref<!tpu.dma_semaphore, #tpu.memory_space<semaphore_mem>>) src(%arg7 : memref<8x1024xf32, #tpu.memory_space<vmem>>) dst(%dma_wait3A_180 : memref<8x1024xf32, #tpu.memory_space<hbm>>)
    %dma_wait3A_181 = arith.constant 0 : i32
    %dma_wait3A_182 = tpu.memref_slice %arg5[%add3A_150, %dma_wait3A_181] : memref<8192x1024xf32, #tpu.memory_space<hbm>> -> memref<8x1024xf32, #tpu.memory_space<hbm>>
    %dma_wait3A_183 = arith.constant 0 : i32
    %dma_wait3A_184 = tpu.memref_slice %arg5[%add3A_150, %dma_wait3A_183] : memref<8192x1024xf32, #tpu.memory_space<hbm>> -> memref<8x1024xf32, #tpu.memory_space<hbm>>
    tpu.wait_dma2 semaphore(%arg26 : memref<!tpu.dma_semaphore, #tpu.memory_space<semaphore_mem>>) src(%arg8 : memref<8x1024xf32, #tpu.memory_space<vmem>>) dst(%dma_wait3A_184 : memref<8x1024xf32, #tpu.memory_space<hbm>>)
    %dma_wait3A_185 = arith.constant 0 : i32
    %dma_wait3A_186 = tpu.memref_slice %arg5[%add3A_158, %dma_wait3A_185] : memref<8192x1024xf32, #tpu.memory_space<hbm>> -> memref<8x1024xf32, #tpu.memory_space<hbm>>
    %dma_wait3A_187 = arith.constant 0 : i32
    %dma_wait3A_188 = tpu.memref_slice %arg5[%add3A_158, %dma_wait3A_187] : memref<8192x1024xf32, #tpu.memory_space<hbm>> -> memref<8x1024xf32, #tpu.memory_space<hbm>>
    tpu.wait_dma2 semaphore(%arg27 : memref<!tpu.dma_semaphore, #tpu.memory_space<semaphore_mem>>) src(%arg9 : memref<8x1024xf32, #tpu.memory_space<vmem>>) dst(%dma_wait3A_188 : memref<8x1024xf32, #tpu.memory_space<hbm>>)
    %dma_wait3A_189 = arith.constant 0 : i32
    %dma_wait3A_190 = tpu.memref_slice %arg5[%add3A_166, %dma_wait3A_189] : memref<8192x1024xf32, #tpu.memory_space<hbm>> -> memref<8x1024xf32, #tpu.memory_space<hbm>>
    %dma_wait3A_191 = arith.constant 0 : i32
    %dma_wait3A_192 = tpu.memref_slice %arg5[%add3A_166, %dma_wait3A_191] : memref<8192x1024xf32, #tpu.memory_space<hbm>> -> memref<8x1024xf32, #tpu.memory_space<hbm>>
    tpu.wait_dma2 semaphore(%arg28 : memref<!tpu.dma_semaphore, #tpu.memory_space<semaphore_mem>>) src(%arg10 : memref<8x1024xf32, #tpu.memory_space<vmem>>) dst(%dma_wait3A_192 : memref<8x1024xf32, #tpu.memory_space<hbm>>)
    %dma_start3A_193 = arith.constant 16 : i32
    %dma_start3A_194 = tpu.memref_slice %arg6[%dma_start3A_193] : memref<256xi32, #tpu.memory_space<vmem>> -> memref<8xi32, #tpu.memory_space<vmem>>
    %dma_start3A_195 = arith.constant 0 : i32
    %dma_start3A_196 = arith.constant 0 : i32
    %dma_start3A_197 = tpu.memref_slice %arg3[%dma_start3A_195, %dma_start3A_196] : memref<100000x1024xf32, #tpu.memory_space<hbm>> -> memref<100000x1024xf32, #tpu.memory_space<hbm>>
    tpu.enqueue_indirect_dma source(%dma_start3A_197 : memref<100000x1024xf32, #tpu.memory_space<hbm>>) target(%arg7 : memref<8x1024xf32, #tpu.memory_space<vmem>>) offsets(%dma_start3A_194 : memref<8xi32, #tpu.memory_space<vmem>>) semaphore(%arg17 : memref<!tpu.dma_semaphore, #tpu.memory_space<semaphore_mem>>)
    %dma_start3A_198 = arith.constant 80 : i32
    %dma_start3A_199 = tpu.memref_slice %arg6[%dma_start3A_198] : memref<256xi32, #tpu.memory_space<vmem>> -> memref<8xi32, #tpu.memory_space<vmem>>
    %dma_start3A_200 = arith.constant 0 : i32
    %dma_start3A_201 = arith.constant 0 : i32
    %dma_start3A_202 = tpu.memref_slice %arg3[%dma_start3A_200, %dma_start3A_201] : memref<100000x1024xf32, #tpu.memory_space<hbm>> -> memref<100000x1024xf32, #tpu.memory_space<hbm>>
    tpu.enqueue_indirect_dma source(%dma_start3A_202 : memref<100000x1024xf32, #tpu.memory_space<hbm>>) target(%arg8 : memref<8x1024xf32, #tpu.memory_space<vmem>>) offsets(%dma_start3A_199 : memref<8xi32, #tpu.memory_space<vmem>>) semaphore(%arg18 : memref<!tpu.dma_semaphore, #tpu.memory_space<semaphore_mem>>)
    %dma_start3A_203 = arith.constant 144 : i32
    %dma_start3A_204 = tpu.memref_slice %arg6[%dma_start3A_203] : memref<256xi32, #tpu.memory_space<vmem>> -> memref<8xi32, #tpu.memory_space<vmem>>
    %dma_start3A_205 = arith.constant 0 : i32
    %dma_start3A_206 = arith.constant 0 : i32
    %dma_start3A_207 = tpu.memref_slice %arg3[%dma_start3A_205, %dma_start3A_206] : memref<100000x1024xf32, #tpu.memory_space<hbm>> -> memref<100000x1024xf32, #tpu.memory_space<hbm>>
    tpu.enqueue_indirect_dma source(%dma_start3A_207 : memref<100000x1024xf32, #tpu.memory_space<hbm>>) target(%arg9 : memref<8x1024xf32, #tpu.memory_space<vmem>>) offsets(%dma_start3A_204 : memref<8xi32, #tpu.memory_space<vmem>>) semaphore(%arg19 : memref<!tpu.dma_semaphore, #tpu.memory_space<semaphore_mem>>)
    %dma_start3A_208 = arith.constant 208 : i32
    %dma_start3A_209 = tpu.memref_slice %arg6[%dma_start3A_208] : memref<256xi32, #tpu.memory_space<vmem>> -> memref<8xi32, #tpu.memory_space<vmem>>
    %dma_start3A_210 = arith.constant 0 : i32
    %dma_start3A_211 = arith.constant 0 : i32
    %dma_start3A_212 = tpu.memref_slice %arg3[%dma_start3A_210, %dma_start3A_211] : memref<100000x1024xf32, #tpu.memory_space<hbm>> -> memref<100000x1024xf32, #tpu.memory_space<hbm>>
    tpu.enqueue_indirect_dma source(%dma_start3A_212 : memref<100000x1024xf32, #tpu.memory_space<hbm>>) target(%arg10 : memref<8x1024xf32, #tpu.memory_space<vmem>>) offsets(%dma_start3A_209 : memref<8xi32, #tpu.memory_space<vmem>>) semaphore(%arg20 : memref<!tpu.dma_semaphore, #tpu.memory_space<semaphore_mem>>)
    %dma_wait3A_213 = arith.constant 0 : i32
    %dma_wait3A_214 = tpu.memref_slice %arg4[%add3A_84, %dma_wait3A_213] : memref<2048x1024xf32, #tpu.memory_space<hbm>> -> memref<8x1024xf32, #tpu.memory_space<hbm>>
    %dma_wait3A_215 = arith.constant 0 : i32
    %dma_wait3A_216 = tpu.memref_slice %arg4[%add3A_84, %dma_wait3A_215] : memref<2048x1024xf32, #tpu.memory_space<hbm>> -> memref<8x1024xf32, #tpu.memory_space<hbm>>
    tpu.wait_dma2 semaphore(%arg34 : memref<!tpu.dma_semaphore, #tpu.memory_space<semaphore_mem>>) src(%dma_wait3A_216 : memref<8x1024xf32, #tpu.memory_space<hbm>>) dst(%arg16 : memref<8x1024xf32, #tpu.memory_space<vmem>>)
    %dma_wait3A_217 = arith.constant 8 : i32
    %dma_wait3A_218 = tpu.memref_slice %arg6[%dma_wait3A_217] : memref<256xi32, #tpu.memory_space<vmem>> -> memref<8xi32, #tpu.memory_space<vmem>>
    %dma_wait3A_219 = arith.constant 0 : i32
    %dma_wait3A_220 = arith.constant 0 : i32
    %dma_wait3A_221 = tpu.memref_slice %arg3[%dma_wait3A_219, %dma_wait3A_220] : memref<100000x1024xf32, #tpu.memory_space<hbm>> -> memref<100000x1024xf32, #tpu.memory_space<hbm>>
    tpu.wait_indirect_dma semaphore(%arg21 : memref<!tpu.dma_semaphore, #tpu.memory_space<semaphore_mem>>) src(%dma_wait3A_221 : memref<100000x1024xf32, #tpu.memory_space<hbm>>) dst(%arg11 : memref<8x1024xf32, #tpu.memory_space<vmem>>)
    %dma_wait3A_222 = arith.constant 72 : i32
    %dma_wait3A_223 = tpu.memref_slice %arg6[%dma_wait3A_222] : memref<256xi32, #tpu.memory_space<vmem>> -> memref<8xi32, #tpu.memory_space<vmem>>
    %dma_wait3A_224 = arith.constant 0 : i32
    %dma_wait3A_225 = arith.constant 0 : i32
    %dma_wait3A_226 = tpu.memref_slice %arg3[%dma_wait3A_224, %dma_wait3A_225] : memref<100000x1024xf32, #tpu.memory_space<hbm>> -> memref<100000x1024xf32, #tpu.memory_space<hbm>>
    tpu.wait_indirect_dma semaphore(%arg22 : memref<!tpu.dma_semaphore, #tpu.memory_space<semaphore_mem>>) src(%dma_wait3A_226 : memref<100000x1024xf32, #tpu.memory_space<hbm>>) dst(%arg12 : memref<8x1024xf32, #tpu.memory_space<vmem>>)
    %dma_wait3A_227 = arith.constant 136 : i32
    %dma_wait3A_228 = tpu.memref_slice %arg6[%dma_wait3A_227] : memref<256xi32, #tpu.memory_space<vmem>> -> memref<8xi32, #tpu.memory_space<vmem>>
    %dma_wait3A_229 = arith.constant 0 : i32
    %dma_wait3A_230 = arith.constant 0 : i32
    %dma_wait3A_231 = tpu.memref_slice %arg3[%dma_wait3A_229, %dma_wait3A_230] : memref<100000x1024xf32, #tpu.memory_space<hbm>> -> memref<100000x1024xf32, #tpu.memory_space<hbm>>
    tpu.wait_indirect_dma semaphore(%arg23 : memref<!tpu.dma_semaphore, #tpu.memory_space<semaphore_mem>>) src(%dma_wait3A_231 : memref<100000x1024xf32, #tpu.memory_space<hbm>>) dst(%arg13 : memref<8x1024xf32, #tpu.memory_space<vmem>>)
    %dma_wait3A_232 = arith.constant 200 : i32
    %dma_wait3A_233 = tpu.memref_slice %arg6[%dma_wait3A_232] : memref<256xi32, #tpu.memory_space<vmem>> -> memref<8xi32, #tpu.memory_space<vmem>>
    %dma_wait3A_234 = arith.constant 0 : i32
    %dma_wait3A_235 = arith.constant 0 : i32
    %dma_wait3A_236 = tpu.memref_slice %arg3[%dma_wait3A_234, %dma_wait3A_235] : memref<100000x1024xf32, #tpu.memory_space<hbm>> -> memref<100000x1024xf32, #tpu.memory_space<hbm>>
    tpu.wait_indirect_dma semaphore(%arg24 : memref<!tpu.dma_semaphore, #tpu.memory_space<semaphore_mem>>) src(%dma_wait3A_236 : memref<100000x1024xf32, #tpu.memory_space<hbm>>) dst(%arg14 : memref<8x1024xf32, #tpu.memory_space<vmem>>)
    %scan3A_237 = arith.constant 0 : i32
    %scan3A_238 = arith.constant 0 : i32
    %scan3A_239 = arith.constant 256 : i32
    %scan3A_240 = arith.addi %scan3A_238, %scan3A_239 : i32
    %scan3A_241 = arith.constant 1 : i32
    %scan3A_242 = scf.for %scan3A_896 = %scan3A_238 to %scan3A_240 step %scan3A_241 iter_args(%scan3A_897 = %scan3A_237) -> (i32)  : i32 {
      %jit3A = arith.constant 32 : i32
      %div3A = arith.divsi %scan3A_896, %jit3A : i32
      %sign3A = arith.constant 0 : i32
      %sign3A_898 = arith.cmpi sgt, %scan3A_896, %sign3A : i32
      %sign3A_899 = arith.extui %sign3A_898 : i1 to i32
      %sign3A_900 = arith.constant 0 : i32
      %sign3A_901 = arith.cmpi slt, %scan3A_896, %sign3A_900 : i32
      %sign3A_902 = arith.extui %sign3A_901 : i1 to i32
      %sign3A_903 = arith.subi %sign3A_899, %sign3A_902 : i32
      %sign3A_904 = arith.constant 0 : i32
      %sign3A_905 = arith.cmpi sgt, %jit3A, %sign3A_904 : i32
      %sign3A_906 = arith.extui %sign3A_905 : i1 to i32
      %sign3A_907 = arith.constant 0 : i32
      %sign3A_908 = arith.cmpi slt, %jit3A, %sign3A_907 : i32
      %sign3A_909 = arith.extui %sign3A_908 : i1 to i32
      %sign3A_910 = arith.subi %sign3A_906, %sign3A_909 : i32
      %ne3A = arith.cmpi ne, %sign3A_903, %sign3A_910 : i32
      %rem3A = arith.remsi %scan3A_896, %jit3A : i32
      %ne3A_911 = arith.constant 0 : i32
      %ne3A_912 = arith.cmpi ne, %rem3A, %ne3A_911 : i32
      %and3A = arith.andi %ne3A, %ne3A_912 : i1
      %sub3A = arith.constant 1 : i32
      %sub3A_913 = arith.subi %div3A, %sub3A : i32
      %select_n3A = arith.select %and3A, %sub3A_913, %div3A : i32
      %jit3A_914 = arith.constant 32 : i32
      %eq3A = arith.constant 0 : i32
      %eq3A_915 = arith.cmpi eq, %jit3A_914, %eq3A : i32
      %jit3A_916 = arith.constant 1 : i32
      %select_n3A_917 = arith.select %eq3A_915, %jit3A_916, %jit3A_914 : i32
      %rem3A_918 = arith.remsi %scan3A_896, %select_n3A_917 : i32
      %ne3A_919 = arith.constant 0 : i32
      %ne3A_920 = arith.cmpi ne, %rem3A_918, %ne3A_919 : i32
      %lt3A = arith.constant 0 : i32
      %lt3A_921 = arith.cmpi slt, %rem3A_918, %lt3A : i32
      %lt3A_922 = arith.constant 0 : i32
      %lt3A_923 = arith.cmpi slt, %select_n3A_917, %lt3A_922 : i32
      %ne3A_924 = arith.xori %lt3A_921, %lt3A_923 : i1
      %and3A_925 = arith.andi %ne3A_924, %ne3A_920 : i1
      %add3A_926 = arith.addi %rem3A_918, %select_n3A_917 : i32
      %select_n3A_927 = arith.select %and3A_925, %add3A_926, %rem3A_918 : i32
      %mul3A_928 = arith.constant 2 : i32
      %mul3A_929 = arith.muli %select_n3A_927, %mul3A_928 : i32
      %add3A_930 = arith.constant 0 : i32
      %add3A_931 = arith.addi %mul3A_929, %add3A_930 : i32
      %mul3A_932 = arith.constant 16 : i32
      %mul3A_933 = arith.muli %add3A_931, %mul3A_932 : i32
      %get3A = arith.index_cast %select_n3A : i32 to index
      %get3A_934 = arith.index_cast %mul3A_933 : i32 to index
      %get3A_935 = tpu.vector_load %arg16[%get3A, %get3A_934] {strides = array<i32>} : memref<8x1024xf32, #tpu.memory_space<vmem>>, vector<1x16xf32>,
      %get3A_936 = vector.shape_cast %get3A_935 : vector<1x16xf32> to vector<16xf32>
      %swap3A = arith.index_cast %select_n3A : i32 to index
      %swap3A_937 = arith.index_cast %mul3A_933 : i32 to index
      %swap3A_938 = tpu.vector_load %arg11[%swap3A, %swap3A_937] {strides = array<i32>} : memref<8x1024xf32, #tpu.memory_space<vmem>>, vector<1x16xf32>,
      %swap3A_939 = vector.shape_cast %swap3A_938 : vector<1x16xf32> to vector<16xf32>
      %swap3A_940 = vector.shape_cast %get3A_936 : vector<16xf32> to vector<1x16xf32>
      tpu.vector_store %arg11[%swap3A, %swap3A_937], %swap3A_940 {add = true, strides = array<i32>} : memref<8x1024xf32, #tpu.memory_space<vmem>>, vector<1x16xf32>,
      %swap3A_941 = arith.index_cast %select_n3A : i32 to index
      %swap3A_942 = arith.index_cast %mul3A_933 : i32 to index
      %swap3A_943 = tpu.vector_load %arg12[%swap3A_941, %swap3A_942] {strides = array<i32>} : memref<8x1024xf32, #tpu.memory_space<vmem>>, vector<1x16xf32>,
      %swap3A_944 = vector.shape_cast %swap3A_943 : vector<1x16xf32> to vector<16xf32>
      %swap3A_945 = vector.shape_cast %get3A_936 : vector<16xf32> to vector<1x16xf32>
      tpu.vector_store %arg12[%swap3A_941, %swap3A_942], %swap3A_945 {add = true, strides = array<i32>} : memref<8x1024xf32, #tpu.memory_space<vmem>>, vector<1x16xf32>,
      %swap3A_946 = arith.index_cast %select_n3A : i32 to index
      %swap3A_947 = arith.index_cast %mul3A_933 : i32 to index
      %swap3A_948 = tpu.vector_load %arg13[%swap3A_946, %swap3A_947] {strides = array<i32>} : memref<8x1024xf32, #tpu.memory_space<vmem>>, vector<1x16xf32>,
      %swap3A_949 = vector.shape_cast %swap3A_948 : vector<1x16xf32> to vector<16xf32>
      %swap3A_950 = vector.shape_cast %get3A_936 : vector<16xf32> to vector<1x16xf32>
      tpu.vector_store %arg13[%swap3A_946, %swap3A_947], %swap3A_950 {add = true, strides = array<i32>} : memref<8x1024xf32, #tpu.memory_space<vmem>>, vector<1x16xf32>,
      %swap3A_951 = arith.index_cast %select_n3A : i32 to index
      %swap3A_952 = arith.index_cast %mul3A_933 : i32 to index
      %swap3A_953 = tpu.vector_load %arg14[%swap3A_951, %swap3A_952] {strides = array<i32>} : memref<8x1024xf32, #tpu.memory_space<vmem>>, vector<1x16xf32>,
      %swap3A_954 = vector.shape_cast %swap3A_953 : vector<1x16xf32> to vector<16xf32>
      %swap3A_955 = vector.shape_cast %get3A_936 : vector<16xf32> to vector<1x16xf32>
      tpu.vector_store %arg14[%swap3A_951, %swap3A_952], %swap3A_955 {add = true, strides = array<i32>} : memref<8x1024xf32, #tpu.memory_space<vmem>>, vector<1x16xf32>,
      %add3A_956 = arith.constant 1 : i32
      %add3A_957 = arith.addi %mul3A_929, %add3A_956 : i32
      %mul3A_958 = arith.constant 16 : i32
      %mul3A_959 = arith.muli %add3A_957, %mul3A_958 : i32
      %get3A_960 = arith.index_cast %select_n3A : i32 to index
      %get3A_961 = arith.index_cast %mul3A_959 : i32 to index
      %get3A_962 = tpu.vector_load %arg16[%get3A_960, %get3A_961] {strides = array<i32>} : memref<8x1024xf32, #tpu.memory_space<vmem>>, vector<1x16xf32>,
      %get3A_963 = vector.shape_cast %get3A_962 : vector<1x16xf32> to vector<16xf32>
      %swap3A_964 = arith.index_cast %select_n3A : i32 to index
      %swap3A_965 = arith.index_cast %mul3A_959 : i32 to index
      %swap3A_966 = tpu.vector_load %arg11[%swap3A_964, %swap3A_965] {strides = array<i32>} : memref<8x1024xf32, #tpu.memory_space<vmem>>, vector<1x16xf32>,
      %swap3A_967 = vector.shape_cast %swap3A_966 : vector<1x16xf32> to vector<16xf32>
      %swap3A_968 = vector.shape_cast %get3A_963 : vector<16xf32> to vector<1x16xf32>
      tpu.vector_store %arg11[%swap3A_964, %swap3A_965], %swap3A_968 {add = true, strides = array<i32>} : memref<8x1024xf32, #tpu.memory_space<vmem>>, vector<1x16xf32>,
      %swap3A_969 = arith.index_cast %select_n3A : i32 to index
      %swap3A_970 = arith.index_cast %mul3A_959 : i32 to index
      %swap3A_971 = tpu.vector_load %arg12[%swap3A_969, %swap3A_970] {strides = array<i32>} : memref<8x1024xf32, #tpu.memory_space<vmem>>, vector<1x16xf32>,
      %swap3A_972 = vector.shape_cast %swap3A_971 : vector<1x16xf32> to vector<16xf32>
      %swap3A_973 = vector.shape_cast %get3A_963 : vector<16xf32> to vector<1x16xf32>
      tpu.vector_store %arg12[%swap3A_969, %swap3A_970], %swap3A_973 {add = true, strides = array<i32>} : memref<8x1024xf32, #tpu.memory_space<vmem>>, vector<1x16xf32>,
      %swap3A_974 = arith.index_cast %select_n3A : i32 to index
      %swap3A_975 = arith.index_cast %mul3A_959 : i32 to index
      %swap3A_976 = tpu.vector_load %arg13[%swap3A_974, %swap3A_975] {strides = array<i32>} : memref<8x1024xf32, #tpu.memory_space<vmem>>, vector<1x16xf32>,
      %swap3A_977 = vector.shape_cast %swap3A_976 : vector<1x16xf32> to vector<16xf32>
      %swap3A_978 = vector.shape_cast %get3A_963 : vector<16xf32> to vector<1x16xf32>
      tpu.vector_store %arg13[%swap3A_974, %swap3A_975], %swap3A_978 {add = true, strides = array<i32>} : memref<8x1024xf32, #tpu.memory_space<vmem>>, vector<1x16xf32>,
      %swap3A_979 = arith.index_cast %select_n3A : i32 to index
      %swap3A_980 = arith.index_cast %mul3A_959 : i32 to index
      %swap3A_981 = tpu.vector_load %arg14[%swap3A_979, %swap3A_980] {strides = array<i32>} : memref<8x1024xf32, #tpu.memory_space<vmem>>, vector<1x16xf32>,
      %swap3A_982 = vector.shape_cast %swap3A_981 : vector<1x16xf32> to vector<16xf32>
      %swap3A_983 = vector.shape_cast %get3A_963 : vector<16xf32> to vector<1x16xf32>
      tpu.vector_store %arg14[%swap3A_979, %swap3A_980], %swap3A_983 {add = true, strides = array<i32>} : memref<8x1024xf32, #tpu.memory_space<vmem>>, vector<1x16xf32>,
      %scan3A_984 = arith.constant 0 : i32
      scf.yield %scan3A_984 : i32
    }
    %scan3A_243 = arith.constant 256 : i32
    %add3A_244 = arith.constant 0 : i32
    %add3A_245 = arith.addi %add3A_244, %mul3A_2 : i32
    %add3A_246 = arith.constant 8 : i32
    %add3A_247 = arith.addi %add3A_245, %add3A_246 : i32
    %dma_start3A_248 = arith.constant 0 : i32
    %dma_start3A_249 = tpu.memref_slice %arg5[%add3A_247, %dma_start3A_248] : memref<8192x1024xf32, #tpu.memory_space<hbm>> -> memref<8x1024xf32, #tpu.memory_space<hbm>>
    %dma_start3A_250 = arith.constant 0 : i32
    %dma_start3A_251 = tpu.memref_slice %arg5[%add3A_247, %dma_start3A_250] : memref<8192x1024xf32, #tpu.memory_space<hbm>> -> memref<8x1024xf32, #tpu.memory_space<hbm>>
    tpu.enqueue_dma source(%arg11 : memref<8x1024xf32, #tpu.memory_space<vmem>>) target(%dma_start3A_251 : memref<8x1024xf32, #tpu.memory_space<hbm>>) target_semaphore(%arg29 : memref<!tpu.dma_semaphore, #tpu.memory_space<semaphore_mem>>)
    %add3A_252 = arith.constant 2048 : i32
    %add3A_253 = arith.addi %add3A_252, %mul3A_2 : i32
    %add3A_254 = arith.constant 8 : i32
    %add3A_255 = arith.addi %add3A_253, %add3A_254 : i32
    %dma_start3A_256 = arith.constant 0 : i32
    %dma_start3A_257 = tpu.memref_slice %arg5[%add3A_255, %dma_start3A_256] : memref<8192x1024xf32, #tpu.memory_space<hbm>> -> memref<8x1024xf32, #tpu.memory_space<hbm>>
    %dma_start3A_258 = arith.constant 0 : i32
    %dma_start3A_259 = tpu.memref_slice %arg5[%add3A_255, %dma_start3A_258] : memref<8192x1024xf32, #tpu.memory_space<hbm>> -> memref<8x1024xf32, #tpu.memory_space<hbm>>
    tpu.enqueue_dma source(%arg12 : memref<8x1024xf32, #tpu.memory_space<vmem>>) target(%dma_start3A_259 : memref<8x1024xf32, #tpu.memory_space<hbm>>) target_semaphore(%arg30 : memref<!tpu.dma_semaphore, #tpu.memory_space<semaphore_mem>>)
    %add3A_260 = arith.constant 4096 : i32
    %add3A_261 = arith.addi %add3A_260, %mul3A_2 : i32
    %add3A_262 = arith.constant 8 : i32
    %add3A_263 = arith.addi %add3A_261, %add3A_262 : i32
    %dma_start3A_264 = arith.constant 0 : i32
    %dma_start3A_265 = tpu.memref_slice %arg5[%add3A_263, %dma_start3A_264] : memref<8192x1024xf32, #tpu.memory_space<hbm>> -> memref<8x1024xf32, #tpu.memory_space<hbm>>
    %dma_start3A_266 = arith.constant 0 : i32
    %dma_start3A_267 = tpu.memref_slice %arg5[%add3A_263, %dma_start3A_266] : memref<8192x1024xf32, #tpu.memory_space<hbm>> -> memref<8x1024xf32, #tpu.memory_space<hbm>>
    tpu.enqueue_dma source(%arg13 : memref<8x1024xf32, #tpu.memory_space<vmem>>) target(%dma_start3A_267 : memref<8x1024xf32, #tpu.memory_space<hbm>>) target_semaphore(%arg31 : memref<!tpu.dma_semaphore, #tpu.memory_space<semaphore_mem>>)
    %add3A_268 = arith.constant 6144 : i32
    %add3A_269 = arith.addi %add3A_268, %mul3A_2 : i32
    %add3A_270 = arith.constant 8 : i32
    %add3A_271 = arith.addi %add3A_269, %add3A_270 : i32
    %dma_start3A_272 = arith.constant 0 : i32
    %dma_start3A_273 = tpu.memref_slice %arg5[%add3A_271, %dma_start3A_272] : memref<8192x1024xf32, #tpu.memory_space<hbm>> -> memref<8x1024xf32, #tpu.memory_space<hbm>>
    %dma_start3A_274 = arith.constant 0 : i32
    %dma_start3A_275 = tpu.memref_slice %arg5[%add3A_271, %dma_start3A_274] : memref<8192x1024xf32, #tpu.memory_space<hbm>> -> memref<8x1024xf32, #tpu.memory_space<hbm>>
    tpu.enqueue_dma source(%arg14 : memref<8x1024xf32, #tpu.memory_space<vmem>>) target(%dma_start3A_275 : memref<8x1024xf32, #tpu.memory_space<hbm>>) target_semaphore(%arg32 : memref<!tpu.dma_semaphore, #tpu.memory_space<semaphore_mem>>)
    %add3A_276 = arith.constant 24 : i32
    %add3A_277 = arith.addi %mul3A_2, %add3A_276 : i32
    %dma_start3A_278 = arith.constant 0 : i32
    %dma_start3A_279 = tpu.memref_slice %arg4[%add3A_277, %dma_start3A_278] : memref<2048x1024xf32, #tpu.memory_space<hbm>> -> memref<8x1024xf32, #tpu.memory_space<hbm>>
    %dma_start3A_280 = arith.constant 0 : i32
    %dma_start3A_281 = tpu.memref_slice %arg4[%add3A_277, %dma_start3A_280] : memref<2048x1024xf32, #tpu.memory_space<hbm>> -> memref<8x1024xf32, #tpu.memory_space<hbm>>
    tpu.enqueue_dma source(%dma_start3A_281 : memref<8x1024xf32, #tpu.memory_space<hbm>>) target(%arg16 : memref<8x1024xf32, #tpu.memory_space<vmem>>) target_semaphore(%arg34 : memref<!tpu.dma_semaphore, #tpu.memory_space<semaphore_mem>>)
    %dma_wait3A_282 = arith.constant 0 : i32
    %dma_wait3A_283 = tpu.memref_slice %arg5[%add3A_247, %dma_wait3A_282] : memref<8192x1024xf32, #tpu.memory_space<hbm>> -> memref<8x1024xf32, #tpu.memory_space<hbm>>
    %dma_wait3A_284 = arith.constant 0 : i32
    %dma_wait3A_285 = tpu.memref_slice %arg5[%add3A_247, %dma_wait3A_284] : memref<8192x1024xf32, #tpu.memory_space<hbm>> -> memref<8x1024xf32, #tpu.memory_space<hbm>>
    tpu.wait_dma2 semaphore(%arg29 : memref<!tpu.dma_semaphore, #tpu.memory_space<semaphore_mem>>) src(%arg11 : memref<8x1024xf32, #tpu.memory_space<vmem>>) dst(%dma_wait3A_285 : memref<8x1024xf32, #tpu.memory_space<hbm>>)
    %dma_wait3A_286 = arith.constant 0 : i32
    %dma_wait3A_287 = tpu.memref_slice %arg5[%add3A_255, %dma_wait3A_286] : memref<8192x1024xf32, #tpu.memory_space<hbm>> -> memref<8x1024xf32, #tpu.memory_space<hbm>>
    %dma_wait3A_288 = arith.constant 0 : i32
    %dma_wait3A_289 = tpu.memref_slice %arg5[%add3A_255, %dma_wait3A_288] : memref<8192x1024xf32, #tpu.memory_space<hbm>> -> memref<8x1024xf32, #tpu.memory_space<hbm>>
    tpu.wait_dma2 semaphore(%arg30 : memref<!tpu.dma_semaphore, #tpu.memory_space<semaphore_mem>>) src(%arg12 : memref<8x1024xf32, #tpu.memory_space<vmem>>) dst(%dma_wait3A_289 : memref<8x1024xf32, #tpu.memory_space<hbm>>)
    %dma_wait3A_290 = arith.constant 0 : i32
    %dma_wait3A_291 = tpu.memref_slice %arg5[%add3A_263, %dma_wait3A_290] : memref<8192x1024xf32, #tpu.memory_space<hbm>> -> memref<8x1024xf32, #tpu.memory_space<hbm>>
    %dma_wait3A_292 = arith.constant 0 : i32
    %dma_wait3A_293 = tpu.memref_slice %arg5[%add3A_263, %dma_wait3A_292] : memref<8192x1024xf32, #tpu.memory_space<hbm>> -> memref<8x1024xf32, #tpu.memory_space<hbm>>
    tpu.wait_dma2 semaphore(%arg31 : memref<!tpu.dma_semaphore, #tpu.memory_space<semaphore_mem>>) src(%arg13 : memref<8x1024xf32, #tpu.memory_space<vmem>>) dst(%dma_wait3A_293 : memref<8x1024xf32, #tpu.memory_space<hbm>>)
    %dma_wait3A_294 = arith.constant 0 : i32
    %dma_wait3A_295 = tpu.memref_slice %arg5[%add3A_271, %dma_wait3A_294] : memref<8192x1024xf32, #tpu.memory_space<hbm>> -> memref<8x1024xf32, #tpu.memory_space<hbm>>
    %dma_wait3A_296 = arith.constant 0 : i32
    %dma_wait3A_297 = tpu.memref_slice %arg5[%add3A_271, %dma_wait3A_296] : memref<8192x1024xf32, #tpu.memory_space<hbm>> -> memref<8x1024xf32, #tpu.memory_space<hbm>>
    tpu.wait_dma2 semaphore(%arg32 : memref<!tpu.dma_semaphore, #tpu.memory_space<semaphore_mem>>) src(%arg14 : memref<8x1024xf32, #tpu.memory_space<vmem>>) dst(%dma_wait3A_297 : memref<8x1024xf32, #tpu.memory_space<hbm>>)
    %dma_start3A_298 = arith.constant 24 : i32
    %dma_start3A_299 = tpu.memref_slice %arg6[%dma_start3A_298] : memref<256xi32, #tpu.memory_space<vmem>> -> memref<8xi32, #tpu.memory_space<vmem>>
    %dma_start3A_300 = arith.constant 0 : i32
    %dma_start3A_301 = arith.constant 0 : i32
    %dma_start3A_302 = tpu.memref_slice %arg3[%dma_start3A_300, %dma_start3A_301] : memref<100000x1024xf32, #tpu.memory_space<hbm>> -> memref<100000x1024xf32, #tpu.memory_space<hbm>>
    tpu.enqueue_indirect_dma source(%dma_start3A_302 : memref<100000x1024xf32, #tpu.memory_space<hbm>>) target(%arg11 : memref<8x1024xf32, #tpu.memory_space<vmem>>) offsets(%dma_start3A_299 : memref<8xi32, #tpu.memory_space<vmem>>) semaphore(%arg21 : memref<!tpu.dma_semaphore, #tpu.memory_space<semaphore_mem>>)
    %dma_start3A_303 = arith.constant 88 : i32
    %dma_start3A_304 = tpu.memref_slice %arg6[%dma_start3A_303] : memref<256xi32, #tpu.memory_space<vmem>> -> memref<8xi32, #tpu.memory_space<vmem>>
    %dma_start3A_305 = arith.constant 0 : i32
    %dma_start3A_306 = arith.constant 0 : i32
    %dma_start3A_307 = tpu.memref_slice %arg3[%dma_start3A_305, %dma_start3A_306] : memref<100000x1024xf32, #tpu.memory_space<hbm>> -> memref<100000x1024xf32, #tpu.memory_space<hbm>>
    tpu.enqueue_indirect_dma source(%dma_start3A_307 : memref<100000x1024xf32, #tpu.memory_space<hbm>>) target(%arg12 : memref<8x1024xf32, #tpu.memory_space<vmem>>) offsets(%dma_start3A_304 : memref<8xi32, #tpu.memory_space<vmem>>) semaphore(%arg22 : memref<!tpu.dma_semaphore, #tpu.memory_space<semaphore_mem>>)
    %dma_start3A_308 = arith.constant 152 : i32
    %dma_start3A_309 = tpu.memref_slice %arg6[%dma_start3A_308] : memref<256xi32, #tpu.memory_space<vmem>> -> memref<8xi32, #tpu.memory_space<vmem>>
    %dma_start3A_310 = arith.constant 0 : i32
    %dma_start3A_311 = arith.constant 0 : i32
    %dma_start3A_312 = tpu.memref_slice %arg3[%dma_start3A_310, %dma_start3A_311] : memref<100000x1024xf32, #tpu.memory_space<hbm>> -> memref<100000x1024xf32, #tpu.memory_space<hbm>>
    tpu.enqueue_indirect_dma source(%dma_start3A_312 : memref<100000x1024xf32, #tpu.memory_space<hbm>>) target(%arg13 : memref<8x1024xf32, #tpu.memory_space<vmem>>) offsets(%dma_start3A_309 : memref<8xi32, #tpu.memory_space<vmem>>) semaphore(%arg23 : memref<!tpu.dma_semaphore, #tpu.memory_space<semaphore_mem>>)
    %dma_start3A_313 = arith.constant 216 : i32
    %dma_start3A_314 = tpu.memref_slice %arg6[%dma_start3A_313] : memref<256xi32, #tpu.memory_space<vmem>> -> memref<8xi32, #tpu.memory_space<vmem>>
    %dma_start3A_315 = arith.constant 0 : i32
    %dma_start3A_316 = arith.constant 0 : i32
    %dma_start3A_317 = tpu.memref_slice %arg3[%dma_start3A_315, %dma_start3A_316] : memref<100000x1024xf32, #tpu.memory_space<hbm>> -> memref<100000x1024xf32, #tpu.memory_space<hbm>>
    tpu.enqueue_indirect_dma source(%dma_start3A_317 : memref<100000x1024xf32, #tpu.memory_space<hbm>>) target(%arg14 : memref<8x1024xf32, #tpu.memory_space<vmem>>) offsets(%dma_start3A_314 : memref<8xi32, #tpu.memory_space<vmem>>) semaphore(%arg24 : memref<!tpu.dma_semaphore, #tpu.memory_space<semaphore_mem>>)
    %dma_wait3A_318 = arith.constant 0 : i32
    %dma_wait3A_319 = tpu.memref_slice %arg4[%add3A_172, %dma_wait3A_318] : memref<2048x1024xf32, #tpu.memory_space<hbm>> -> memref<8x1024xf32, #tpu.memory_space<hbm>>
    %dma_wait3A_320 = arith.constant 0 : i32
    %dma_wait3A_321 = tpu.memref_slice %arg4[%add3A_172, %dma_wait3A_320] : memref<2048x1024xf32, #tpu.memory_space<hbm>> -> memref<8x1024xf32, #tpu.memory_space<hbm>>
    tpu.wait_dma2 semaphore(%arg33 : memref<!tpu.dma_semaphore, #tpu.memory_space<semaphore_mem>>) src(%dma_wait3A_321 : memref<8x1024xf32, #tpu.memory_space<hbm>>) dst(%arg15 : memref<8x1024xf32, #tpu.memory_space<vmem>>)
    %dma_wait3A_322 = arith.constant 16 : i32
    %dma_wait3A_323 = tpu.memref_slice %arg6[%dma_wait3A_322] : memref<256xi32, #tpu.memory_space<vmem>> -> memref<8xi32, #tpu.memory_space<vmem>>
    %dma_wait3A_324 = arith.constant 0 : i32
    %dma_wait3A_325 = arith.constant 0 : i32
    %dma_wait3A_326 = tpu.memref_slice %arg3[%dma_wait3A_324, %dma_wait3A_325] : memref<100000x1024xf32, #tpu.memory_space<hbm>> -> memref<100000x1024xf32, #tpu.memory_space<hbm>>
    tpu.wait_indirect_dma semaphore(%arg17 : memref<!tpu.dma_semaphore, #tpu.memory_space<semaphore_mem>>) src(%dma_wait3A_326 : memref<100000x1024xf32, #tpu.memory_space<hbm>>) dst(%arg7 : memref<8x1024xf32, #tpu.memory_space<vmem>>)
    %dma_wait3A_327 = arith.constant 80 : i32
    %dma_wait3A_328 = tpu.memref_slice %arg6[%dma_wait3A_327] : memref<256xi32, #tpu.memory_space<vmem>> -> memref<8xi32, #tpu.memory_space<vmem>>
    %dma_wait3A_329 = arith.constant 0 : i32
    %dma_wait3A_330 = arith.constant 0 : i32
    %dma_wait3A_331 = tpu.memref_slice %arg3[%dma_wait3A_329, %dma_wait3A_330] : memref<100000x1024xf32, #tpu.memory_space<hbm>> -> memref<100000x1024xf32, #tpu.memory_space<hbm>>
    tpu.wait_indirect_dma semaphore(%arg18 : memref<!tpu.dma_semaphore, #tpu.memory_space<semaphore_mem>>) src(%dma_wait3A_331 : memref<100000x1024xf32, #tpu.memory_space<hbm>>) dst(%arg8 : memref<8x1024xf32, #tpu.memory_space<vmem>>)
    %dma_wait3A_332 = arith.constant 144 : i32
    %dma_wait3A_333 = tpu.memref_slice %arg6[%dma_wait3A_332] : memref<256xi32, #tpu.memory_space<vmem>> -> memref<8xi32, #tpu.memory_space<vmem>>
    %dma_wait3A_334 = arith.constant 0 : i32
    %dma_wait3A_335 = arith.constant 0 : i32
    %dma_wait3A_336 = tpu.memref_slice %arg3[%dma_wait3A_334, %dma_wait3A_335] : memref<100000x1024xf32, #tpu.memory_space<hbm>> -> memref<100000x1024xf32, #tpu.memory_space<hbm>>
    tpu.wait_indirect_dma semaphore(%arg19 : memref<!tpu.dma_semaphore, #tpu.memory_space<semaphore_mem>>) src(%dma_wait3A_336 : memref<100000x1024xf32, #tpu.memory_space<hbm>>) dst(%arg9 : memref<8x1024xf32, #tpu.memory_space<vmem>>)
    %dma_wait3A_337 = arith.constant 208 : i32
    %dma_wait3A_338 = tpu.memref_slice %arg6[%dma_wait3A_337] : memref<256xi32, #tpu.memory_space<vmem>> -> memref<8xi32, #tpu.memory_space<vmem>>
    %dma_wait3A_339 = arith.constant 0 : i32
    %dma_wait3A_340 = arith.constant 0 : i32
    %dma_wait3A_341 = tpu.memref_slice %arg3[%dma_wait3A_339, %dma_wait3A_340] : memref<100000x1024xf32, #tpu.memory_space<hbm>> -> memref<100000x1024xf32, #tpu.memory_space<hbm>>
    tpu.wait_indirect_dma semaphore(%arg20 : memref<!tpu.dma_semaphore, #tpu.memory_space<semaphore_mem>>) src(%dma_wait3A_341 : memref<100000x1024xf32, #tpu.memory_space<hbm>>) dst(%arg10 : memref<8x1024xf32, #tpu.memory_space<vmem>>)
    %scan3A_342 = arith.constant 0 : i32
    %scan3A_343 = arith.constant 0 : i32
    %scan3A_344 = arith.constant 256 : i32
    %scan3A_345 = arith.addi %scan3A_343, %scan3A_344 : i32
    %scan3A_346 = arith.constant 1 : i32
    %scan3A_347 = scf.for %scan3A_896 = %scan3A_343 to %scan3A_345 step %scan3A_346 iter_args(%scan3A_897 = %scan3A_342) -> (i32)  : i32 {
      %jit3A = arith.constant 32 : i32
      %div3A = arith.divsi %scan3A_896, %jit3A : i32
      %sign3A = arith.constant 0 : i32
      %sign3A_898 = arith.cmpi sgt, %scan3A_896, %sign3A : i32
      %sign3A_899 = arith.extui %sign3A_898 : i1 to i32
      %sign3A_900 = arith.constant 0 : i32
      %sign3A_901 = arith.cmpi slt, %scan3A_896, %sign3A_900 : i32
      %sign3A_902 = arith.extui %sign3A_901 : i1 to i32
      %sign3A_903 = arith.subi %sign3A_899, %sign3A_902 : i32
      %sign3A_904 = arith.constant 0 : i32
      %sign3A_905 = arith.cmpi sgt, %jit3A, %sign3A_904 : i32
      %sign3A_906 = arith.extui %sign3A_905 : i1 to i32
      %sign3A_907 = arith.constant 0 : i32
      %sign3A_908 = arith.cmpi slt, %jit3A, %sign3A_907 : i32
      %sign3A_909 = arith.extui %sign3A_908 : i1 to i32
      %sign3A_910 = arith.subi %sign3A_906, %sign3A_909 : i32
      %ne3A = arith.cmpi ne, %sign3A_903, %sign3A_910 : i32
      %rem3A = arith.remsi %scan3A_896, %jit3A : i32
      %ne3A_911 = arith.constant 0 : i32
      %ne3A_912 = arith.cmpi ne, %rem3A, %ne3A_911 : i32
      %and3A = arith.andi %ne3A, %ne3A_912 : i1
      %sub3A = arith.constant 1 : i32
      %sub3A_913 = arith.subi %div3A, %sub3A : i32
      %select_n3A = arith.select %and3A, %sub3A_913, %div3A : i32
      %jit3A_914 = arith.constant 32 : i32
      %eq3A = arith.constant 0 : i32
      %eq3A_915 = arith.cmpi eq, %jit3A_914, %eq3A : i32
      %jit3A_916 = arith.constant 1 : i32
      %select_n3A_917 = arith.select %eq3A_915, %jit3A_916, %jit3A_914 : i32
      %rem3A_918 = arith.remsi %scan3A_896, %select_n3A_917 : i32
      %ne3A_919 = arith.constant 0 : i32
      %ne3A_920 = arith.cmpi ne, %rem3A_918, %ne3A_919 : i32
      %lt3A = arith.constant 0 : i32
      %lt3A_921 = arith.cmpi slt, %rem3A_918, %lt3A : i32
      %lt3A_922 = arith.constant 0 : i32
      %lt3A_923 = arith.cmpi slt, %select_n3A_917, %lt3A_922 : i32
      %ne3A_924 = arith.xori %lt3A_921, %lt3A_923 : i1
      %and3A_925 = arith.andi %ne3A_924, %ne3A_920 : i1
      %add3A_926 = arith.addi %rem3A_918, %select_n3A_917 : i32
      %select_n3A_927 = arith.select %and3A_925, %add3A_926, %rem3A_918 : i32
      %mul3A_928 = arith.constant 2 : i32
      %mul3A_929 = arith.muli %select_n3A_927, %mul3A_928 : i32
      %add3A_930 = arith.constant 0 : i32
      %add3A_931 = arith.addi %mul3A_929, %add3A_930 : i32
      %mul3A_932 = arith.constant 16 : i32
      %mul3A_933 = arith.muli %add3A_931, %mul3A_932 : i32
      %get3A = arith.index_cast %select_n3A : i32 to index
      %get3A_934 = arith.index_cast %mul3A_933 : i32 to index
      %get3A_935 = tpu.vector_load %arg15[%get3A, %get3A_934] {strides = array<i32>} : memref<8x1024xf32, #tpu.memory_space<vmem>>, vector<1x16xf32>,
      %get3A_936 = vector.shape_cast %get3A_935 : vector<1x16xf32> to vector<16xf32>
      %swap3A = arith.index_cast %select_n3A : i32 to index
      %swap3A_937 = arith.index_cast %mul3A_933 : i32 to index
      %swap3A_938 = tpu.vector_load %arg7[%swap3A, %swap3A_937] {strides = array<i32>} : memref<8x1024xf32, #tpu.memory_space<vmem>>, vector<1x16xf32>,
      %swap3A_939 = vector.shape_cast %swap3A_938 : vector<1x16xf32> to vector<16xf32>
      %swap3A_940 = vector.shape_cast %get3A_936 : vector<16xf32> to vector<1x16xf32>
      tpu.vector_store %arg7[%swap3A, %swap3A_937], %swap3A_940 {add = true, strides = array<i32>} : memref<8x1024xf32, #tpu.memory_space<vmem>>, vector<1x16xf32>,
      %swap3A_941 = arith.index_cast %select_n3A : i32 to index
      %swap3A_942 = arith.index_cast %mul3A_933 : i32 to index
      %swap3A_943 = tpu.vector_load %arg8[%swap3A_941, %swap3A_942] {strides = array<i32>} : memref<8x1024xf32, #tpu.memory_space<vmem>>, vector<1x16xf32>,
      %swap3A_944 = vector.shape_cast %swap3A_943 : vector<1x16xf32> to vector<16xf32>
      %swap3A_945 = vector.shape_cast %get3A_936 : vector<16xf32> to vector<1x16xf32>
      tpu.vector_store %arg8[%swap3A_941, %swap3A_942], %swap3A_945 {add = true, strides = array<i32>} : memref<8x1024xf32, #tpu.memory_space<vmem>>, vector<1x16xf32>,
      %swap3A_946 = arith.index_cast %select_n3A : i32 to index
      %swap3A_947 = arith.index_cast %mul3A_933 : i32 to index
      %swap3A_948 = tpu.vector_load %arg9[%swap3A_946, %swap3A_947] {strides = array<i32>} : memref<8x1024xf32, #tpu.memory_space<vmem>>, vector<1x16xf32>,
      %swap3A_949 = vector.shape_cast %swap3A_948 : vector<1x16xf32> to vector<16xf32>
      %swap3A_950 = vector.shape_cast %get3A_936 : vector<16xf32> to vector<1x16xf32>
      tpu.vector_store %arg9[%swap3A_946, %swap3A_947], %swap3A_950 {add = true, strides = array<i32>} : memref<8x1024xf32, #tpu.memory_space<vmem>>, vector<1x16xf32>,
      %swap3A_951 = arith.index_cast %select_n3A : i32 to index
      %swap3A_952 = arith.index_cast %mul3A_933 : i32 to index
      %swap3A_953 = tpu.vector_load %arg10[%swap3A_951, %swap3A_952] {strides = array<i32>} : memref<8x1024xf32, #tpu.memory_space<vmem>>, vector<1x16xf32>,
      %swap3A_954 = vector.shape_cast %swap3A_953 : vector<1x16xf32> to vector<16xf32>
      %swap3A_955 = vector.shape_cast %get3A_936 : vector<16xf32> to vector<1x16xf32>
      tpu.vector_store %arg10[%swap3A_951, %swap3A_952], %swap3A_955 {add = true, strides = array<i32>} : memref<8x1024xf32, #tpu.memory_space<vmem>>, vector<1x16xf32>,
      %add3A_956 = arith.constant 1 : i32
      %add3A_957 = arith.addi %mul3A_929, %add3A_956 : i32
      %mul3A_958 = arith.constant 16 : i32
      %mul3A_959 = arith.muli %add3A_957, %mul3A_958 : i32
      %get3A_960 = arith.index_cast %select_n3A : i32 to index
      %get3A_961 = arith.index_cast %mul3A_959 : i32 to index
      %get3A_962 = tpu.vector_load %arg15[%get3A_960, %get3A_961] {strides = array<i32>} : memref<8x1024xf32, #tpu.memory_space<vmem>>, vector<1x16xf32>,
      %get3A_963 = vector.shape_cast %get3A_962 : vector<1x16xf32> to vector<16xf32>
      %swap3A_964 = arith.index_cast %select_n3A : i32 to index
      %swap3A_965 = arith.index_cast %mul3A_959 : i32 to index
      %swap3A_966 = tpu.vector_load %arg7[%swap3A_964, %swap3A_965] {strides = array<i32>} : memref<8x1024xf32, #tpu.memory_space<vmem>>, vector<1x16xf32>,
      %swap3A_967 = vector.shape_cast %swap3A_966 : vector<1x16xf32> to vector<16xf32>
      %swap3A_968 = vector.shape_cast %get3A_963 : vector<16xf32> to vector<1x16xf32>
      tpu.vector_store %arg7[%swap3A_964, %swap3A_965], %swap3A_968 {add = true, strides = array<i32>} : memref<8x1024xf32, #tpu.memory_space<vmem>>, vector<1x16xf32>,
      %swap3A_969 = arith.index_cast %select_n3A : i32 to index
      %swap3A_970 = arith.index_cast %mul3A_959 : i32 to index
      %swap3A_971 = tpu.vector_load %arg8[%swap3A_969, %swap3A_970] {strides = array<i32>} : memref<8x1024xf32, #tpu.memory_space<vmem>>, vector<1x16xf32>,
      %swap3A_972 = vector.shape_cast %swap3A_971 : vector<1x16xf32> to vector<16xf32>
      %swap3A_973 = vector.shape_cast %get3A_963 : vector<16xf32> to vector<1x16xf32>
      tpu.vector_store %arg8[%swap3A_969, %swap3A_970], %swap3A_973 {add = true, strides = array<i32>} : memref<8x1024xf32, #tpu.memory_space<vmem>>, vector<1x16xf32>,
      %swap3A_974 = arith.index_cast %select_n3A : i32 to index
      %swap3A_975 = arith.index_cast %mul3A_959 : i32 to index
      %swap3A_976 = tpu.vector_load %arg9[%swap3A_974, %swap3A_975] {strides = array<i32>} : memref<8x1024xf32, #tpu.memory_space<vmem>>, vector<1x16xf32>,
      %swap3A_977 = vector.shape_cast %swap3A_976 : vector<1x16xf32> to vector<16xf32>
      %swap3A_978 = vector.shape_cast %get3A_963 : vector<16xf32> to vector<1x16xf32>
      tpu.vector_store %arg9[%swap3A_974, %swap3A_975], %swap3A_978 {add = true, strides = array<i32>} : memref<8x1024xf32, #tpu.memory_space<vmem>>, vector<1x16xf32>,
      %swap3A_979 = arith.index_cast %select_n3A : i32 to index
      %swap3A_980 = arith.index_cast %mul3A_959 : i32 to index
      %swap3A_981 = tpu.vector_load %arg10[%swap3A_979, %swap3A_980] {strides = array<i32>} : memref<8x1024xf32, #tpu.memory_space<vmem>>, vector<1x16xf32>,
      %swap3A_982 = vector.shape_cast %swap3A_981 : vector<1x16xf32> to vector<16xf32>
      %swap3A_983 = vector.shape_cast %get3A_963 : vector<16xf32> to vector<1x16xf32>
      tpu.vector_store %arg10[%swap3A_979, %swap3A_980], %swap3A_983 {add = true, strides = array<i32>} : memref<8x1024xf32, #tpu.memory_space<vmem>>, vector<1x16xf32>,
      %scan3A_984 = arith.constant 0 : i32
      scf.yield %scan3A_984 : i32
    }
    %scan3A_348 = arith.constant 256 : i32
    %add3A_349 = arith.constant 0 : i32
    %add3A_350 = arith.addi %add3A_349, %mul3A_2 : i32
    %add3A_351 = arith.constant 16 : i32
    %add3A_352 = arith.addi %add3A_350, %add3A_351 : i32
    %dma_start3A_353 = arith.constant 0 : i32
    %dma_start3A_354 = tpu.memref_slice %arg5[%add3A_352, %dma_start3A_353] : memref<8192x1024xf32, #tpu.memory_space<hbm>> -> memref<8x1024xf32, #tpu.memory_space<hbm>>
    %dma_start3A_355 = arith.constant 0 : i32
    %dma_start3A_356 = tpu.memref_slice %arg5[%add3A_352, %dma_start3A_355] : memref<8192x1024xf32, #tpu.memory_space<hbm>> -> memref<8x1024xf32, #tpu.memory_space<hbm>>
    tpu.enqueue_dma source(%arg7 : memref<8x1024xf32, #tpu.memory_space<vmem>>) target(%dma_start3A_356 : memref<8x1024xf32, #tpu.memory_space<hbm>>) target_semaphore(%arg25 : memref<!tpu.dma_semaphore, #tpu.memory_space<semaphore_mem>>)
    %add3A_357 = arith.constant 2048 : i32
    %add3A_358 = arith.addi %add3A_357, %mul3A_2 : i32
    %add3A_359 = arith.constant 16 : i32
    %add3A_360 = arith.addi %add3A_358, %add3A_359 : i32
    %dma_start3A_361 = arith.constant 0 : i32
    %dma_start3A_362 = tpu.memref_slice %arg5[%add3A_360, %dma_start3A_361] : memref<8192x1024xf32, #tpu.memory_space<hbm>> -> memref<8x1024xf32, #tpu.memory_space<hbm>>
    %dma_start3A_363 = arith.constant 0 : i32
    %dma_start3A_364 = tpu.memref_slice %arg5[%add3A_360, %dma_start3A_363] : memref<8192x1024xf32, #tpu.memory_space<hbm>> -> memref<8x1024xf32, #tpu.memory_space<hbm>>
    tpu.enqueue_dma source(%arg8 : memref<8x1024xf32, #tpu.memory_space<vmem>>) target(%dma_start3A_364 : memref<8x1024xf32, #tpu.memory_space<hbm>>) target_semaphore(%arg26 : memref<!tpu.dma_semaphore, #tpu.memory_space<semaphore_mem>>)
    %add3A_365 = arith.constant 4096 : i32
    %add3A_366 = arith.addi %add3A_365, %mul3A_2 : i32
    %add3A_367 = arith.constant 16 : i32
    %add3A_368 = arith.addi %add3A_366, %add3A_367 : i32
    %dma_start3A_369 = arith.constant 0 : i32
    %dma_start3A_370 = tpu.memref_slice %arg5[%add3A_368, %dma_start3A_369] : memref<8192x1024xf32, #tpu.memory_space<hbm>> -> memref<8x1024xf32, #tpu.memory_space<hbm>>
    %dma_start3A_371 = arith.constant 0 : i32
    %dma_start3A_372 = tpu.memref_slice %arg5[%add3A_368, %dma_start3A_371] : memref<8192x1024xf32, #tpu.memory_space<hbm>> -> memref<8x1024xf32, #tpu.memory_space<hbm>>
    tpu.enqueue_dma source(%arg9 : memref<8x1024xf32, #tpu.memory_space<vmem>>) target(%dma_start3A_372 : memref<8x1024xf32, #tpu.memory_space<hbm>>) target_semaphore(%arg27 : memref<!tpu.dma_semaphore, #tpu.memory_space<semaphore_mem>>)
    %add3A_373 = arith.constant 6144 : i32
    %add3A_374 = arith.addi %add3A_373, %mul3A_2 : i32
    %add3A_375 = arith.constant 16 : i32
    %add3A_376 = arith.addi %add3A_374, %add3A_375 : i32
    %dma_start3A_377 = arith.constant 0 : i32
    %dma_start3A_378 = tpu.memref_slice %arg5[%add3A_376, %dma_start3A_377] : memref<8192x1024xf32, #tpu.memory_space<hbm>> -> memref<8x1024xf32, #tpu.memory_space<hbm>>
    %dma_start3A_379 = arith.constant 0 : i32
    %dma_start3A_380 = tpu.memref_slice %arg5[%add3A_376, %dma_start3A_379] : memref<8192x1024xf32, #tpu.memory_space<hbm>> -> memref<8x1024xf32, #tpu.memory_space<hbm>>
    tpu.enqueue_dma source(%arg10 : memref<8x1024xf32, #tpu.memory_space<vmem>>) target(%dma_start3A_380 : memref<8x1024xf32, #tpu.memory_space<hbm>>) target_semaphore(%arg28 : memref<!tpu.dma_semaphore, #tpu.memory_space<semaphore_mem>>)
    %add3A_381 = arith.constant 32 : i32
    %add3A_382 = arith.addi %mul3A_2, %add3A_381 : i32
    %dma_start3A_383 = arith.constant 0 : i32
    %dma_start3A_384 = tpu.memref_slice %arg4[%add3A_382, %dma_start3A_383] : memref<2048x1024xf32, #tpu.memory_space<hbm>> -> memref<8x1024xf32, #tpu.memory_space<hbm>>
    %dma_start3A_385 = arith.constant 0 : i32
    %dma_start3A_386 = tpu.memref_slice %arg4[%add3A_382, %dma_start3A_385] : memref<2048x1024xf32, #tpu.memory_space<hbm>> -> memref<8x1024xf32, #tpu.memory_space<hbm>>
    tpu.enqueue_dma source(%dma_start3A_386 : memref<8x1024xf32, #tpu.memory_space<hbm>>) target(%arg15 : memref<8x1024xf32, #tpu.memory_space<vmem>>) target_semaphore(%arg33 : memref<!tpu.dma_semaphore, #tpu.memory_space<semaphore_mem>>)
    %dma_wait3A_387 = arith.constant 0 : i32
    %dma_wait3A_388 = tpu.memref_slice %arg5[%add3A_352, %dma_wait3A_387] : memref<8192x1024xf32, #tpu.memory_space<hbm>> -> memref<8x1024xf32, #tpu.memory_space<hbm>>
    %dma_wait3A_389 = arith.constant 0 : i32
    %dma_wait3A_390 = tpu.memref_slice %arg5[%add3A_352, %dma_wait3A_389] : memref<8192x1024xf32, #tpu.memory_space<hbm>> -> memref<8x1024xf32, #tpu.memory_space<hbm>>
    tpu.wait_dma2 semaphore(%arg25 : memref<!tpu.dma_semaphore, #tpu.memory_space<semaphore_mem>>) src(%arg7 : memref<8x1024xf32, #tpu.memory_space<vmem>>) dst(%dma_wait3A_390 : memref<8x1024xf32, #tpu.memory_space<hbm>>)
    %dma_wait3A_391 = arith.constant 0 : i32
    %dma_wait3A_392 = tpu.memref_slice %arg5[%add3A_360, %dma_wait3A_391] : memref<8192x1024xf32, #tpu.memory_space<hbm>> -> memref<8x1024xf32, #tpu.memory_space<hbm>>
    %dma_wait3A_393 = arith.constant 0 : i32
    %dma_wait3A_394 = tpu.memref_slice %arg5[%add3A_360, %dma_wait3A_393] : memref<8192x1024xf32, #tpu.memory_space<hbm>> -> memref<8x1024xf32, #tpu.memory_space<hbm>>
    tpu.wait_dma2 semaphore(%arg26 : memref<!tpu.dma_semaphore, #tpu.memory_space<semaphore_mem>>) src(%arg8 : memref<8x1024xf32, #tpu.memory_space<vmem>>) dst(%dma_wait3A_394 : memref<8x1024xf32, #tpu.memory_space<hbm>>)
    %dma_wait3A_395 = arith.constant 0 : i32
    %dma_wait3A_396 = tpu.memref_slice %arg5[%add3A_368, %dma_wait3A_395] : memref<8192x1024xf32, #tpu.memory_space<hbm>> -> memref<8x1024xf32, #tpu.memory_space<hbm>>
    %dma_wait3A_397 = arith.constant 0 : i32
    %dma_wait3A_398 = tpu.memref_slice %arg5[%add3A_368, %dma_wait3A_397] : memref<8192x1024xf32, #tpu.memory_space<hbm>> -> memref<8x1024xf32, #tpu.memory_space<hbm>>
    tpu.wait_dma2 semaphore(%arg27 : memref<!tpu.dma_semaphore, #tpu.memory_space<semaphore_mem>>) src(%arg9 : memref<8x1024xf32, #tpu.memory_space<vmem>>) dst(%dma_wait3A_398 : memref<8x1024xf32, #tpu.memory_space<hbm>>)
    %dma_wait3A_399 = arith.constant 0 : i32
    %dma_wait3A_400 = tpu.memref_slice %arg5[%add3A_376, %dma_wait3A_399] : memref<8192x1024xf32, #tpu.memory_space<hbm>> -> memref<8x1024xf32, #tpu.memory_space<hbm>>
    %dma_wait3A_401 = arith.constant 0 : i32
    %dma_wait3A_402 = tpu.memref_slice %arg5[%add3A_376, %dma_wait3A_401] : memref<8192x1024xf32, #tpu.memory_space<hbm>> -> memref<8x1024xf32, #tpu.memory_space<hbm>>
    tpu.wait_dma2 semaphore(%arg28 : memref<!tpu.dma_semaphore, #tpu.memory_space<semaphore_mem>>) src(%arg10 : memref<8x1024xf32, #tpu.memory_space<vmem>>) dst(%dma_wait3A_402 : memref<8x1024xf32, #tpu.memory_space<hbm>>)
    %dma_start3A_403 = arith.constant 32 : i32
    %dma_start3A_404 = tpu.memref_slice %arg6[%dma_start3A_403] : memref<256xi32, #tpu.memory_space<vmem>> -> memref<8xi32, #tpu.memory_space<vmem>>
    %dma_start3A_405 = arith.constant 0 : i32
    %dma_start3A_406 = arith.constant 0 : i32
    %dma_start3A_407 = tpu.memref_slice %arg3[%dma_start3A_405, %dma_start3A_406] : memref<100000x1024xf32, #tpu.memory_space<hbm>> -> memref<100000x1024xf32, #tpu.memory_space<hbm>>
    tpu.enqueue_indirect_dma source(%dma_start3A_407 : memref<100000x1024xf32, #tpu.memory_space<hbm>>) target(%arg7 : memref<8x1024xf32, #tpu.memory_space<vmem>>) offsets(%dma_start3A_404 : memref<8xi32, #tpu.memory_space<vmem>>) semaphore(%arg17 : memref<!tpu.dma_semaphore, #tpu.memory_space<semaphore_mem>>)
    %dma_start3A_408 = arith.constant 96 : i32
    %dma_start3A_409 = tpu.memref_slice %arg6[%dma_start3A_408] : memref<256xi32, #tpu.memory_space<vmem>> -> memref<8xi32, #tpu.memory_space<vmem>>
    %dma_start3A_410 = arith.constant 0 : i32
    %dma_start3A_411 = arith.constant 0 : i32
    %dma_start3A_412 = tpu.memref_slice %arg3[%dma_start3A_410, %dma_start3A_411] : memref<100000x1024xf32, #tpu.memory_space<hbm>> -> memref<100000x1024xf32, #tpu.memory_space<hbm>>
    tpu.enqueue_indirect_dma source(%dma_start3A_412 : memref<100000x1024xf32, #tpu.memory_space<hbm>>) target(%arg8 : memref<8x1024xf32, #tpu.memory_space<vmem>>) offsets(%dma_start3A_409 : memref<8xi32, #tpu.memory_space<vmem>>) semaphore(%arg18 : memref<!tpu.dma_semaphore, #tpu.memory_space<semaphore_mem>>)
    %dma_start3A_413 = arith.constant 160 : i32
    %dma_start3A_414 = tpu.memref_slice %arg6[%dma_start3A_413] : memref<256xi32, #tpu.memory_space<vmem>> -> memref<8xi32, #tpu.memory_space<vmem>>
    %dma_start3A_415 = arith.constant 0 : i32
    %dma_start3A_416 = arith.constant 0 : i32
    %dma_start3A_417 = tpu.memref_slice %arg3[%dma_start3A_415, %dma_start3A_416] : memref<100000x1024xf32, #tpu.memory_space<hbm>> -> memref<100000x1024xf32, #tpu.memory_space<hbm>>
    tpu.enqueue_indirect_dma source(%dma_start3A_417 : memref<100000x1024xf32, #tpu.memory_space<hbm>>) target(%arg9 : memref<8x1024xf32, #tpu.memory_space<vmem>>) offsets(%dma_start3A_414 : memref<8xi32, #tpu.memory_space<vmem>>) semaphore(%arg19 : memref<!tpu.dma_semaphore, #tpu.memory_space<semaphore_mem>>)
    %dma_start3A_418 = arith.constant 224 : i32
    %dma_start3A_419 = tpu.memref_slice %arg6[%dma_start3A_418] : memref<256xi32, #tpu.memory_space<vmem>> -> memref<8xi32, #tpu.memory_space<vmem>>
    %dma_start3A_420 = arith.constant 0 : i32
    %dma_start3A_421 = arith.constant 0 : i32
    %dma_start3A_422 = tpu.memref_slice %arg3[%dma_start3A_420, %dma_start3A_421] : memref<100000x1024xf32, #tpu.memory_space<hbm>> -> memref<100000x1024xf32, #tpu.memory_space<hbm>>
    tpu.enqueue_indirect_dma source(%dma_start3A_422 : memref<100000x1024xf32, #tpu.memory_space<hbm>>) target(%arg10 : memref<8x1024xf32, #tpu.memory_space<vmem>>) offsets(%dma_start3A_419 : memref<8xi32, #tpu.memory_space<vmem>>) semaphore(%arg20 : memref<!tpu.dma_semaphore, #tpu.memory_space<semaphore_mem>>)
    %dma_wait3A_423 = arith.constant 0 : i32
    %dma_wait3A_424 = tpu.memref_slice %arg4[%add3A_277, %dma_wait3A_423] : memref<2048x1024xf32, #tpu.memory_space<hbm>> -> memref<8x1024xf32, #tpu.memory_space<hbm>>
    %dma_wait3A_425 = arith.constant 0 : i32
    %dma_wait3A_426 = tpu.memref_slice %arg4[%add3A_277, %dma_wait3A_425] : memref<2048x1024xf32, #tpu.memory_space<hbm>> -> memref<8x1024xf32, #tpu.memory_space<hbm>>
    tpu.wait_dma2 semaphore(%arg34 : memref<!tpu.dma_semaphore, #tpu.memory_space<semaphore_mem>>) src(%dma_wait3A_426 : memref<8x1024xf32, #tpu.memory_space<hbm>>) dst(%arg16 : memref<8x1024xf32, #tpu.memory_space<vmem>>)
    %dma_wait3A_427 = arith.constant 24 : i32
    %dma_wait3A_428 = tpu.memref_slice %arg6[%dma_wait3A_427] : memref<256xi32, #tpu.memory_space<vmem>> -> memref<8xi32, #tpu.memory_space<vmem>>
    %dma_wait3A_429 = arith.constant 0 : i32
    %dma_wait3A_430 = arith.constant 0 : i32
    %dma_wait3A_431 = tpu.memref_slice %arg3[%dma_wait3A_429, %dma_wait3A_430] : memref<100000x1024xf32, #tpu.memory_space<hbm>> -> memref<100000x1024xf32, #tpu.memory_space<hbm>>
    tpu.wait_indirect_dma semaphore(%arg21 : memref<!tpu.dma_semaphore, #tpu.memory_space<semaphore_mem>>) src(%dma_wait3A_431 : memref<100000x1024xf32, #tpu.memory_space<hbm>>) dst(%arg11 : memref<8x1024xf32, #tpu.memory_space<vmem>>)
    %dma_wait3A_432 = arith.constant 88 : i32
    %dma_wait3A_433 = tpu.memref_slice %arg6[%dma_wait3A_432] : memref<256xi32, #tpu.memory_space<vmem>> -> memref<8xi32, #tpu.memory_space<vmem>>
    %dma_wait3A_434 = arith.constant 0 : i32
    %dma_wait3A_435 = arith.constant 0 : i32
    %dma_wait3A_436 = tpu.memref_slice %arg3[%dma_wait3A_434, %dma_wait3A_435] : memref<100000x1024xf32, #tpu.memory_space<hbm>> -> memref<100000x1024xf32, #tpu.memory_space<hbm>>
    tpu.wait_indirect_dma semaphore(%arg22 : memref<!tpu.dma_semaphore, #tpu.memory_space<semaphore_mem>>) src(%dma_wait3A_436 : memref<100000x1024xf32, #tpu.memory_space<hbm>>) dst(%arg12 : memref<8x1024xf32, #tpu.memory_space<vmem>>)
    %dma_wait3A_437 = arith.constant 152 : i32
    %dma_wait3A_438 = tpu.memref_slice %arg6[%dma_wait3A_437] : memref<256xi32, #tpu.memory_space<vmem>> -> memref<8xi32, #tpu.memory_space<vmem>>
    %dma_wait3A_439 = arith.constant 0 : i32
    %dma_wait3A_440 = arith.constant 0 : i32
    %dma_wait3A_441 = tpu.memref_slice %arg3[%dma_wait3A_439, %dma_wait3A_440] : memref<100000x1024xf32, #tpu.memory_space<hbm>> -> memref<100000x1024xf32, #tpu.memory_space<hbm>>
    tpu.wait_indirect_dma semaphore(%arg23 : memref<!tpu.dma_semaphore, #tpu.memory_space<semaphore_mem>>) src(%dma_wait3A_441 : memref<100000x1024xf32, #tpu.memory_space<hbm>>) dst(%arg13 : memref<8x1024xf32, #tpu.memory_space<vmem>>)
    %dma_wait3A_442 = arith.constant 216 : i32
    %dma_wait3A_443 = tpu.memref_slice %arg6[%dma_wait3A_442] : memref<256xi32, #tpu.memory_space<vmem>> -> memref<8xi32, #tpu.memory_space<vmem>>
    %dma_wait3A_444 = arith.constant 0 : i32
    %dma_wait3A_445 = arith.constant 0 : i32
    %dma_wait3A_446 = tpu.memref_slice %arg3[%dma_wait3A_444, %dma_wait3A_445] : memref<100000x1024xf32, #tpu.memory_space<hbm>> -> memref<100000x1024xf32, #tpu.memory_space<hbm>>
    tpu.wait_indirect_dma semaphore(%arg24 : memref<!tpu.dma_semaphore, #tpu.memory_space<semaphore_mem>>) src(%dma_wait3A_446 : memref<100000x1024xf32, #tpu.memory_space<hbm>>) dst(%arg14 : memref<8x1024xf32, #tpu.memory_space<vmem>>)
    %scan3A_447 = arith.constant 0 : i32
    %scan3A_448 = arith.constant 0 : i32
    %scan3A_449 = arith.constant 256 : i32
    %scan3A_450 = arith.addi %scan3A_448, %scan3A_449 : i32
    %scan3A_451 = arith.constant 1 : i32
    %scan3A_452 = scf.for %scan3A_896 = %scan3A_448 to %scan3A_450 step %scan3A_451 iter_args(%scan3A_897 = %scan3A_447) -> (i32)  : i32 {
      %jit3A = arith.constant 32 : i32
      %div3A = arith.divsi %scan3A_896, %jit3A : i32
      %sign3A = arith.constant 0 : i32
      %sign3A_898 = arith.cmpi sgt, %scan3A_896, %sign3A : i32
      %sign3A_899 = arith.extui %sign3A_898 : i1 to i32
      %sign3A_900 = arith.constant 0 : i32
      %sign3A_901 = arith.cmpi slt, %scan3A_896, %sign3A_900 : i32
      %sign3A_902 = arith.extui %sign3A_901 : i1 to i32
      %sign3A_903 = arith.subi %sign3A_899, %sign3A_902 : i32
      %sign3A_904 = arith.constant 0 : i32
      %sign3A_905 = arith.cmpi sgt, %jit3A, %sign3A_904 : i32
      %sign3A_906 = arith.extui %sign3A_905 : i1 to i32
      %sign3A_907 = arith.constant 0 : i32
      %sign3A_908 = arith.cmpi slt, %jit3A, %sign3A_907 : i32
      %sign3A_909 = arith.extui %sign3A_908 : i1 to i32
      %sign3A_910 = arith.subi %sign3A_906, %sign3A_909 : i32
      %ne3A = arith.cmpi ne, %sign3A_903, %sign3A_910 : i32
      %rem3A = arith.remsi %scan3A_896, %jit3A : i32
      %ne3A_911 = arith.constant 0 : i32
      %ne3A_912 = arith.cmpi ne, %rem3A, %ne3A_911 : i32
      %and3A = arith.andi %ne3A, %ne3A_912 : i1
      %sub3A = arith.constant 1 : i32
      %sub3A_913 = arith.subi %div3A, %sub3A : i32
      %select_n3A = arith.select %and3A, %sub3A_913, %div3A : i32
      %jit3A_914 = arith.constant 32 : i32
      %eq3A = arith.constant 0 : i32
      %eq3A_915 = arith.cmpi eq, %jit3A_914, %eq3A : i32
      %jit3A_916 = arith.constant 1 : i32
      %select_n3A_917 = arith.select %eq3A_915, %jit3A_916, %jit3A_914 : i32
      %rem3A_918 = arith.remsi %scan3A_896, %select_n3A_917 : i32
      %ne3A_919 = arith.constant 0 : i32
      %ne3A_920 = arith.cmpi ne, %rem3A_918, %ne3A_919 : i32
      %lt3A = arith.constant 0 : i32
      %lt3A_921 = arith.cmpi slt, %rem3A_918, %lt3A : i32
      %lt3A_922 = arith.constant 0 : i32
      %lt3A_923 = arith.cmpi slt, %select_n3A_917, %lt3A_922 : i32
      %ne3A_924 = arith.xori %lt3A_921, %lt3A_923 : i1
      %and3A_925 = arith.andi %ne3A_924, %ne3A_920 : i1
      %add3A_926 = arith.addi %rem3A_918, %select_n3A_917 : i32
      %select_n3A_927 = arith.select %and3A_925, %add3A_926, %rem3A_918 : i32
      %mul3A_928 = arith.constant 2 : i32
      %mul3A_929 = arith.muli %select_n3A_927, %mul3A_928 : i32
      %add3A_930 = arith.constant 0 : i32
      %add3A_931 = arith.addi %mul3A_929, %add3A_930 : i32
      %mul3A_932 = arith.constant 16 : i32
      %mul3A_933 = arith.muli %add3A_931, %mul3A_932 : i32
      %get3A = arith.index_cast %select_n3A : i32 to index
      %get3A_934 = arith.index_cast %mul3A_933 : i32 to index
      %get3A_935 = tpu.vector_load %arg16[%get3A, %get3A_934] {strides = array<i32>} : memref<8x1024xf32, #tpu.memory_space<vmem>>, vector<1x16xf32>,
      %get3A_936 = vector.shape_cast %get3A_935 : vector<1x16xf32> to vector<16xf32>
      %swap3A = arith.index_cast %select_n3A : i32 to index
      %swap3A_937 = arith.index_cast %mul3A_933 : i32 to index
      %swap3A_938 = tpu.vector_load %arg11[%swap3A, %swap3A_937] {strides = array<i32>} : memref<8x1024xf32, #tpu.memory_space<vmem>>, vector<1x16xf32>,
      %swap3A_939 = vector.shape_cast %swap3A_938 : vector<1x16xf32> to vector<16xf32>
      %swap3A_940 = vector.shape_cast %get3A_936 : vector<16xf32> to vector<1x16xf32>
      tpu.vector_store %arg11[%swap3A, %swap3A_937], %swap3A_940 {add = true, strides = array<i32>} : memref<8x1024xf32, #tpu.memory_space<vmem>>, vector<1x16xf32>,
      %swap3A_941 = arith.index_cast %select_n3A : i32 to index
      %swap3A_942 = arith.index_cast %mul3A_933 : i32 to index
      %swap3A_943 = tpu.vector_load %arg12[%swap3A_941, %swap3A_942] {strides = array<i32>} : memref<8x1024xf32, #tpu.memory_space<vmem>>, vector<1x16xf32>,
      %swap3A_944 = vector.shape_cast %swap3A_943 : vector<1x16xf32> to vector<16xf32>
      %swap3A_945 = vector.shape_cast %get3A_936 : vector<16xf32> to vector<1x16xf32>
      tpu.vector_store %arg12[%swap3A_941, %swap3A_942], %swap3A_945 {add = true, strides = array<i32>} : memref<8x1024xf32, #tpu.memory_space<vmem>>, vector<1x16xf32>,
      %swap3A_946 = arith.index_cast %select_n3A : i32 to index
      %swap3A_947 = arith.index_cast %mul3A_933 : i32 to index
      %swap3A_948 = tpu.vector_load %arg13[%swap3A_946, %swap3A_947] {strides = array<i32>} : memref<8x1024xf32, #tpu.memory_space<vmem>>, vector<1x16xf32>,
      %swap3A_949 = vector.shape_cast %swap3A_948 : vector<1x16xf32> to vector<16xf32>
      %swap3A_950 = vector.shape_cast %get3A_936 : vector<16xf32> to vector<1x16xf32>
      tpu.vector_store %arg13[%swap3A_946, %swap3A_947], %swap3A_950 {add = true, strides = array<i32>} : memref<8x1024xf32, #tpu.memory_space<vmem>>, vector<1x16xf32>,
      %swap3A_951 = arith.index_cast %select_n3A : i32 to index
      %swap3A_952 = arith.index_cast %mul3A_933 : i32 to index
      %swap3A_953 = tpu.vector_load %arg14[%swap3A_951, %swap3A_952] {strides = array<i32>} : memref<8x1024xf32, #tpu.memory_space<vmem>>, vector<1x16xf32>,
      %swap3A_954 = vector.shape_cast %swap3A_953 : vector<1x16xf32> to vector<16xf32>
      %swap3A_955 = vector.shape_cast %get3A_936 : vector<16xf32> to vector<1x16xf32>
      tpu.vector_store %arg14[%swap3A_951, %swap3A_952], %swap3A_955 {add = true, strides = array<i32>} : memref<8x1024xf32, #tpu.memory_space<vmem>>, vector<1x16xf32>,
      %add3A_956 = arith.constant 1 : i32
      %add3A_957 = arith.addi %mul3A_929, %add3A_956 : i32
      %mul3A_958 = arith.constant 16 : i32
      %mul3A_959 = arith.muli %add3A_957, %mul3A_958 : i32
      %get3A_960 = arith.index_cast %select_n3A : i32 to index
      %get3A_961 = arith.index_cast %mul3A_959 : i32 to index
      %get3A_962 = tpu.vector_load %arg16[%get3A_960, %get3A_961] {strides = array<i32>} : memref<8x1024xf32, #tpu.memory_space<vmem>>, vector<1x16xf32>,
      %get3A_963 = vector.shape_cast %get3A_962 : vector<1x16xf32> to vector<16xf32>
      %swap3A_964 = arith.index_cast %select_n3A : i32 to index
      %swap3A_965 = arith.index_cast %mul3A_959 : i32 to index
      %swap3A_966 = tpu.vector_load %arg11[%swap3A_964, %swap3A_965] {strides = array<i32>} : memref<8x1024xf32, #tpu.memory_space<vmem>>, vector<1x16xf32>,
      %swap3A_967 = vector.shape_cast %swap3A_966 : vector<1x16xf32> to vector<16xf32>
      %swap3A_968 = vector.shape_cast %get3A_963 : vector<16xf32> to vector<1x16xf32>
      tpu.vector_store %arg11[%swap3A_964, %swap3A_965], %swap3A_968 {add = true, strides = array<i32>} : memref<8x1024xf32, #tpu.memory_space<vmem>>, vector<1x16xf32>,
      %swap3A_969 = arith.index_cast %select_n3A : i32 to index
      %swap3A_970 = arith.index_cast %mul3A_959 : i32 to index
      %swap3A_971 = tpu.vector_load %arg12[%swap3A_969, %swap3A_970] {strides = array<i32>} : memref<8x1024xf32, #tpu.memory_space<vmem>>, vector<1x16xf32>,
      %swap3A_972 = vector.shape_cast %swap3A_971 : vector<1x16xf32> to vector<16xf32>
      %swap3A_973 = vector.shape_cast %get3A_963 : vector<16xf32> to vector<1x16xf32>
      tpu.vector_store %arg12[%swap3A_969, %swap3A_970], %swap3A_973 {add = true, strides = array<i32>} : memref<8x1024xf32, #tpu.memory_space<vmem>>, vector<1x16xf32>,
      %swap3A_974 = arith.index_cast %select_n3A : i32 to index
      %swap3A_975 = arith.index_cast %mul3A_959 : i32 to index
      %swap3A_976 = tpu.vector_load %arg13[%swap3A_974, %swap3A_975] {strides = array<i32>} : memref<8x1024xf32, #tpu.memory_space<vmem>>, vector<1x16xf32>,
      %swap3A_977 = vector.shape_cast %swap3A_976 : vector<1x16xf32> to vector<16xf32>
      %swap3A_978 = vector.shape_cast %get3A_963 : vector<16xf32> to vector<1x16xf32>
      tpu.vector_store %arg13[%swap3A_974, %swap3A_975], %swap3A_978 {add = true, strides = array<i32>} : memref<8x1024xf32, #tpu.memory_space<vmem>>, vector<1x16xf32>,
      %swap3A_979 = arith.index_cast %select_n3A : i32 to index
      %swap3A_980 = arith.index_cast %mul3A_959 : i32 to index
      %swap3A_981 = tpu.vector_load %arg14[%swap3A_979, %swap3A_980] {strides = array<i32>} : memref<8x1024xf32, #tpu.memory_space<vmem>>, vector<1x16xf32>,
      %swap3A_982 = vector.shape_cast %swap3A_981 : vector<1x16xf32> to vector<16xf32>
      %swap3A_983 = vector.shape_cast %get3A_963 : vector<16xf32> to vector<1x16xf32>
      tpu.vector_store %arg14[%swap3A_979, %swap3A_980], %swap3A_983 {add = true, strides = array<i32>} : memref<8x1024xf32, #tpu.memory_space<vmem>>, vector<1x16xf32>,
      %scan3A_984 = arith.constant 0 : i32
      scf.yield %scan3A_984 : i32
    }
    %scan3A_453 = arith.constant 256 : i32
    %add3A_454 = arith.constant 0 : i32
    %add3A_455 = arith.addi %add3A_454, %mul3A_2 : i32
    %add3A_456 = arith.constant 24 : i32
    %add3A_457 = arith.addi %add3A_455, %add3A_456 : i32
    %dma_start3A_458 = arith.constant 0 : i32
    %dma_start3A_459 = tpu.memref_slice %arg5[%add3A_457, %dma_start3A_458] : memref<8192x1024xf32, #tpu.memory_space<hbm>> -> memref<8x1024xf32, #tpu.memory_space<hbm>>
    %dma_start3A_460 = arith.constant 0 : i32
    %dma_start3A_461 = tpu.memref_slice %arg5[%add3A_457, %dma_start3A_460] : memref<8192x1024xf32, #tpu.memory_space<hbm>> -> memref<8x1024xf32, #tpu.memory_space<hbm>>
    tpu.enqueue_dma source(%arg11 : memref<8x1024xf32, #tpu.memory_space<vmem>>) target(%dma_start3A_461 : memref<8x1024xf32, #tpu.memory_space<hbm>>) target_semaphore(%arg29 : memref<!tpu.dma_semaphore, #tpu.memory_space<semaphore_mem>>)
    %add3A_462 = arith.constant 2048 : i32
    %add3A_463 = arith.addi %add3A_462, %mul3A_2 : i32
    %add3A_464 = arith.constant 24 : i32
    %add3A_465 = arith.addi %add3A_463, %add3A_464 : i32
    %dma_start3A_466 = arith.constant 0 : i32
    %dma_start3A_467 = tpu.memref_slice %arg5[%add3A_465, %dma_start3A_466] : memref<8192x1024xf32, #tpu.memory_space<hbm>> -> memref<8x1024xf32, #tpu.memory_space<hbm>>
    %dma_start3A_468 = arith.constant 0 : i32
    %dma_start3A_469 = tpu.memref_slice %arg5[%add3A_465, %dma_start3A_468] : memref<8192x1024xf32, #tpu.memory_space<hbm>> -> memref<8x1024xf32, #tpu.memory_space<hbm>>
    tpu.enqueue_dma source(%arg12 : memref<8x1024xf32, #tpu.memory_space<vmem>>) target(%dma_start3A_469 : memref<8x1024xf32, #tpu.memory_space<hbm>>) target_semaphore(%arg30 : memref<!tpu.dma_semaphore, #tpu.memory_space<semaphore_mem>>)
    %add3A_470 = arith.constant 4096 : i32
    %add3A_471 = arith.addi %add3A_470, %mul3A_2 : i32
    %add3A_472 = arith.constant 24 : i32
    %add3A_473 = arith.addi %add3A_471, %add3A_472 : i32
    %dma_start3A_474 = arith.constant 0 : i32
    %dma_start3A_475 = tpu.memref_slice %arg5[%add3A_473, %dma_start3A_474] : memref<8192x1024xf32, #tpu.memory_space<hbm>> -> memref<8x1024xf32, #tpu.memory_space<hbm>>
    %dma_start3A_476 = arith.constant 0 : i32
    %dma_start3A_477 = tpu.memref_slice %arg5[%add3A_473, %dma_start3A_476] : memref<8192x1024xf32, #tpu.memory_space<hbm>> -> memref<8x1024xf32, #tpu.memory_space<hbm>>
    tpu.enqueue_dma source(%arg13 : memref<8x1024xf32, #tpu.memory_space<vmem>>) target(%dma_start3A_477 : memref<8x1024xf32, #tpu.memory_space<hbm>>) target_semaphore(%arg31 : memref<!tpu.dma_semaphore, #tpu.memory_space<semaphore_mem>>)
    %add3A_478 = arith.constant 6144 : i32
    %add3A_479 = arith.addi %add3A_478, %mul3A_2 : i32
    %add3A_480 = arith.constant 24 : i32
    %add3A_481 = arith.addi %add3A_479, %add3A_480 : i32
    %dma_start3A_482 = arith.constant 0 : i32
    %dma_start3A_483 = tpu.memref_slice %arg5[%add3A_481, %dma_start3A_482] : memref<8192x1024xf32, #tpu.memory_space<hbm>> -> memref<8x1024xf32, #tpu.memory_space<hbm>>
    %dma_start3A_484 = arith.constant 0 : i32
    %dma_start3A_485 = tpu.memref_slice %arg5[%add3A_481, %dma_start3A_484] : memref<8192x1024xf32, #tpu.memory_space<hbm>> -> memref<8x1024xf32, #tpu.memory_space<hbm>>
    tpu.enqueue_dma source(%arg14 : memref<8x1024xf32, #tpu.memory_space<vmem>>) target(%dma_start3A_485 : memref<8x1024xf32, #tpu.memory_space<hbm>>) target_semaphore(%arg32 : memref<!tpu.dma_semaphore, #tpu.memory_space<semaphore_mem>>)
    %add3A_486 = arith.constant 40 : i32
    %add3A_487 = arith.addi %mul3A_2, %add3A_486 : i32
    %dma_start3A_488 = arith.constant 0 : i32
    %dma_start3A_489 = tpu.memref_slice %arg4[%add3A_487, %dma_start3A_488] : memref<2048x1024xf32, #tpu.memory_space<hbm>> -> memref<8x1024xf32, #tpu.memory_space<hbm>>
    %dma_start3A_490 = arith.constant 0 : i32
    %dma_start3A_491 = tpu.memref_slice %arg4[%add3A_487, %dma_start3A_490] : memref<2048x1024xf32, #tpu.memory_space<hbm>> -> memref<8x1024xf32, #tpu.memory_space<hbm>>
    tpu.enqueue_dma source(%dma_start3A_491 : memref<8x1024xf32, #tpu.memory_space<hbm>>) target(%arg16 : memref<8x1024xf32, #tpu.memory_space<vmem>>) target_semaphore(%arg34 : memref<!tpu.dma_semaphore, #tpu.memory_space<semaphore_mem>>)
    %dma_wait3A_492 = arith.constant 0 : i32
    %dma_wait3A_493 = tpu.memref_slice %arg5[%add3A_457, %dma_wait3A_492] : memref<8192x1024xf32, #tpu.memory_space<hbm>> -> memref<8x1024xf32, #tpu.memory_space<hbm>>
    %dma_wait3A_494 = arith.constant 0 : i32
    %dma_wait3A_495 = tpu.memref_slice %arg5[%add3A_457, %dma_wait3A_494] : memref<8192x1024xf32, #tpu.memory_space<hbm>> -> memref<8x1024xf32, #tpu.memory_space<hbm>>
    tpu.wait_dma2 semaphore(%arg29 : memref<!tpu.dma_semaphore, #tpu.memory_space<semaphore_mem>>) src(%arg11 : memref<8x1024xf32, #tpu.memory_space<vmem>>) dst(%dma_wait3A_495 : memref<8x1024xf32, #tpu.memory_space<hbm>>)
    %dma_wait3A_496 = arith.constant 0 : i32
    %dma_wait3A_497 = tpu.memref_slice %arg5[%add3A_465, %dma_wait3A_496] : memref<8192x1024xf32, #tpu.memory_space<hbm>> -> memref<8x1024xf32, #tpu.memory_space<hbm>>
    %dma_wait3A_498 = arith.constant 0 : i32
    %dma_wait3A_499 = tpu.memref_slice %arg5[%add3A_465, %dma_wait3A_498] : memref<8192x1024xf32, #tpu.memory_space<hbm>> -> memref<8x1024xf32, #tpu.memory_space<hbm>>
    tpu.wait_dma2 semaphore(%arg30 : memref<!tpu.dma_semaphore, #tpu.memory_space<semaphore_mem>>) src(%arg12 : memref<8x1024xf32, #tpu.memory_space<vmem>>) dst(%dma_wait3A_499 : memref<8x1024xf32, #tpu.memory_space<hbm>>)
    %dma_wait3A_500 = arith.constant 0 : i32
    %dma_wait3A_501 = tpu.memref_slice %arg5[%add3A_473, %dma_wait3A_500] : memref<8192x1024xf32, #tpu.memory_space<hbm>> -> memref<8x1024xf32, #tpu.memory_space<hbm>>
    %dma_wait3A_502 = arith.constant 0 : i32
    %dma_wait3A_503 = tpu.memref_slice %arg5[%add3A_473, %dma_wait3A_502] : memref<8192x1024xf32, #tpu.memory_space<hbm>> -> memref<8x1024xf32, #tpu.memory_space<hbm>>
    tpu.wait_dma2 semaphore(%arg31 : memref<!tpu.dma_semaphore, #tpu.memory_space<semaphore_mem>>) src(%arg13 : memref<8x1024xf32, #tpu.memory_space<vmem>>) dst(%dma_wait3A_503 : memref<8x1024xf32, #tpu.memory_space<hbm>>)
    %dma_wait3A_504 = arith.constant 0 : i32
    %dma_wait3A_505 = tpu.memref_slice %arg5[%add3A_481, %dma_wait3A_504] : memref<8192x1024xf32, #tpu.memory_space<hbm>> -> memref<8x1024xf32, #tpu.memory_space<hbm>>
    %dma_wait3A_506 = arith.constant 0 : i32
    %dma_wait3A_507 = tpu.memref_slice %arg5[%add3A_481, %dma_wait3A_506] : memref<8192x1024xf32, #tpu.memory_space<hbm>> -> memref<8x1024xf32, #tpu.memory_space<hbm>>
    tpu.wait_dma2 semaphore(%arg32 : memref<!tpu.dma_semaphore, #tpu.memory_space<semaphore_mem>>) src(%arg14 : memref<8x1024xf32, #tpu.memory_space<vmem>>) dst(%dma_wait3A_507 : memref<8x1024xf32, #tpu.memory_space<hbm>>)
    %dma_start3A_508 = arith.constant 40 : i32
    %dma_start3A_509 = tpu.memref_slice %arg6[%dma_start3A_508] : memref<256xi32, #tpu.memory_space<vmem>> -> memref<8xi32, #tpu.memory_space<vmem>>
    %dma_start3A_510 = arith.constant 0 : i32
    %dma_start3A_511 = arith.constant 0 : i32
    %dma_start3A_512 = tpu.memref_slice %arg3[%dma_start3A_510, %dma_start3A_511] : memref<100000x1024xf32, #tpu.memory_space<hbm>> -> memref<100000x1024xf32, #tpu.memory_space<hbm>>
    tpu.enqueue_indirect_dma source(%dma_start3A_512 : memref<100000x1024xf32, #tpu.memory_space<hbm>>) target(%arg11 : memref<8x1024xf32, #tpu.memory_space<vmem>>) offsets(%dma_start3A_509 : memref<8xi32, #tpu.memory_space<vmem>>) semaphore(%arg21 : memref<!tpu.dma_semaphore, #tpu.memory_space<semaphore_mem>>)
    %dma_start3A_513 = arith.constant 104 : i32
    %dma_start3A_514 = tpu.memref_slice %arg6[%dma_start3A_513] : memref<256xi32, #tpu.memory_space<vmem>> -> memref<8xi32, #tpu.memory_space<vmem>>
    %dma_start3A_515 = arith.constant 0 : i32
    %dma_start3A_516 = arith.constant 0 : i32
    %dma_start3A_517 = tpu.memref_slice %arg3[%dma_start3A_515, %dma_start3A_516] : memref<100000x1024xf32, #tpu.memory_space<hbm>> -> memref<100000x1024xf32, #tpu.memory_space<hbm>>
    tpu.enqueue_indirect_dma source(%dma_start3A_517 : memref<100000x1024xf32, #tpu.memory_space<hbm>>) target(%arg12 : memref<8x1024xf32, #tpu.memory_space<vmem>>) offsets(%dma_start3A_514 : memref<8xi32, #tpu.memory_space<vmem>>) semaphore(%arg22 : memref<!tpu.dma_semaphore, #tpu.memory_space<semaphore_mem>>)
    %dma_start3A_518 = arith.constant 168 : i32
    %dma_start3A_519 = tpu.memref_slice %arg6[%dma_start3A_518] : memref<256xi32, #tpu.memory_space<vmem>> -> memref<8xi32, #tpu.memory_space<vmem>>
    %dma_start3A_520 = arith.constant 0 : i32
    %dma_start3A_521 = arith.constant 0 : i32
    %dma_start3A_522 = tpu.memref_slice %arg3[%dma_start3A_520, %dma_start3A_521] : memref<100000x1024xf32, #tpu.memory_space<hbm>> -> memref<100000x1024xf32, #tpu.memory_space<hbm>>
    tpu.enqueue_indirect_dma source(%dma_start3A_522 : memref<100000x1024xf32, #tpu.memory_space<hbm>>) target(%arg13 : memref<8x1024xf32, #tpu.memory_space<vmem>>) offsets(%dma_start3A_519 : memref<8xi32, #tpu.memory_space<vmem>>) semaphore(%arg23 : memref<!tpu.dma_semaphore, #tpu.memory_space<semaphore_mem>>)
    %dma_start3A_523 = arith.constant 232 : i32
    %dma_start3A_524 = tpu.memref_slice %arg6[%dma_start3A_523] : memref<256xi32, #tpu.memory_space<vmem>> -> memref<8xi32, #tpu.memory_space<vmem>>
    %dma_start3A_525 = arith.constant 0 : i32
    %dma_start3A_526 = arith.constant 0 : i32
    %dma_start3A_527 = tpu.memref_slice %arg3[%dma_start3A_525, %dma_start3A_526] : memref<100000x1024xf32, #tpu.memory_space<hbm>> -> memref<100000x1024xf32, #tpu.memory_space<hbm>>
    tpu.enqueue_indirect_dma source(%dma_start3A_527 : memref<100000x1024xf32, #tpu.memory_space<hbm>>) target(%arg14 : memref<8x1024xf32, #tpu.memory_space<vmem>>) offsets(%dma_start3A_524 : memref<8xi32, #tpu.memory_space<vmem>>) semaphore(%arg24 : memref<!tpu.dma_semaphore, #tpu.memory_space<semaphore_mem>>)
    %dma_wait3A_528 = arith.constant 0 : i32
    %dma_wait3A_529 = tpu.memref_slice %arg4[%add3A_382, %dma_wait3A_528] : memref<2048x1024xf32, #tpu.memory_space<hbm>> -> memref<8x1024xf32, #tpu.memory_space<hbm>>
    %dma_wait3A_530 = arith.constant 0 : i32
    %dma_wait3A_531 = tpu.memref_slice %arg4[%add3A_382, %dma_wait3A_530] : memref<2048x1024xf32, #tpu.memory_space<hbm>> -> memref<8x1024xf32, #tpu.memory_space<hbm>>
    tpu.wait_dma2 semaphore(%arg33 : memref<!tpu.dma_semaphore, #tpu.memory_space<semaphore_mem>>) src(%dma_wait3A_531 : memref<8x1024xf32, #tpu.memory_space<hbm>>) dst(%arg15 : memref<8x1024xf32, #tpu.memory_space<vmem>>)
    %dma_wait3A_532 = arith.constant 32 : i32
    %dma_wait3A_533 = tpu.memref_slice %arg6[%dma_wait3A_532] : memref<256xi32, #tpu.memory_space<vmem>> -> memref<8xi32, #tpu.memory_space<vmem>>
    %dma_wait3A_534 = arith.constant 0 : i32
    %dma_wait3A_535 = arith.constant 0 : i32
    %dma_wait3A_536 = tpu.memref_slice %arg3[%dma_wait3A_534, %dma_wait3A_535] : memref<100000x1024xf32, #tpu.memory_space<hbm>> -> memref<100000x1024xf32, #tpu.memory_space<hbm>>
    tpu.wait_indirect_dma semaphore(%arg17 : memref<!tpu.dma_semaphore, #tpu.memory_space<semaphore_mem>>) src(%dma_wait3A_536 : memref<100000x1024xf32, #tpu.memory_space<hbm>>) dst(%arg7 : memref<8x1024xf32, #tpu.memory_space<vmem>>)
    %dma_wait3A_537 = arith.constant 96 : i32
    %dma_wait3A_538 = tpu.memref_slice %arg6[%dma_wait3A_537] : memref<256xi32, #tpu.memory_space<vmem>> -> memref<8xi32, #tpu.memory_space<vmem>>
    %dma_wait3A_539 = arith.constant 0 : i32
    %dma_wait3A_540 = arith.constant 0 : i32
    %dma_wait3A_541 = tpu.memref_slice %arg3[%dma_wait3A_539, %dma_wait3A_540] : memref<100000x1024xf32, #tpu.memory_space<hbm>> -> memref<100000x1024xf32, #tpu.memory_space<hbm>>
    tpu.wait_indirect_dma semaphore(%arg18 : memref<!tpu.dma_semaphore, #tpu.memory_space<semaphore_mem>>) src(%dma_wait3A_541 : memref<100000x1024xf32, #tpu.memory_space<hbm>>) dst(%arg8 : memref<8x1024xf32, #tpu.memory_space<vmem>>)
    %dma_wait3A_542 = arith.constant 160 : i32
    %dma_wait3A_543 = tpu.memref_slice %arg6[%dma_wait3A_542] : memref<256xi32, #tpu.memory_space<vmem>> -> memref<8xi32, #tpu.memory_space<vmem>>
    %dma_wait3A_544 = arith.constant 0 : i32
    %dma_wait3A_545 = arith.constant 0 : i32
    %dma_wait3A_546 = tpu.memref_slice %arg3[%dma_wait3A_544, %dma_wait3A_545] : memref<100000x1024xf32, #tpu.memory_space<hbm>> -> memref<100000x1024xf32, #tpu.memory_space<hbm>>
    tpu.wait_indirect_dma semaphore(%arg19 : memref<!tpu.dma_semaphore, #tpu.memory_space<semaphore_mem>>) src(%dma_wait3A_546 : memref<100000x1024xf32, #tpu.memory_space<hbm>>) dst(%arg9 : memref<8x1024xf32, #tpu.memory_space<vmem>>)
    %dma_wait3A_547 = arith.constant 224 : i32
    %dma_wait3A_548 = tpu.memref_slice %arg6[%dma_wait3A_547] : memref<256xi32, #tpu.memory_space<vmem>> -> memref<8xi32, #tpu.memory_space<vmem>>
    %dma_wait3A_549 = arith.constant 0 : i32
    %dma_wait3A_550 = arith.constant 0 : i32
    %dma_wait3A_551 = tpu.memref_slice %arg3[%dma_wait3A_549, %dma_wait3A_550] : memref<100000x1024xf32, #tpu.memory_space<hbm>> -> memref<100000x1024xf32, #tpu.memory_space<hbm>>
    tpu.wait_indirect_dma semaphore(%arg20 : memref<!tpu.dma_semaphore, #tpu.memory_space<semaphore_mem>>) src(%dma_wait3A_551 : memref<100000x1024xf32, #tpu.memory_space<hbm>>) dst(%arg10 : memref<8x1024xf32, #tpu.memory_space<vmem>>)
    %scan3A_552 = arith.constant 0 : i32
    %scan3A_553 = arith.constant 0 : i32
    %scan3A_554 = arith.constant 256 : i32
    %scan3A_555 = arith.addi %scan3A_553, %scan3A_554 : i32
    %scan3A_556 = arith.constant 1 : i32
    %scan3A_557 = scf.for %scan3A_896 = %scan3A_553 to %scan3A_555 step %scan3A_556 iter_args(%scan3A_897 = %scan3A_552) -> (i32)  : i32 {
      %jit3A = arith.constant 32 : i32
      %div3A = arith.divsi %scan3A_896, %jit3A : i32
      %sign3A = arith.constant 0 : i32
      %sign3A_898 = arith.cmpi sgt, %scan3A_896, %sign3A : i32
      %sign3A_899 = arith.extui %sign3A_898 : i1 to i32
      %sign3A_900 = arith.constant 0 : i32
      %sign3A_901 = arith.cmpi slt, %scan3A_896, %sign3A_900 : i32
      %sign3A_902 = arith.extui %sign3A_901 : i1 to i32
      %sign3A_903 = arith.subi %sign3A_899, %sign3A_902 : i32
      %sign3A_904 = arith.constant 0 : i32
      %sign3A_905 = arith.cmpi sgt, %jit3A, %sign3A_904 : i32
      %sign3A_906 = arith.extui %sign3A_905 : i1 to i32
      %sign3A_907 = arith.constant 0 : i32
      %sign3A_908 = arith.cmpi slt, %jit3A, %sign3A_907 : i32
      %sign3A_909 = arith.extui %sign3A_908 : i1 to i32
      %sign3A_910 = arith.subi %sign3A_906, %sign3A_909 : i32
      %ne3A = arith.cmpi ne, %sign3A_903, %sign3A_910 : i32
      %rem3A = arith.remsi %scan3A_896, %jit3A : i32
      %ne3A_911 = arith.constant 0 : i32
      %ne3A_912 = arith.cmpi ne, %rem3A, %ne3A_911 : i32
      %and3A = arith.andi %ne3A, %ne3A_912 : i1
      %sub3A = arith.constant 1 : i32
      %sub3A_913 = arith.subi %div3A, %sub3A : i32
      %select_n3A = arith.select %and3A, %sub3A_913, %div3A : i32
      %jit3A_914 = arith.constant 32 : i32
      %eq3A = arith.constant 0 : i32
      %eq3A_915 = arith.cmpi eq, %jit3A_914, %eq3A : i32
      %jit3A_916 = arith.constant 1 : i32
      %select_n3A_917 = arith.select %eq3A_915, %jit3A_916, %jit3A_914 : i32
      %rem3A_918 = arith.remsi %scan3A_896, %select_n3A_917 : i32
      %ne3A_919 = arith.constant 0 : i32
      %ne3A_920 = arith.cmpi ne, %rem3A_918, %ne3A_919 : i32
      %lt3A = arith.constant 0 : i32
      %lt3A_921 = arith.cmpi slt, %rem3A_918, %lt3A : i32
      %lt3A_922 = arith.constant 0 : i32
      %lt3A_923 = arith.cmpi slt, %select_n3A_917, %lt3A_922 : i32
      %ne3A_924 = arith.xori %lt3A_921, %lt3A_923 : i1
      %and3A_925 = arith.andi %ne3A_924, %ne3A_920 : i1
      %add3A_926 = arith.addi %rem3A_918, %select_n3A_917 : i32
      %select_n3A_927 = arith.select %and3A_925, %add3A_926, %rem3A_918 : i32
      %mul3A_928 = arith.constant 2 : i32
      %mul3A_929 = arith.muli %select_n3A_927, %mul3A_928 : i32
      %add3A_930 = arith.constant 0 : i32
      %add3A_931 = arith.addi %mul3A_929, %add3A_930 : i32
      %mul3A_932 = arith.constant 16 : i32
      %mul3A_933 = arith.muli %add3A_931, %mul3A_932 : i32
      %get3A = arith.index_cast %select_n3A : i32 to index
      %get3A_934 = arith.index_cast %mul3A_933 : i32 to index
      %get3A_935 = tpu.vector_load %arg15[%get3A, %get3A_934] {strides = array<i32>} : memref<8x1024xf32, #tpu.memory_space<vmem>>, vector<1x16xf32>,
      %get3A_936 = vector.shape_cast %get3A_935 : vector<1x16xf32> to vector<16xf32>
      %swap3A = arith.index_cast %select_n3A : i32 to index
      %swap3A_937 = arith.index_cast %mul3A_933 : i32 to index
      %swap3A_938 = tpu.vector_load %arg7[%swap3A, %swap3A_937] {strides = array<i32>} : memref<8x1024xf32, #tpu.memory_space<vmem>>, vector<1x16xf32>,
      %swap3A_939 = vector.shape_cast %swap3A_938 : vector<1x16xf32> to vector<16xf32>
      %swap3A_940 = vector.shape_cast %get3A_936 : vector<16xf32> to vector<1x16xf32>
      tpu.vector_store %arg7[%swap3A, %swap3A_937], %swap3A_940 {add = true, strides = array<i32>} : memref<8x1024xf32, #tpu.memory_space<vmem>>, vector<1x16xf32>,
      %swap3A_941 = arith.index_cast %select_n3A : i32 to index
      %swap3A_942 = arith.index_cast %mul3A_933 : i32 to index
      %swap3A_943 = tpu.vector_load %arg8[%swap3A_941, %swap3A_942] {strides = array<i32>} : memref<8x1024xf32, #tpu.memory_space<vmem>>, vector<1x16xf32>,
      %swap3A_944 = vector.shape_cast %swap3A_943 : vector<1x16xf32> to vector<16xf32>
      %swap3A_945 = vector.shape_cast %get3A_936 : vector<16xf32> to vector<1x16xf32>
      tpu.vector_store %arg8[%swap3A_941, %swap3A_942], %swap3A_945 {add = true, strides = array<i32>} : memref<8x1024xf32, #tpu.memory_space<vmem>>, vector<1x16xf32>,
      %swap3A_946 = arith.index_cast %select_n3A : i32 to index
      %swap3A_947 = arith.index_cast %mul3A_933 : i32 to index
      %swap3A_948 = tpu.vector_load %arg9[%swap3A_946, %swap3A_947] {strides = array<i32>} : memref<8x1024xf32, #tpu.memory_space<vmem>>, vector<1x16xf32>,
      %swap3A_949 = vector.shape_cast %swap3A_948 : vector<1x16xf32> to vector<16xf32>
      %swap3A_950 = vector.shape_cast %get3A_936 : vector<16xf32> to vector<1x16xf32>
      tpu.vector_store %arg9[%swap3A_946, %swap3A_947], %swap3A_950 {add = true, strides = array<i32>} : memref<8x1024xf32, #tpu.memory_space<vmem>>, vector<1x16xf32>,
      %swap3A_951 = arith.index_cast %select_n3A : i32 to index
      %swap3A_952 = arith.index_cast %mul3A_933 : i32 to index
      %swap3A_953 = tpu.vector_load %arg10[%swap3A_951, %swap3A_952] {strides = array<i32>} : memref<8x1024xf32, #tpu.memory_space<vmem>>, vector<1x16xf32>,
      %swap3A_954 = vector.shape_cast %swap3A_953 : vector<1x16xf32> to vector<16xf32>
      %swap3A_955 = vector.shape_cast %get3A_936 : vector<16xf32> to vector<1x16xf32>
      tpu.vector_store %arg10[%swap3A_951, %swap3A_952], %swap3A_955 {add = true, strides = array<i32>} : memref<8x1024xf32, #tpu.memory_space<vmem>>, vector<1x16xf32>,
      %add3A_956 = arith.constant 1 : i32
      %add3A_957 = arith.addi %mul3A_929, %add3A_956 : i32
      %mul3A_958 = arith.constant 16 : i32
      %mul3A_959 = arith.muli %add3A_957, %mul3A_958 : i32
      %get3A_960 = arith.index_cast %select_n3A : i32 to index
      %get3A_961 = arith.index_cast %mul3A_959 : i32 to index
      %get3A_962 = tpu.vector_load %arg15[%get3A_960, %get3A_961] {strides = array<i32>} : memref<8x1024xf32, #tpu.memory_space<vmem>>, vector<1x16xf32>,
      %get3A_963 = vector.shape_cast %get3A_962 : vector<1x16xf32> to vector<16xf32>
      %swap3A_964 = arith.index_cast %select_n3A : i32 to index
      %swap3A_965 = arith.index_cast %mul3A_959 : i32 to index
      %swap3A_966 = tpu.vector_load %arg7[%swap3A_964, %swap3A_965] {strides = array<i32>} : memref<8x1024xf32, #tpu.memory_space<vmem>>, vector<1x16xf32>,
      %swap3A_967 = vector.shape_cast %swap3A_966 : vector<1x16xf32> to vector<16xf32>
      %swap3A_968 = vector.shape_cast %get3A_963 : vector<16xf32> to vector<1x16xf32>
      tpu.vector_store %arg7[%swap3A_964, %swap3A_965], %swap3A_968 {add = true, strides = array<i32>} : memref<8x1024xf32, #tpu.memory_space<vmem>>, vector<1x16xf32>,
      %swap3A_969 = arith.index_cast %select_n3A : i32 to index
      %swap3A_970 = arith.index_cast %mul3A_959 : i32 to index
      %swap3A_971 = tpu.vector_load %arg8[%swap3A_969, %swap3A_970] {strides = array<i32>} : memref<8x1024xf32, #tpu.memory_space<vmem>>, vector<1x16xf32>,
      %swap3A_972 = vector.shape_cast %swap3A_971 : vector<1x16xf32> to vector<16xf32>
      %swap3A_973 = vector.shape_cast %get3A_963 : vector<16xf32> to vector<1x16xf32>
      tpu.vector_store %arg8[%swap3A_969, %swap3A_970], %swap3A_973 {add = true, strides = array<i32>} : memref<8x1024xf32, #tpu.memory_space<vmem>>, vector<1x16xf32>,
      %swap3A_974 = arith.index_cast %select_n3A : i32 to index
      %swap3A_975 = arith.index_cast %mul3A_959 : i32 to index
      %swap3A_976 = tpu.vector_load %arg9[%swap3A_974, %swap3A_975] {strides = array<i32>} : memref<8x1024xf32, #tpu.memory_space<vmem>>, vector<1x16xf32>,
      %swap3A_977 = vector.shape_cast %swap3A_976 : vector<1x16xf32> to vector<16xf32>
      %swap3A_978 = vector.shape_cast %get3A_963 : vector<16xf32> to vector<1x16xf32>
      tpu.vector_store %arg9[%swap3A_974, %swap3A_975], %swap3A_978 {add = true, strides = array<i32>} : memref<8x1024xf32, #tpu.memory_space<vmem>>, vector<1x16xf32>,
      %swap3A_979 = arith.index_cast %select_n3A : i32 to index
      %swap3A_980 = arith.index_cast %mul3A_959 : i32 to index
      %swap3A_981 = tpu.vector_load %arg10[%swap3A_979, %swap3A_980] {strides = array<i32>} : memref<8x1024xf32, #tpu.memory_space<vmem>>, vector<1x16xf32>,
      %swap3A_982 = vector.shape_cast %swap3A_981 : vector<1x16xf32> to vector<16xf32>
      %swap3A_983 = vector.shape_cast %get3A_963 : vector<16xf32> to vector<1x16xf32>
      tpu.vector_store %arg10[%swap3A_979, %swap3A_980], %swap3A_983 {add = true, strides = array<i32>} : memref<8x1024xf32, #tpu.memory_space<vmem>>, vector<1x16xf32>,
      %scan3A_984 = arith.constant 0 : i32
      scf.yield %scan3A_984 : i32
    }
    %scan3A_558 = arith.constant 256 : i32
    %add3A_559 = arith.constant 0 : i32
    %add3A_560 = arith.addi %add3A_559, %mul3A_2 : i32
    %add3A_561 = arith.constant 32 : i32
    %add3A_562 = arith.addi %add3A_560, %add3A_561 : i32
    %dma_start3A_563 = arith.constant 0 : i32
    %dma_start3A_564 = tpu.memref_slice %arg5[%add3A_562, %dma_start3A_563] : memref<8192x1024xf32, #tpu.memory_space<hbm>> -> memref<8x1024xf32, #tpu.memory_space<hbm>>
    %dma_start3A_565 = arith.constant 0 : i32
    %dma_start3A_566 = tpu.memref_slice %arg5[%add3A_562, %dma_start3A_565] : memref<8192x1024xf32, #tpu.memory_space<hbm>> -> memref<8x1024xf32, #tpu.memory_space<hbm>>
    tpu.enqueue_dma source(%arg7 : memref<8x1024xf32, #tpu.memory_space<vmem>>) target(%dma_start3A_566 : memref<8x1024xf32, #tpu.memory_space<hbm>>) target_semaphore(%arg25 : memref<!tpu.dma_semaphore, #tpu.memory_space<semaphore_mem>>)
    %add3A_567 = arith.constant 2048 : i32
    %add3A_568 = arith.addi %add3A_567, %mul3A_2 : i32
    %add3A_569 = arith.constant 32 : i32
    %add3A_570 = arith.addi %add3A_568, %add3A_569 : i32
    %dma_start3A_571 = arith.constant 0 : i32
    %dma_start3A_572 = tpu.memref_slice %arg5[%add3A_570, %dma_start3A_571] : memref<8192x1024xf32, #tpu.memory_space<hbm>> -> memref<8x1024xf32, #tpu.memory_space<hbm>>
    %dma_start3A_573 = arith.constant 0 : i32
    %dma_start3A_574 = tpu.memref_slice %arg5[%add3A_570, %dma_start3A_573] : memref<8192x1024xf32, #tpu.memory_space<hbm>> -> memref<8x1024xf32, #tpu.memory_space<hbm>>
    tpu.enqueue_dma source(%arg8 : memref<8x1024xf32, #tpu.memory_space<vmem>>) target(%dma_start3A_574 : memref<8x1024xf32, #tpu.memory_space<hbm>>) target_semaphore(%arg26 : memref<!tpu.dma_semaphore, #tpu.memory_space<semaphore_mem>>)
    %add3A_575 = arith.constant 4096 : i32
    %add3A_576 = arith.addi %add3A_575, %mul3A_2 : i32
    %add3A_577 = arith.constant 32 : i32
    %add3A_578 = arith.addi %add3A_576, %add3A_577 : i32
    %dma_start3A_579 = arith.constant 0 : i32
    %dma_start3A_580 = tpu.memref_slice %arg5[%add3A_578, %dma_start3A_579] : memref<8192x1024xf32, #tpu.memory_space<hbm>> -> memref<8x1024xf32, #tpu.memory_space<hbm>>
    %dma_start3A_581 = arith.constant 0 : i32
    %dma_start3A_582 = tpu.memref_slice %arg5[%add3A_578, %dma_start3A_581] : memref<8192x1024xf32, #tpu.memory_space<hbm>> -> memref<8x1024xf32, #tpu.memory_space<hbm>>
    tpu.enqueue_dma source(%arg9 : memref<8x1024xf32, #tpu.memory_space<vmem>>) target(%dma_start3A_582 : memref<8x1024xf32, #tpu.memory_space<hbm>>) target_semaphore(%arg27 : memref<!tpu.dma_semaphore, #tpu.memory_space<semaphore_mem>>)
    %add3A_583 = arith.constant 6144 : i32
    %add3A_584 = arith.addi %add3A_583, %mul3A_2 : i32
    %add3A_585 = arith.constant 32 : i32
    %add3A_586 = arith.addi %add3A_584, %add3A_585 : i32
    %dma_start3A_587 = arith.constant 0 : i32
    %dma_start3A_588 = tpu.memref_slice %arg5[%add3A_586, %dma_start3A_587] : memref<8192x1024xf32, #tpu.memory_space<hbm>> -> memref<8x1024xf32, #tpu.memory_space<hbm>>
    %dma_start3A_589 = arith.constant 0 : i32
    %dma_start3A_590 = tpu.memref_slice %arg5[%add3A_586, %dma_start3A_589] : memref<8192x1024xf32, #tpu.memory_space<hbm>> -> memref<8x1024xf32, #tpu.memory_space<hbm>>
    tpu.enqueue_dma source(%arg10 : memref<8x1024xf32, #tpu.memory_space<vmem>>) target(%dma_start3A_590 : memref<8x1024xf32, #tpu.memory_space<hbm>>) target_semaphore(%arg28 : memref<!tpu.dma_semaphore, #tpu.memory_space<semaphore_mem>>)
    %add3A_591 = arith.constant 48 : i32
    %add3A_592 = arith.addi %mul3A_2, %add3A_591 : i32
    %dma_start3A_593 = arith.constant 0 : i32
    %dma_start3A_594 = tpu.memref_slice %arg4[%add3A_592, %dma_start3A_593] : memref<2048x1024xf32, #tpu.memory_space<hbm>> -> memref<8x1024xf32, #tpu.memory_space<hbm>>
    %dma_start3A_595 = arith.constant 0 : i32
    %dma_start3A_596 = tpu.memref_slice %arg4[%add3A_592, %dma_start3A_595] : memref<2048x1024xf32, #tpu.memory_space<hbm>> -> memref<8x1024xf32, #tpu.memory_space<hbm>>
    tpu.enqueue_dma source(%dma_start3A_596 : memref<8x1024xf32, #tpu.memory_space<hbm>>) target(%arg15 : memref<8x1024xf32, #tpu.memory_space<vmem>>) target_semaphore(%arg33 : memref<!tpu.dma_semaphore, #tpu.memory_space<semaphore_mem>>)
    %dma_wait3A_597 = arith.constant 0 : i32
    %dma_wait3A_598 = tpu.memref_slice %arg5[%add3A_562, %dma_wait3A_597] : memref<8192x1024xf32, #tpu.memory_space<hbm>> -> memref<8x1024xf32, #tpu.memory_space<hbm>>
    %dma_wait3A_599 = arith.constant 0 : i32
    %dma_wait3A_600 = tpu.memref_slice %arg5[%add3A_562, %dma_wait3A_599] : memref<8192x1024xf32, #tpu.memory_space<hbm>> -> memref<8x1024xf32, #tpu.memory_space<hbm>>
    tpu.wait_dma2 semaphore(%arg25 : memref<!tpu.dma_semaphore, #tpu.memory_space<semaphore_mem>>) src(%arg7 : memref<8x1024xf32, #tpu.memory_space<vmem>>) dst(%dma_wait3A_600 : memref<8x1024xf32, #tpu.memory_space<hbm>>)
    %dma_wait3A_601 = arith.constant 0 : i32
    %dma_wait3A_602 = tpu.memref_slice %arg5[%add3A_570, %dma_wait3A_601] : memref<8192x1024xf32, #tpu.memory_space<hbm>> -> memref<8x1024xf32, #tpu.memory_space<hbm>>
    %dma_wait3A_603 = arith.constant 0 : i32
    %dma_wait3A_604 = tpu.memref_slice %arg5[%add3A_570, %dma_wait3A_603] : memref<8192x1024xf32, #tpu.memory_space<hbm>> -> memref<8x1024xf32, #tpu.memory_space<hbm>>
    tpu.wait_dma2 semaphore(%arg26 : memref<!tpu.dma_semaphore, #tpu.memory_space<semaphore_mem>>) src(%arg8 : memref<8x1024xf32, #tpu.memory_space<vmem>>) dst(%dma_wait3A_604 : memref<8x1024xf32, #tpu.memory_space<hbm>>)
    %dma_wait3A_605 = arith.constant 0 : i32
    %dma_wait3A_606 = tpu.memref_slice %arg5[%add3A_578, %dma_wait3A_605] : memref<8192x1024xf32, #tpu.memory_space<hbm>> -> memref<8x1024xf32, #tpu.memory_space<hbm>>
    %dma_wait3A_607 = arith.constant 0 : i32
    %dma_wait3A_608 = tpu.memref_slice %arg5[%add3A_578, %dma_wait3A_607] : memref<8192x1024xf32, #tpu.memory_space<hbm>> -> memref<8x1024xf32, #tpu.memory_space<hbm>>
    tpu.wait_dma2 semaphore(%arg27 : memref<!tpu.dma_semaphore, #tpu.memory_space<semaphore_mem>>) src(%arg9 : memref<8x1024xf32, #tpu.memory_space<vmem>>) dst(%dma_wait3A_608 : memref<8x1024xf32, #tpu.memory_space<hbm>>)
    %dma_wait3A_609 = arith.constant 0 : i32
    %dma_wait3A_610 = tpu.memref_slice %arg5[%add3A_586, %dma_wait3A_609] : memref<8192x1024xf32, #tpu.memory_space<hbm>> -> memref<8x1024xf32, #tpu.memory_space<hbm>>
    %dma_wait3A_611 = arith.constant 0 : i32
    %dma_wait3A_612 = tpu.memref_slice %arg5[%add3A_586, %dma_wait3A_611] : memref<8192x1024xf32, #tpu.memory_space<hbm>> -> memref<8x1024xf32, #tpu.memory_space<hbm>>
    tpu.wait_dma2 semaphore(%arg28 : memref<!tpu.dma_semaphore, #tpu.memory_space<semaphore_mem>>) src(%arg10 : memref<8x1024xf32, #tpu.memory_space<vmem>>) dst(%dma_wait3A_612 : memref<8x1024xf32, #tpu.memory_space<hbm>>)
    %dma_start3A_613 = arith.constant 48 : i32
    %dma_start3A_614 = tpu.memref_slice %arg6[%dma_start3A_613] : memref<256xi32, #tpu.memory_space<vmem>> -> memref<8xi32, #tpu.memory_space<vmem>>
    %dma_start3A_615 = arith.constant 0 : i32
    %dma_start3A_616 = arith.constant 0 : i32
    %dma_start3A_617 = tpu.memref_slice %arg3[%dma_start3A_615, %dma_start3A_616] : memref<100000x1024xf32, #tpu.memory_space<hbm>> -> memref<100000x1024xf32, #tpu.memory_space<hbm>>
    tpu.enqueue_indirect_dma source(%dma_start3A_617 : memref<100000x1024xf32, #tpu.memory_space<hbm>>) target(%arg7 : memref<8x1024xf32, #tpu.memory_space<vmem>>) offsets(%dma_start3A_614 : memref<8xi32, #tpu.memory_space<vmem>>) semaphore(%arg17 : memref<!tpu.dma_semaphore, #tpu.memory_space<semaphore_mem>>)
    %dma_start3A_618 = arith.constant 112 : i32
    %dma_start3A_619 = tpu.memref_slice %arg6[%dma_start3A_618] : memref<256xi32, #tpu.memory_space<vmem>> -> memref<8xi32, #tpu.memory_space<vmem>>
    %dma_start3A_620 = arith.constant 0 : i32
    %dma_start3A_621 = arith.constant 0 : i32
    %dma_start3A_622 = tpu.memref_slice %arg3[%dma_start3A_620, %dma_start3A_621] : memref<100000x1024xf32, #tpu.memory_space<hbm>> -> memref<100000x1024xf32, #tpu.memory_space<hbm>>
    tpu.enqueue_indirect_dma source(%dma_start3A_622 : memref<100000x1024xf32, #tpu.memory_space<hbm>>) target(%arg8 : memref<8x1024xf32, #tpu.memory_space<vmem>>) offsets(%dma_start3A_619 : memref<8xi32, #tpu.memory_space<vmem>>) semaphore(%arg18 : memref<!tpu.dma_semaphore, #tpu.memory_space<semaphore_mem>>)
    %dma_start3A_623 = arith.constant 176 : i32
    %dma_start3A_624 = tpu.memref_slice %arg6[%dma_start3A_623] : memref<256xi32, #tpu.memory_space<vmem>> -> memref<8xi32, #tpu.memory_space<vmem>>
    %dma_start3A_625 = arith.constant 0 : i32
    %dma_start3A_626 = arith.constant 0 : i32
    %dma_start3A_627 = tpu.memref_slice %arg3[%dma_start3A_625, %dma_start3A_626] : memref<100000x1024xf32, #tpu.memory_space<hbm>> -> memref<100000x1024xf32, #tpu.memory_space<hbm>>
    tpu.enqueue_indirect_dma source(%dma_start3A_627 : memref<100000x1024xf32, #tpu.memory_space<hbm>>) target(%arg9 : memref<8x1024xf32, #tpu.memory_space<vmem>>) offsets(%dma_start3A_624 : memref<8xi32, #tpu.memory_space<vmem>>) semaphore(%arg19 : memref<!tpu.dma_semaphore, #tpu.memory_space<semaphore_mem>>)
    %dma_start3A_628 = arith.constant 240 : i32
    %dma_start3A_629 = tpu.memref_slice %arg6[%dma_start3A_628] : memref<256xi32, #tpu.memory_space<vmem>> -> memref<8xi32, #tpu.memory_space<vmem>>
    %dma_start3A_630 = arith.constant 0 : i32
    %dma_start3A_631 = arith.constant 0 : i32
    %dma_start3A_632 = tpu.memref_slice %arg3[%dma_start3A_630, %dma_start3A_631] : memref<100000x1024xf32, #tpu.memory_space<hbm>> -> memref<100000x1024xf32, #tpu.memory_space<hbm>>
    tpu.enqueue_indirect_dma source(%dma_start3A_632 : memref<100000x1024xf32, #tpu.memory_space<hbm>>) target(%arg10 : memref<8x1024xf32, #tpu.memory_space<vmem>>) offsets(%dma_start3A_629 : memref<8xi32, #tpu.memory_space<vmem>>) semaphore(%arg20 : memref<!tpu.dma_semaphore, #tpu.memory_space<semaphore_mem>>)
    %dma_wait3A_633 = arith.constant 0 : i32
    %dma_wait3A_634 = tpu.memref_slice %arg4[%add3A_487, %dma_wait3A_633] : memref<2048x1024xf32, #tpu.memory_space<hbm>> -> memref<8x1024xf32, #tpu.memory_space<hbm>>
    %dma_wait3A_635 = arith.constant 0 : i32
    %dma_wait3A_636 = tpu.memref_slice %arg4[%add3A_487, %dma_wait3A_635] : memref<2048x1024xf32, #tpu.memory_space<hbm>> -> memref<8x1024xf32, #tpu.memory_space<hbm>>
    tpu.wait_dma2 semaphore(%arg34 : memref<!tpu.dma_semaphore, #tpu.memory_space<semaphore_mem>>) src(%dma_wait3A_636 : memref<8x1024xf32, #tpu.memory_space<hbm>>) dst(%arg16 : memref<8x1024xf32, #tpu.memory_space<vmem>>)
    %dma_wait3A_637 = arith.constant 40 : i32
    %dma_wait3A_638 = tpu.memref_slice %arg6[%dma_wait3A_637] : memref<256xi32, #tpu.memory_space<vmem>> -> memref<8xi32, #tpu.memory_space<vmem>>
    %dma_wait3A_639 = arith.constant 0 : i32
    %dma_wait3A_640 = arith.constant 0 : i32
    %dma_wait3A_641 = tpu.memref_slice %arg3[%dma_wait3A_639, %dma_wait3A_640] : memref<100000x1024xf32, #tpu.memory_space<hbm>> -> memref<100000x1024xf32, #tpu.memory_space<hbm>>
    tpu.wait_indirect_dma semaphore(%arg21 : memref<!tpu.dma_semaphore, #tpu.memory_space<semaphore_mem>>) src(%dma_wait3A_641 : memref<100000x1024xf32, #tpu.memory_space<hbm>>) dst(%arg11 : memref<8x1024xf32, #tpu.memory_space<vmem>>)
    %dma_wait3A_642 = arith.constant 104 : i32
    %dma_wait3A_643 = tpu.memref_slice %arg6[%dma_wait3A_642] : memref<256xi32, #tpu.memory_space<vmem>> -> memref<8xi32, #tpu.memory_space<vmem>>
    %dma_wait3A_644 = arith.constant 0 : i32
    %dma_wait3A_645 = arith.constant 0 : i32
    %dma_wait3A_646 = tpu.memref_slice %arg3[%dma_wait3A_644, %dma_wait3A_645] : memref<100000x1024xf32, #tpu.memory_space<hbm>> -> memref<100000x1024xf32, #tpu.memory_space<hbm>>
    tpu.wait_indirect_dma semaphore(%arg22 : memref<!tpu.dma_semaphore, #tpu.memory_space<semaphore_mem>>) src(%dma_wait3A_646 : memref<100000x1024xf32, #tpu.memory_space<hbm>>) dst(%arg12 : memref<8x1024xf32, #tpu.memory_space<vmem>>)
    %dma_wait3A_647 = arith.constant 168 : i32
    %dma_wait3A_648 = tpu.memref_slice %arg6[%dma_wait3A_647] : memref<256xi32, #tpu.memory_space<vmem>> -> memref<8xi32, #tpu.memory_space<vmem>>
    %dma_wait3A_649 = arith.constant 0 : i32
    %dma_wait3A_650 = arith.constant 0 : i32
    %dma_wait3A_651 = tpu.memref_slice %arg3[%dma_wait3A_649, %dma_wait3A_650] : memref<100000x1024xf32, #tpu.memory_space<hbm>> -> memref<100000x1024xf32, #tpu.memory_space<hbm>>
    tpu.wait_indirect_dma semaphore(%arg23 : memref<!tpu.dma_semaphore, #tpu.memory_space<semaphore_mem>>) src(%dma_wait3A_651 : memref<100000x1024xf32, #tpu.memory_space<hbm>>) dst(%arg13 : memref<8x1024xf32, #tpu.memory_space<vmem>>)
    %dma_wait3A_652 = arith.constant 232 : i32
    %dma_wait3A_653 = tpu.memref_slice %arg6[%dma_wait3A_652] : memref<256xi32, #tpu.memory_space<vmem>> -> memref<8xi32, #tpu.memory_space<vmem>>
    %dma_wait3A_654 = arith.constant 0 : i32
    %dma_wait3A_655 = arith.constant 0 : i32
    %dma_wait3A_656 = tpu.memref_slice %arg3[%dma_wait3A_654, %dma_wait3A_655] : memref<100000x1024xf32, #tpu.memory_space<hbm>> -> memref<100000x1024xf32, #tpu.memory_space<hbm>>
    tpu.wait_indirect_dma semaphore(%arg24 : memref<!tpu.dma_semaphore, #tpu.memory_space<semaphore_mem>>) src(%dma_wait3A_656 : memref<100000x1024xf32, #tpu.memory_space<hbm>>) dst(%arg14 : memref<8x1024xf32, #tpu.memory_space<vmem>>)
    %scan3A_657 = arith.constant 0 : i32
    %scan3A_658 = arith.constant 0 : i32
    %scan3A_659 = arith.constant 256 : i32
    %scan3A_660 = arith.addi %scan3A_658, %scan3A_659 : i32
    %scan3A_661 = arith.constant 1 : i32
    %scan3A_662 = scf.for %scan3A_896 = %scan3A_658 to %scan3A_660 step %scan3A_661 iter_args(%scan3A_897 = %scan3A_657) -> (i32)  : i32 {
      %jit3A = arith.constant 32 : i32
      %div3A = arith.divsi %scan3A_896, %jit3A : i32
      %sign3A = arith.constant 0 : i32
      %sign3A_898 = arith.cmpi sgt, %scan3A_896, %sign3A : i32
      %sign3A_899 = arith.extui %sign3A_898 : i1 to i32
      %sign3A_900 = arith.constant 0 : i32
      %sign3A_901 = arith.cmpi slt, %scan3A_896, %sign3A_900 : i32
      %sign3A_902 = arith.extui %sign3A_901 : i1 to i32
      %sign3A_903 = arith.subi %sign3A_899, %sign3A_902 : i32
      %sign3A_904 = arith.constant 0 : i32
      %sign3A_905 = arith.cmpi sgt, %jit3A, %sign3A_904 : i32
      %sign3A_906 = arith.extui %sign3A_905 : i1 to i32
      %sign3A_907 = arith.constant 0 : i32
      %sign3A_908 = arith.cmpi slt, %jit3A, %sign3A_907 : i32
      %sign3A_909 = arith.extui %sign3A_908 : i1 to i32
      %sign3A_910 = arith.subi %sign3A_906, %sign3A_909 : i32
      %ne3A = arith.cmpi ne, %sign3A_903, %sign3A_910 : i32
      %rem3A = arith.remsi %scan3A_896, %jit3A : i32
      %ne3A_911 = arith.constant 0 : i32
      %ne3A_912 = arith.cmpi ne, %rem3A, %ne3A_911 : i32
      %and3A = arith.andi %ne3A, %ne3A_912 : i1
      %sub3A = arith.constant 1 : i32
      %sub3A_913 = arith.subi %div3A, %sub3A : i32
      %select_n3A = arith.select %and3A, %sub3A_913, %div3A : i32
      %jit3A_914 = arith.constant 32 : i32
      %eq3A = arith.constant 0 : i32
      %eq3A_915 = arith.cmpi eq, %jit3A_914, %eq3A : i32
      %jit3A_916 = arith.constant 1 : i32
      %select_n3A_917 = arith.select %eq3A_915, %jit3A_916, %jit3A_914 : i32
      %rem3A_918 = arith.remsi %scan3A_896, %select_n3A_917 : i32
      %ne3A_919 = arith.constant 0 : i32
      %ne3A_920 = arith.cmpi ne, %rem3A_918, %ne3A_919 : i32
      %lt3A = arith.constant 0 : i32
      %lt3A_921 = arith.cmpi slt, %rem3A_918, %lt3A : i32
      %lt3A_922 = arith.constant 0 : i32
      %lt3A_923 = arith.cmpi slt, %select_n3A_917, %lt3A_922 : i32
      %ne3A_924 = arith.xori %lt3A_921, %lt3A_923 : i1
      %and3A_925 = arith.andi %ne3A_924, %ne3A_920 : i1
      %add3A_926 = arith.addi %rem3A_918, %select_n3A_917 : i32
      %select_n3A_927 = arith.select %and3A_925, %add3A_926, %rem3A_918 : i32
      %mul3A_928 = arith.constant 2 : i32
      %mul3A_929 = arith.muli %select_n3A_927, %mul3A_928 : i32
      %add3A_930 = arith.constant 0 : i32
      %add3A_931 = arith.addi %mul3A_929, %add3A_930 : i32
      %mul3A_932 = arith.constant 16 : i32
      %mul3A_933 = arith.muli %add3A_931, %mul3A_932 : i32
      %get3A = arith.index_cast %select_n3A : i32 to index
      %get3A_934 = arith.index_cast %mul3A_933 : i32 to index
      %get3A_935 = tpu.vector_load %arg16[%get3A, %get3A_934] {strides = array<i32>} : memref<8x1024xf32, #tpu.memory_space<vmem>>, vector<1x16xf32>,
      %get3A_936 = vector.shape_cast %get3A_935 : vector<1x16xf32> to vector<16xf32>
      %swap3A = arith.index_cast %select_n3A : i32 to index
      %swap3A_937 = arith.index_cast %mul3A_933 : i32 to index
      %swap3A_938 = tpu.vector_load %arg11[%swap3A, %swap3A_937] {strides = array<i32>} : memref<8x1024xf32, #tpu.memory_space<vmem>>, vector<1x16xf32>,
      %swap3A_939 = vector.shape_cast %swap3A_938 : vector<1x16xf32> to vector<16xf32>
      %swap3A_940 = vector.shape_cast %get3A_936 : vector<16xf32> to vector<1x16xf32>
      tpu.vector_store %arg11[%swap3A, %swap3A_937], %swap3A_940 {add = true, strides = array<i32>} : memref<8x1024xf32, #tpu.memory_space<vmem>>, vector<1x16xf32>,
      %swap3A_941 = arith.index_cast %select_n3A : i32 to index
      %swap3A_942 = arith.index_cast %mul3A_933 : i32 to index
      %swap3A_943 = tpu.vector_load %arg12[%swap3A_941, %swap3A_942] {strides = array<i32>} : memref<8x1024xf32, #tpu.memory_space<vmem>>, vector<1x16xf32>,
      %swap3A_944 = vector.shape_cast %swap3A_943 : vector<1x16xf32> to vector<16xf32>
      %swap3A_945 = vector.shape_cast %get3A_936 : vector<16xf32> to vector<1x16xf32>
      tpu.vector_store %arg12[%swap3A_941, %swap3A_942], %swap3A_945 {add = true, strides = array<i32>} : memref<8x1024xf32, #tpu.memory_space<vmem>>, vector<1x16xf32>,
      %swap3A_946 = arith.index_cast %select_n3A : i32 to index
      %swap3A_947 = arith.index_cast %mul3A_933 : i32 to index
      %swap3A_948 = tpu.vector_load %arg13[%swap3A_946, %swap3A_947] {strides = array<i32>} : memref<8x1024xf32, #tpu.memory_space<vmem>>, vector<1x16xf32>,
      %swap3A_949 = vector.shape_cast %swap3A_948 : vector<1x16xf32> to vector<16xf32>
      %swap3A_950 = vector.shape_cast %get3A_936 : vector<16xf32> to vector<1x16xf32>
      tpu.vector_store %arg13[%swap3A_946, %swap3A_947], %swap3A_950 {add = true, strides = array<i32>} : memref<8x1024xf32, #tpu.memory_space<vmem>>, vector<1x16xf32>,
      %swap3A_951 = arith.index_cast %select_n3A : i32 to index
      %swap3A_952 = arith.index_cast %mul3A_933 : i32 to index
      %swap3A_953 = tpu.vector_load %arg14[%swap3A_951, %swap3A_952] {strides = array<i32>} : memref<8x1024xf32, #tpu.memory_space<vmem>>, vector<1x16xf32>,
      %swap3A_954 = vector.shape_cast %swap3A_953 : vector<1x16xf32> to vector<16xf32>
      %swap3A_955 = vector.shape_cast %get3A_936 : vector<16xf32> to vector<1x16xf32>
      tpu.vector_store %arg14[%swap3A_951, %swap3A_952], %swap3A_955 {add = true, strides = array<i32>} : memref<8x1024xf32, #tpu.memory_space<vmem>>, vector<1x16xf32>,
      %add3A_956 = arith.constant 1 : i32
      %add3A_957 = arith.addi %mul3A_929, %add3A_956 : i32
      %mul3A_958 = arith.constant 16 : i32
      %mul3A_959 = arith.muli %add3A_957, %mul3A_958 : i32
      %get3A_960 = arith.index_cast %select_n3A : i32 to index
      %get3A_961 = arith.index_cast %mul3A_959 : i32 to index
      %get3A_962 = tpu.vector_load %arg16[%get3A_960, %get3A_961] {strides = array<i32>} : memref<8x1024xf32, #tpu.memory_space<vmem>>, vector<1x16xf32>,
      %get3A_963 = vector.shape_cast %get3A_962 : vector<1x16xf32> to vector<16xf32>
      %swap3A_964 = arith.index_cast %select_n3A : i32 to index
      %swap3A_965 = arith.index_cast %mul3A_959 : i32 to index
      %swap3A_966 = tpu.vector_load %arg11[%swap3A_964, %swap3A_965] {strides = array<i32>} : memref<8x1024xf32, #tpu.memory_space<vmem>>, vector<1x16xf32>,
      %swap3A_967 = vector.shape_cast %swap3A_966 : vector<1x16xf32> to vector<16xf32>
      %swap3A_968 = vector.shape_cast %get3A_963 : vector<16xf32> to vector<1x16xf32>
      tpu.vector_store %arg11[%swap3A_964, %swap3A_965], %swap3A_968 {add = true, strides = array<i32>} : memref<8x1024xf32, #tpu.memory_space<vmem>>, vector<1x16xf32>,
      %swap3A_969 = arith.index_cast %select_n3A : i32 to index
      %swap3A_970 = arith.index_cast %mul3A_959 : i32 to index
      %swap3A_971 = tpu.vector_load %arg12[%swap3A_969, %swap3A_970] {strides = array<i32>} : memref<8x1024xf32, #tpu.memory_space<vmem>>, vector<1x16xf32>,
      %swap3A_972 = vector.shape_cast %swap3A_971 : vector<1x16xf32> to vector<16xf32>
      %swap3A_973 = vector.shape_cast %get3A_963 : vector<16xf32> to vector<1x16xf32>
      tpu.vector_store %arg12[%swap3A_969, %swap3A_970], %swap3A_973 {add = true, strides = array<i32>} : memref<8x1024xf32, #tpu.memory_space<vmem>>, vector<1x16xf32>,
      %swap3A_974 = arith.index_cast %select_n3A : i32 to index
      %swap3A_975 = arith.index_cast %mul3A_959 : i32 to index
      %swap3A_976 = tpu.vector_load %arg13[%swap3A_974, %swap3A_975] {strides = array<i32>} : memref<8x1024xf32, #tpu.memory_space<vmem>>, vector<1x16xf32>,
      %swap3A_977 = vector.shape_cast %swap3A_976 : vector<1x16xf32> to vector<16xf32>
      %swap3A_978 = vector.shape_cast %get3A_963 : vector<16xf32> to vector<1x16xf32>
      tpu.vector_store %arg13[%swap3A_974, %swap3A_975], %swap3A_978 {add = true, strides = array<i32>} : memref<8x1024xf32, #tpu.memory_space<vmem>>, vector<1x16xf32>,
      %swap3A_979 = arith.index_cast %select_n3A : i32 to index
      %swap3A_980 = arith.index_cast %mul3A_959 : i32 to index
      %swap3A_981 = tpu.vector_load %arg14[%swap3A_979, %swap3A_980] {strides = array<i32>} : memref<8x1024xf32, #tpu.memory_space<vmem>>, vector<1x16xf32>,
      %swap3A_982 = vector.shape_cast %swap3A_981 : vector<1x16xf32> to vector<16xf32>
      %swap3A_983 = vector.shape_cast %get3A_963 : vector<16xf32> to vector<1x16xf32>
      tpu.vector_store %arg14[%swap3A_979, %swap3A_980], %swap3A_983 {add = true, strides = array<i32>} : memref<8x1024xf32, #tpu.memory_space<vmem>>, vector<1x16xf32>,
      %scan3A_984 = arith.constant 0 : i32
      scf.yield %scan3A_984 : i32
    }
    %scan3A_663 = arith.constant 256 : i32
    %add3A_664 = arith.constant 0 : i32
    %add3A_665 = arith.addi %add3A_664, %mul3A_2 : i32
    %add3A_666 = arith.constant 40 : i32
    %add3A_667 = arith.addi %add3A_665, %add3A_666 : i32
    %dma_start3A_668 = arith.constant 0 : i32
    %dma_start3A_669 = tpu.memref_slice %arg5[%add3A_667, %dma_start3A_668] : memref<8192x1024xf32, #tpu.memory_space<hbm>> -> memref<8x1024xf32, #tpu.memory_space<hbm>>
    %dma_start3A_670 = arith.constant 0 : i32
    %dma_start3A_671 = tpu.memref_slice %arg5[%add3A_667, %dma_start3A_670] : memref<8192x1024xf32, #tpu.memory_space<hbm>> -> memref<8x1024xf32, #tpu.memory_space<hbm>>
    tpu.enqueue_dma source(%arg11 : memref<8x1024xf32, #tpu.memory_space<vmem>>) target(%dma_start3A_671 : memref<8x1024xf32, #tpu.memory_space<hbm>>) target_semaphore(%arg29 : memref<!tpu.dma_semaphore, #tpu.memory_space<semaphore_mem>>)
    %add3A_672 = arith.constant 2048 : i32
    %add3A_673 = arith.addi %add3A_672, %mul3A_2 : i32
    %add3A_674 = arith.constant 40 : i32
    %add3A_675 = arith.addi %add3A_673, %add3A_674 : i32
    %dma_start3A_676 = arith.constant 0 : i32
    %dma_start3A_677 = tpu.memref_slice %arg5[%add3A_675, %dma_start3A_676] : memref<8192x1024xf32, #tpu.memory_space<hbm>> -> memref<8x1024xf32, #tpu.memory_space<hbm>>
    %dma_start3A_678 = arith.constant 0 : i32
    %dma_start3A_679 = tpu.memref_slice %arg5[%add3A_675, %dma_start3A_678] : memref<8192x1024xf32, #tpu.memory_space<hbm>> -> memref<8x1024xf32, #tpu.memory_space<hbm>>
    tpu.enqueue_dma source(%arg12 : memref<8x1024xf32, #tpu.memory_space<vmem>>) target(%dma_start3A_679 : memref<8x1024xf32, #tpu.memory_space<hbm>>) target_semaphore(%arg30 : memref<!tpu.dma_semaphore, #tpu.memory_space<semaphore_mem>>)
    %add3A_680 = arith.constant 4096 : i32
    %add3A_681 = arith.addi %add3A_680, %mul3A_2 : i32
    %add3A_682 = arith.constant 40 : i32
    %add3A_683 = arith.addi %add3A_681, %add3A_682 : i32
    %dma_start3A_684 = arith.constant 0 : i32
    %dma_start3A_685 = tpu.memref_slice %arg5[%add3A_683, %dma_start3A_684] : memref<8192x1024xf32, #tpu.memory_space<hbm>> -> memref<8x1024xf32, #tpu.memory_space<hbm>>
    %dma_start3A_686 = arith.constant 0 : i32
    %dma_start3A_687 = tpu.memref_slice %arg5[%add3A_683, %dma_start3A_686] : memref<8192x1024xf32, #tpu.memory_space<hbm>> -> memref<8x1024xf32, #tpu.memory_space<hbm>>
    tpu.enqueue_dma source(%arg13 : memref<8x1024xf32, #tpu.memory_space<vmem>>) target(%dma_start3A_687 : memref<8x1024xf32, #tpu.memory_space<hbm>>) target_semaphore(%arg31 : memref<!tpu.dma_semaphore, #tpu.memory_space<semaphore_mem>>)
    %add3A_688 = arith.constant 6144 : i32
    %add3A_689 = arith.addi %add3A_688, %mul3A_2 : i32
    %add3A_690 = arith.constant 40 : i32
    %add3A_691 = arith.addi %add3A_689, %add3A_690 : i32
    %dma_start3A_692 = arith.constant 0 : i32
    %dma_start3A_693 = tpu.memref_slice %arg5[%add3A_691, %dma_start3A_692] : memref<8192x1024xf32, #tpu.memory_space<hbm>> -> memref<8x1024xf32, #tpu.memory_space<hbm>>
    %dma_start3A_694 = arith.constant 0 : i32
    %dma_start3A_695 = tpu.memref_slice %arg5[%add3A_691, %dma_start3A_694] : memref<8192x1024xf32, #tpu.memory_space<hbm>> -> memref<8x1024xf32, #tpu.memory_space<hbm>>
    tpu.enqueue_dma source(%arg14 : memref<8x1024xf32, #tpu.memory_space<vmem>>) target(%dma_start3A_695 : memref<8x1024xf32, #tpu.memory_space<hbm>>) target_semaphore(%arg32 : memref<!tpu.dma_semaphore, #tpu.memory_space<semaphore_mem>>)
    %add3A_696 = arith.constant 56 : i32
    %add3A_697 = arith.addi %mul3A_2, %add3A_696 : i32
    %dma_start3A_698 = arith.constant 0 : i32
    %dma_start3A_699 = tpu.memref_slice %arg4[%add3A_697, %dma_start3A_698] : memref<2048x1024xf32, #tpu.memory_space<hbm>> -> memref<8x1024xf32, #tpu.memory_space<hbm>>
    %dma_start3A_700 = arith.constant 0 : i32
    %dma_start3A_701 = tpu.memref_slice %arg4[%add3A_697, %dma_start3A_700] : memref<2048x1024xf32, #tpu.memory_space<hbm>> -> memref<8x1024xf32, #tpu.memory_space<hbm>>
    tpu.enqueue_dma source(%dma_start3A_701 : memref<8x1024xf32, #tpu.memory_space<hbm>>) target(%arg16 : memref<8x1024xf32, #tpu.memory_space<vmem>>) target_semaphore(%arg34 : memref<!tpu.dma_semaphore, #tpu.memory_space<semaphore_mem>>)
    %dma_wait3A_702 = arith.constant 0 : i32
    %dma_wait3A_703 = tpu.memref_slice %arg5[%add3A_667, %dma_wait3A_702] : memref<8192x1024xf32, #tpu.memory_space<hbm>> -> memref<8x1024xf32, #tpu.memory_space<hbm>>
    %dma_wait3A_704 = arith.constant 0 : i32
    %dma_wait3A_705 = tpu.memref_slice %arg5[%add3A_667, %dma_wait3A_704] : memref<8192x1024xf32, #tpu.memory_space<hbm>> -> memref<8x1024xf32, #tpu.memory_space<hbm>>
    tpu.wait_dma2 semaphore(%arg29 : memref<!tpu.dma_semaphore, #tpu.memory_space<semaphore_mem>>) src(%arg11 : memref<8x1024xf32, #tpu.memory_space<vmem>>) dst(%dma_wait3A_705 : memref<8x1024xf32, #tpu.memory_space<hbm>>)
    %dma_wait3A_706 = arith.constant 0 : i32
    %dma_wait3A_707 = tpu.memref_slice %arg5[%add3A_675, %dma_wait3A_706] : memref<8192x1024xf32, #tpu.memory_space<hbm>> -> memref<8x1024xf32, #tpu.memory_space<hbm>>
    %dma_wait3A_708 = arith.constant 0 : i32
    %dma_wait3A_709 = tpu.memref_slice %arg5[%add3A_675, %dma_wait3A_708] : memref<8192x1024xf32, #tpu.memory_space<hbm>> -> memref<8x1024xf32, #tpu.memory_space<hbm>>
    tpu.wait_dma2 semaphore(%arg30 : memref<!tpu.dma_semaphore, #tpu.memory_space<semaphore_mem>>) src(%arg12 : memref<8x1024xf32, #tpu.memory_space<vmem>>) dst(%dma_wait3A_709 : memref<8x1024xf32, #tpu.memory_space<hbm>>)
    %dma_wait3A_710 = arith.constant 0 : i32
    %dma_wait3A_711 = tpu.memref_slice %arg5[%add3A_683, %dma_wait3A_710] : memref<8192x1024xf32, #tpu.memory_space<hbm>> -> memref<8x1024xf32, #tpu.memory_space<hbm>>
    %dma_wait3A_712 = arith.constant 0 : i32
    %dma_wait3A_713 = tpu.memref_slice %arg5[%add3A_683, %dma_wait3A_712] : memref<8192x1024xf32, #tpu.memory_space<hbm>> -> memref<8x1024xf32, #tpu.memory_space<hbm>>
    tpu.wait_dma2 semaphore(%arg31 : memref<!tpu.dma_semaphore, #tpu.memory_space<semaphore_mem>>) src(%arg13 : memref<8x1024xf32, #tpu.memory_space<vmem>>) dst(%dma_wait3A_713 : memref<8x1024xf32, #tpu.memory_space<hbm>>)
    %dma_wait3A_714 = arith.constant 0 : i32
    %dma_wait3A_715 = tpu.memref_slice %arg5[%add3A_691, %dma_wait3A_714] : memref<8192x1024xf32, #tpu.memory_space<hbm>> -> memref<8x1024xf32, #tpu.memory_space<hbm>>
    %dma_wait3A_716 = arith.constant 0 : i32
    %dma_wait3A_717 = tpu.memref_slice %arg5[%add3A_691, %dma_wait3A_716] : memref<8192x1024xf32, #tpu.memory_space<hbm>> -> memref<8x1024xf32, #tpu.memory_space<hbm>>
    tpu.wait_dma2 semaphore(%arg32 : memref<!tpu.dma_semaphore, #tpu.memory_space<semaphore_mem>>) src(%arg14 : memref<8x1024xf32, #tpu.memory_space<vmem>>) dst(%dma_wait3A_717 : memref<8x1024xf32, #tpu.memory_space<hbm>>)
    %dma_start3A_718 = arith.constant 56 : i32
    %dma_start3A_719 = tpu.memref_slice %arg6[%dma_start3A_718] : memref<256xi32, #tpu.memory_space<vmem>> -> memref<8xi32, #tpu.memory_space<vmem>>
    %dma_start3A_720 = arith.constant 0 : i32
    %dma_start3A_721 = arith.constant 0 : i32
    %dma_start3A_722 = tpu.memref_slice %arg3[%dma_start3A_720, %dma_start3A_721] : memref<100000x1024xf32, #tpu.memory_space<hbm>> -> memref<100000x1024xf32, #tpu.memory_space<hbm>>
    tpu.enqueue_indirect_dma source(%dma_start3A_722 : memref<100000x1024xf32, #tpu.memory_space<hbm>>) target(%arg11 : memref<8x1024xf32, #tpu.memory_space<vmem>>) offsets(%dma_start3A_719 : memref<8xi32, #tpu.memory_space<vmem>>) semaphore(%arg21 : memref<!tpu.dma_semaphore, #tpu.memory_space<semaphore_mem>>)
    %dma_start3A_723 = arith.constant 120 : i32
    %dma_start3A_724 = tpu.memref_slice %arg6[%dma_start3A_723] : memref<256xi32, #tpu.memory_space<vmem>> -> memref<8xi32, #tpu.memory_space<vmem>>
    %dma_start3A_725 = arith.constant 0 : i32
    %dma_start3A_726 = arith.constant 0 : i32
    %dma_start3A_727 = tpu.memref_slice %arg3[%dma_start3A_725, %dma_start3A_726] : memref<100000x1024xf32, #tpu.memory_space<hbm>> -> memref<100000x1024xf32, #tpu.memory_space<hbm>>
    tpu.enqueue_indirect_dma source(%dma_start3A_727 : memref<100000x1024xf32, #tpu.memory_space<hbm>>) target(%arg12 : memref<8x1024xf32, #tpu.memory_space<vmem>>) offsets(%dma_start3A_724 : memref<8xi32, #tpu.memory_space<vmem>>) semaphore(%arg22 : memref<!tpu.dma_semaphore, #tpu.memory_space<semaphore_mem>>)
    %dma_start3A_728 = arith.constant 184 : i32
    %dma_start3A_729 = tpu.memref_slice %arg6[%dma_start3A_728] : memref<256xi32, #tpu.memory_space<vmem>> -> memref<8xi32, #tpu.memory_space<vmem>>
    %dma_start3A_730 = arith.constant 0 : i32
    %dma_start3A_731 = arith.constant 0 : i32
    %dma_start3A_732 = tpu.memref_slice %arg3[%dma_start3A_730, %dma_start3A_731] : memref<100000x1024xf32, #tpu.memory_space<hbm>> -> memref<100000x1024xf32, #tpu.memory_space<hbm>>
    tpu.enqueue_indirect_dma source(%dma_start3A_732 : memref<100000x1024xf32, #tpu.memory_space<hbm>>) target(%arg13 : memref<8x1024xf32, #tpu.memory_space<vmem>>) offsets(%dma_start3A_729 : memref<8xi32, #tpu.memory_space<vmem>>) semaphore(%arg23 : memref<!tpu.dma_semaphore, #tpu.memory_space<semaphore_mem>>)
    %dma_start3A_733 = arith.constant 248 : i32
    %dma_start3A_734 = tpu.memref_slice %arg6[%dma_start3A_733] : memref<256xi32, #tpu.memory_space<vmem>> -> memref<8xi32, #tpu.memory_space<vmem>>
    %dma_start3A_735 = arith.constant 0 : i32
    %dma_start3A_736 = arith.constant 0 : i32
    %dma_start3A_737 = tpu.memref_slice %arg3[%dma_start3A_735, %dma_start3A_736] : memref<100000x1024xf32, #tpu.memory_space<hbm>> -> memref<100000x1024xf32, #tpu.memory_space<hbm>>
    tpu.enqueue_indirect_dma source(%dma_start3A_737 : memref<100000x1024xf32, #tpu.memory_space<hbm>>) target(%arg14 : memref<8x1024xf32, #tpu.memory_space<vmem>>) offsets(%dma_start3A_734 : memref<8xi32, #tpu.memory_space<vmem>>) semaphore(%arg24 : memref<!tpu.dma_semaphore, #tpu.memory_space<semaphore_mem>>)
    %dma_wait3A_738 = arith.constant 0 : i32
    %dma_wait3A_739 = tpu.memref_slice %arg4[%add3A_592, %dma_wait3A_738] : memref<2048x1024xf32, #tpu.memory_space<hbm>> -> memref<8x1024xf32, #tpu.memory_space<hbm>>
    %dma_wait3A_740 = arith.constant 0 : i32
    %dma_wait3A_741 = tpu.memref_slice %arg4[%add3A_592, %dma_wait3A_740] : memref<2048x1024xf32, #tpu.memory_space<hbm>> -> memref<8x1024xf32, #tpu.memory_space<hbm>>
    tpu.wait_dma2 semaphore(%arg33 : memref<!tpu.dma_semaphore, #tpu.memory_space<semaphore_mem>>) src(%dma_wait3A_741 : memref<8x1024xf32, #tpu.memory_space<hbm>>) dst(%arg15 : memref<8x1024xf32, #tpu.memory_space<vmem>>)
    %dma_wait3A_742 = arith.constant 48 : i32
    %dma_wait3A_743 = tpu.memref_slice %arg6[%dma_wait3A_742] : memref<256xi32, #tpu.memory_space<vmem>> -> memref<8xi32, #tpu.memory_space<vmem>>
    %dma_wait3A_744 = arith.constant 0 : i32
    %dma_wait3A_745 = arith.constant 0 : i32
    %dma_wait3A_746 = tpu.memref_slice %arg3[%dma_wait3A_744, %dma_wait3A_745] : memref<100000x1024xf32, #tpu.memory_space<hbm>> -> memref<100000x1024xf32, #tpu.memory_space<hbm>>
    tpu.wait_indirect_dma semaphore(%arg17 : memref<!tpu.dma_semaphore, #tpu.memory_space<semaphore_mem>>) src(%dma_wait3A_746 : memref<100000x1024xf32, #tpu.memory_space<hbm>>) dst(%arg7 : memref<8x1024xf32, #tpu.memory_space<vmem>>)
    %dma_wait3A_747 = arith.constant 112 : i32
    %dma_wait3A_748 = tpu.memref_slice %arg6[%dma_wait3A_747] : memref<256xi32, #tpu.memory_space<vmem>> -> memref<8xi32, #tpu.memory_space<vmem>>
    %dma_wait3A_749 = arith.constant 0 : i32
    %dma_wait3A_750 = arith.constant 0 : i32
    %dma_wait3A_751 = tpu.memref_slice %arg3[%dma_wait3A_749, %dma_wait3A_750] : memref<100000x1024xf32, #tpu.memory_space<hbm>> -> memref<100000x1024xf32, #tpu.memory_space<hbm>>
    tpu.wait_indirect_dma semaphore(%arg18 : memref<!tpu.dma_semaphore, #tpu.memory_space<semaphore_mem>>) src(%dma_wait3A_751 : memref<100000x1024xf32, #tpu.memory_space<hbm>>) dst(%arg8 : memref<8x1024xf32, #tpu.memory_space<vmem>>)
    %dma_wait3A_752 = arith.constant 176 : i32
    %dma_wait3A_753 = tpu.memref_slice %arg6[%dma_wait3A_752] : memref<256xi32, #tpu.memory_space<vmem>> -> memref<8xi32, #tpu.memory_space<vmem>>
    %dma_wait3A_754 = arith.constant 0 : i32
    %dma_wait3A_755 = arith.constant 0 : i32
    %dma_wait3A_756 = tpu.memref_slice %arg3[%dma_wait3A_754, %dma_wait3A_755] : memref<100000x1024xf32, #tpu.memory_space<hbm>> -> memref<100000x1024xf32, #tpu.memory_space<hbm>>
    tpu.wait_indirect_dma semaphore(%arg19 : memref<!tpu.dma_semaphore, #tpu.memory_space<semaphore_mem>>) src(%dma_wait3A_756 : memref<100000x1024xf32, #tpu.memory_space<hbm>>) dst(%arg9 : memref<8x1024xf32, #tpu.memory_space<vmem>>)
    %dma_wait3A_757 = arith.constant 240 : i32
    %dma_wait3A_758 = tpu.memref_slice %arg6[%dma_wait3A_757] : memref<256xi32, #tpu.memory_space<vmem>> -> memref<8xi32, #tpu.memory_space<vmem>>
    %dma_wait3A_759 = arith.constant 0 : i32
    %dma_wait3A_760 = arith.constant 0 : i32
    %dma_wait3A_761 = tpu.memref_slice %arg3[%dma_wait3A_759, %dma_wait3A_760] : memref<100000x1024xf32, #tpu.memory_space<hbm>> -> memref<100000x1024xf32, #tpu.memory_space<hbm>>
    tpu.wait_indirect_dma semaphore(%arg20 : memref<!tpu.dma_semaphore, #tpu.memory_space<semaphore_mem>>) src(%dma_wait3A_761 : memref<100000x1024xf32, #tpu.memory_space<hbm>>) dst(%arg10 : memref<8x1024xf32, #tpu.memory_space<vmem>>)
    %scan3A_762 = arith.constant 0 : i32
    %scan3A_763 = arith.constant 0 : i32
    %scan3A_764 = arith.constant 256 : i32
    %scan3A_765 = arith.addi %scan3A_763, %scan3A_764 : i32
    %scan3A_766 = arith.constant 1 : i32
    %scan3A_767 = scf.for %scan3A_896 = %scan3A_763 to %scan3A_765 step %scan3A_766 iter_args(%scan3A_897 = %scan3A_762) -> (i32)  : i32 {
      %jit3A = arith.constant 32 : i32
      %div3A = arith.divsi %scan3A_896, %jit3A : i32
      %sign3A = arith.constant 0 : i32
      %sign3A_898 = arith.cmpi sgt, %scan3A_896, %sign3A : i32
      %sign3A_899 = arith.extui %sign3A_898 : i1 to i32
      %sign3A_900 = arith.constant 0 : i32
      %sign3A_901 = arith.cmpi slt, %scan3A_896, %sign3A_900 : i32
      %sign3A_902 = arith.extui %sign3A_901 : i1 to i32
      %sign3A_903 = arith.subi %sign3A_899, %sign3A_902 : i32
      %sign3A_904 = arith.constant 0 : i32
      %sign3A_905 = arith.cmpi sgt, %jit3A, %sign3A_904 : i32
      %sign3A_906 = arith.extui %sign3A_905 : i1 to i32
      %sign3A_907 = arith.constant 0 : i32
      %sign3A_908 = arith.cmpi slt, %jit3A, %sign3A_907 : i32
      %sign3A_909 = arith.extui %sign3A_908 : i1 to i32
      %sign3A_910 = arith.subi %sign3A_906, %sign3A_909 : i32
      %ne3A = arith.cmpi ne, %sign3A_903, %sign3A_910 : i32
      %rem3A = arith.remsi %scan3A_896, %jit3A : i32
      %ne3A_911 = arith.constant 0 : i32
      %ne3A_912 = arith.cmpi ne, %rem3A, %ne3A_911 : i32
      %and3A = arith.andi %ne3A, %ne3A_912 : i1
      %sub3A = arith.constant 1 : i32
      %sub3A_913 = arith.subi %div3A, %sub3A : i32
      %select_n3A = arith.select %and3A, %sub3A_913, %div3A : i32
      %jit3A_914 = arith.constant 32 : i32
      %eq3A = arith.constant 0 : i32
      %eq3A_915 = arith.cmpi eq, %jit3A_914, %eq3A : i32
      %jit3A_916 = arith.constant 1 : i32
      %select_n3A_917 = arith.select %eq3A_915, %jit3A_916, %jit3A_914 : i32
      %rem3A_918 = arith.remsi %scan3A_896, %select_n3A_917 : i32
      %ne3A_919 = arith.constant 0 : i32
      %ne3A_920 = arith.cmpi ne, %rem3A_918, %ne3A_919 : i32
      %lt3A = arith.constant 0 : i32
      %lt3A_921 = arith.cmpi slt, %rem3A_918, %lt3A : i32
      %lt3A_922 = arith.constant 0 : i32
      %lt3A_923 = arith.cmpi slt, %select_n3A_917, %lt3A_922 : i32
      %ne3A_924 = arith.xori %lt3A_921, %lt3A_923 : i1
      %and3A_925 = arith.andi %ne3A_924, %ne3A_920 : i1
      %add3A_926 = arith.addi %rem3A_918, %select_n3A_917 : i32
      %select_n3A_927 = arith.select %and3A_925, %add3A_926, %rem3A_918 : i32
      %mul3A_928 = arith.constant 2 : i32
      %mul3A_929 = arith.muli %select_n3A_927, %mul3A_928 : i32
      %add3A_930 = arith.constant 0 : i32
      %add3A_931 = arith.addi %mul3A_929, %add3A_930 : i32
      %mul3A_932 = arith.constant 16 : i32
      %mul3A_933 = arith.muli %add3A_931, %mul3A_932 : i32
      %get3A = arith.index_cast %select_n3A : i32 to index
      %get3A_934 = arith.index_cast %mul3A_933 : i32 to index
      %get3A_935 = tpu.vector_load %arg15[%get3A, %get3A_934] {strides = array<i32>} : memref<8x1024xf32, #tpu.memory_space<vmem>>, vector<1x16xf32>,
      %get3A_936 = vector.shape_cast %get3A_935 : vector<1x16xf32> to vector<16xf32>
      %swap3A = arith.index_cast %select_n3A : i32 to index
      %swap3A_937 = arith.index_cast %mul3A_933 : i32 to index
      %swap3A_938 = tpu.vector_load %arg7[%swap3A, %swap3A_937] {strides = array<i32>} : memref<8x1024xf32, #tpu.memory_space<vmem>>, vector<1x16xf32>,
      %swap3A_939 = vector.shape_cast %swap3A_938 : vector<1x16xf32> to vector<16xf32>
      %swap3A_940 = vector.shape_cast %get3A_936 : vector<16xf32> to vector<1x16xf32>
      tpu.vector_store %arg7[%swap3A, %swap3A_937], %swap3A_940 {add = true, strides = array<i32>} : memref<8x1024xf32, #tpu.memory_space<vmem>>, vector<1x16xf32>,
      %swap3A_941 = arith.index_cast %select_n3A : i32 to index
      %swap3A_942 = arith.index_cast %mul3A_933 : i32 to index
      %swap3A_943 = tpu.vector_load %arg8[%swap3A_941, %swap3A_942] {strides = array<i32>} : memref<8x1024xf32, #tpu.memory_space<vmem>>, vector<1x16xf32>,
      %swap3A_944 = vector.shape_cast %swap3A_943 : vector<1x16xf32> to vector<16xf32>
      %swap3A_945 = vector.shape_cast %get3A_936 : vector<16xf32> to vector<1x16xf32>
      tpu.vector_store %arg8[%swap3A_941, %swap3A_942], %swap3A_945 {add = true, strides = array<i32>} : memref<8x1024xf32, #tpu.memory_space<vmem>>, vector<1x16xf32>,
      %swap3A_946 = arith.index_cast %select_n3A : i32 to index
      %swap3A_947 = arith.index_cast %mul3A_933 : i32 to index
      %swap3A_948 = tpu.vector_load %arg9[%swap3A_946, %swap3A_947] {strides = array<i32>} : memref<8x1024xf32, #tpu.memory_space<vmem>>, vector<1x16xf32>,
      %swap3A_949 = vector.shape_cast %swap3A_948 : vector<1x16xf32> to vector<16xf32>
      %swap3A_950 = vector.shape_cast %get3A_936 : vector<16xf32> to vector<1x16xf32>
      tpu.vector_store %arg9[%swap3A_946, %swap3A_947], %swap3A_950 {add = true, strides = array<i32>} : memref<8x1024xf32, #tpu.memory_space<vmem>>, vector<1x16xf32>,
      %swap3A_951 = arith.index_cast %select_n3A : i32 to index
      %swap3A_952 = arith.index_cast %mul3A_933 : i32 to index
      %swap3A_953 = tpu.vector_load %arg10[%swap3A_951, %swap3A_952] {strides = array<i32>} : memref<8x1024xf32, #tpu.memory_space<vmem>>, vector<1x16xf32>,
      %swap3A_954 = vector.shape_cast %swap3A_953 : vector<1x16xf32> to vector<16xf32>
      %swap3A_955 = vector.shape_cast %get3A_936 : vector<16xf32> to vector<1x16xf32>
      tpu.vector_store %arg10[%swap3A_951, %swap3A_952], %swap3A_955 {add = true, strides = array<i32>} : memref<8x1024xf32, #tpu.memory_space<vmem>>, vector<1x16xf32>,
      %add3A_956 = arith.constant 1 : i32
      %add3A_957 = arith.addi %mul3A_929, %add3A_956 : i32
      %mul3A_958 = arith.constant 16 : i32
      %mul3A_959 = arith.muli %add3A_957, %mul3A_958 : i32
      %get3A_960 = arith.index_cast %select_n3A : i32 to index
      %get3A_961 = arith.index_cast %mul3A_959 : i32 to index
      %get3A_962 = tpu.vector_load %arg15[%get3A_960, %get3A_961] {strides = array<i32>} : memref<8x1024xf32, #tpu.memory_space<vmem>>, vector<1x16xf32>,
      %get3A_963 = vector.shape_cast %get3A_962 : vector<1x16xf32> to vector<16xf32>
      %swap3A_964 = arith.index_cast %select_n3A : i32 to index
      %swap3A_965 = arith.index_cast %mul3A_959 : i32 to index
      %swap3A_966 = tpu.vector_load %arg7[%swap3A_964, %swap3A_965] {strides = array<i32>} : memref<8x1024xf32, #tpu.memory_space<vmem>>, vector<1x16xf32>,
      %swap3A_967 = vector.shape_cast %swap3A_966 : vector<1x16xf32> to vector<16xf32>
      %swap3A_968 = vector.shape_cast %get3A_963 : vector<16xf32> to vector<1x16xf32>
      tpu.vector_store %arg7[%swap3A_964, %swap3A_965], %swap3A_968 {add = true, strides = array<i32>} : memref<8x1024xf32, #tpu.memory_space<vmem>>, vector<1x16xf32>,
      %swap3A_969 = arith.index_cast %select_n3A : i32 to index
      %swap3A_970 = arith.index_cast %mul3A_959 : i32 to index
      %swap3A_971 = tpu.vector_load %arg8[%swap3A_969, %swap3A_970] {strides = array<i32>} : memref<8x1024xf32, #tpu.memory_space<vmem>>, vector<1x16xf32>,
      %swap3A_972 = vector.shape_cast %swap3A_971 : vector<1x16xf32> to vector<16xf32>
      %swap3A_973 = vector.shape_cast %get3A_963 : vector<16xf32> to vector<1x16xf32>
      tpu.vector_store %arg8[%swap3A_969, %swap3A_970], %swap3A_973 {add = true, strides = array<i32>} : memref<8x1024xf32, #tpu.memory_space<vmem>>, vector<1x16xf32>,
      %swap3A_974 = arith.index_cast %select_n3A : i32 to index
      %swap3A_975 = arith.index_cast %mul3A_959 : i32 to index
      %swap3A_976 = tpu.vector_load %arg9[%swap3A_974, %swap3A_975] {strides = array<i32>} : memref<8x1024xf32, #tpu.memory_space<vmem>>, vector<1x16xf32>,
      %swap3A_977 = vector.shape_cast %swap3A_976 : vector<1x16xf32> to vector<16xf32>
      %swap3A_978 = vector.shape_cast %get3A_963 : vector<16xf32> to vector<1x16xf32>
      tpu.vector_store %arg9[%swap3A_974, %swap3A_975], %swap3A_978 {add = true, strides = array<i32>} : memref<8x1024xf32, #tpu.memory_space<vmem>>, vector<1x16xf32>,
      %swap3A_979 = arith.index_cast %select_n3A : i32 to index
      %swap3A_980 = arith.index_cast %mul3A_959 : i32 to index
      %swap3A_981 = tpu.vector_load %arg10[%swap3A_979, %swap3A_980] {strides = array<i32>} : memref<8x1024xf32, #tpu.memory_space<vmem>>, vector<1x16xf32>,
      %swap3A_982 = vector.shape_cast %swap3A_981 : vector<1x16xf32> to vector<16xf32>
      %swap3A_983 = vector.shape_cast %get3A_963 : vector<16xf32> to vector<1x16xf32>
      tpu.vector_store %arg10[%swap3A_979, %swap3A_980], %swap3A_983 {add = true, strides = array<i32>} : memref<8x1024xf32, #tpu.memory_space<vmem>>, vector<1x16xf32>,
      %scan3A_984 = arith.constant 0 : i32
      scf.yield %scan3A_984 : i32
    }
    %scan3A_768 = arith.constant 256 : i32
    %add3A_769 = arith.constant 0 : i32
    %add3A_770 = arith.addi %add3A_769, %mul3A_2 : i32
    %add3A_771 = arith.constant 48 : i32
    %add3A_772 = arith.addi %add3A_770, %add3A_771 : i32
    %dma_start3A_773 = arith.constant 0 : i32
    %dma_start3A_774 = tpu.memref_slice %arg5[%add3A_772, %dma_start3A_773] : memref<8192x1024xf32, #tpu.memory_space<hbm>> -> memref<8x1024xf32, #tpu.memory_space<hbm>>
    %dma_start3A_775 = arith.constant 0 : i32
    %dma_start3A_776 = tpu.memref_slice %arg5[%add3A_772, %dma_start3A_775] : memref<8192x1024xf32, #tpu.memory_space<hbm>> -> memref<8x1024xf32, #tpu.memory_space<hbm>>
    tpu.enqueue_dma source(%arg7 : memref<8x1024xf32, #tpu.memory_space<vmem>>) target(%dma_start3A_776 : memref<8x1024xf32, #tpu.memory_space<hbm>>) target_semaphore(%arg25 : memref<!tpu.dma_semaphore, #tpu.memory_space<semaphore_mem>>)
    %add3A_777 = arith.constant 2048 : i32
    %add3A_778 = arith.addi %add3A_777, %mul3A_2 : i32
    %add3A_779 = arith.constant 48 : i32
    %add3A_780 = arith.addi %add3A_778, %add3A_779 : i32
    %dma_start3A_781 = arith.constant 0 : i32
    %dma_start3A_782 = tpu.memref_slice %arg5[%add3A_780, %dma_start3A_781] : memref<8192x1024xf32, #tpu.memory_space<hbm>> -> memref<8x1024xf32, #tpu.memory_space<hbm>>
    %dma_start3A_783 = arith.constant 0 : i32
    %dma_start3A_784 = tpu.memref_slice %arg5[%add3A_780, %dma_start3A_783] : memref<8192x1024xf32, #tpu.memory_space<hbm>> -> memref<8x1024xf32, #tpu.memory_space<hbm>>
    tpu.enqueue_dma source(%arg8 : memref<8x1024xf32, #tpu.memory_space<vmem>>) target(%dma_start3A_784 : memref<8x1024xf32, #tpu.memory_space<hbm>>) target_semaphore(%arg26 : memref<!tpu.dma_semaphore, #tpu.memory_space<semaphore_mem>>)
    %add3A_785 = arith.constant 4096 : i32
    %add3A_786 = arith.addi %add3A_785, %mul3A_2 : i32
    %add3A_787 = arith.constant 48 : i32
    %add3A_788 = arith.addi %add3A_786, %add3A_787 : i32
    %dma_start3A_789 = arith.constant 0 : i32
    %dma_start3A_790 = tpu.memref_slice %arg5[%add3A_788, %dma_start3A_789] : memref<8192x1024xf32, #tpu.memory_space<hbm>> -> memref<8x1024xf32, #tpu.memory_space<hbm>>
    %dma_start3A_791 = arith.constant 0 : i32
    %dma_start3A_792 = tpu.memref_slice %arg5[%add3A_788, %dma_start3A_791] : memref<8192x1024xf32, #tpu.memory_space<hbm>> -> memref<8x1024xf32, #tpu.memory_space<hbm>>
    tpu.enqueue_dma source(%arg9 : memref<8x1024xf32, #tpu.memory_space<vmem>>) target(%dma_start3A_792 : memref<8x1024xf32, #tpu.memory_space<hbm>>) target_semaphore(%arg27 : memref<!tpu.dma_semaphore, #tpu.memory_space<semaphore_mem>>)
    %add3A_793 = arith.constant 6144 : i32
    %add3A_794 = arith.addi %add3A_793, %mul3A_2 : i32
    %add3A_795 = arith.constant 48 : i32
    %add3A_796 = arith.addi %add3A_794, %add3A_795 : i32
    %dma_start3A_797 = arith.constant 0 : i32
    %dma_start3A_798 = tpu.memref_slice %arg5[%add3A_796, %dma_start3A_797] : memref<8192x1024xf32, #tpu.memory_space<hbm>> -> memref<8x1024xf32, #tpu.memory_space<hbm>>
    %dma_start3A_799 = arith.constant 0 : i32
    %dma_start3A_800 = tpu.memref_slice %arg5[%add3A_796, %dma_start3A_799] : memref<8192x1024xf32, #tpu.memory_space<hbm>> -> memref<8x1024xf32, #tpu.memory_space<hbm>>
    tpu.enqueue_dma source(%arg10 : memref<8x1024xf32, #tpu.memory_space<vmem>>) target(%dma_start3A_800 : memref<8x1024xf32, #tpu.memory_space<hbm>>) target_semaphore(%arg28 : memref<!tpu.dma_semaphore, #tpu.memory_space<semaphore_mem>>)
    %dma_wait3A_801 = arith.constant 0 : i32
    %dma_wait3A_802 = tpu.memref_slice %arg4[%add3A_697, %dma_wait3A_801] : memref<2048x1024xf32, #tpu.memory_space<hbm>> -> memref<8x1024xf32, #tpu.memory_space<hbm>>
    %dma_wait3A_803 = arith.constant 0 : i32
    %dma_wait3A_804 = tpu.memref_slice %arg4[%add3A_697, %dma_wait3A_803] : memref<2048x1024xf32, #tpu.memory_space<hbm>> -> memref<8x1024xf32, #tpu.memory_space<hbm>>
    tpu.wait_dma2 semaphore(%arg34 : memref<!tpu.dma_semaphore, #tpu.memory_space<semaphore_mem>>) src(%dma_wait3A_804 : memref<8x1024xf32, #tpu.memory_space<hbm>>) dst(%arg16 : memref<8x1024xf32, #tpu.memory_space<vmem>>)
    %dma_wait3A_805 = arith.constant 56 : i32
    %dma_wait3A_806 = tpu.memref_slice %arg6[%dma_wait3A_805] : memref<256xi32, #tpu.memory_space<vmem>> -> memref<8xi32, #tpu.memory_space<vmem>>
    %dma_wait3A_807 = arith.constant 0 : i32
    %dma_wait3A_808 = arith.constant 0 : i32
    %dma_wait3A_809 = tpu.memref_slice %arg3[%dma_wait3A_807, %dma_wait3A_808] : memref<100000x1024xf32, #tpu.memory_space<hbm>> -> memref<100000x1024xf32, #tpu.memory_space<hbm>>
    tpu.wait_indirect_dma semaphore(%arg21 : memref<!tpu.dma_semaphore, #tpu.memory_space<semaphore_mem>>) src(%dma_wait3A_809 : memref<100000x1024xf32, #tpu.memory_space<hbm>>) dst(%arg11 : memref<8x1024xf32, #tpu.memory_space<vmem>>)
    %dma_wait3A_810 = arith.constant 120 : i32
    %dma_wait3A_811 = tpu.memref_slice %arg6[%dma_wait3A_810] : memref<256xi32, #tpu.memory_space<vmem>> -> memref<8xi32, #tpu.memory_space<vmem>>
    %dma_wait3A_812 = arith.constant 0 : i32
    %dma_wait3A_813 = arith.constant 0 : i32
    %dma_wait3A_814 = tpu.memref_slice %arg3[%dma_wait3A_812, %dma_wait3A_813] : memref<100000x1024xf32, #tpu.memory_space<hbm>> -> memref<100000x1024xf32, #tpu.memory_space<hbm>>
    tpu.wait_indirect_dma semaphore(%arg22 : memref<!tpu.dma_semaphore, #tpu.memory_space<semaphore_mem>>) src(%dma_wait3A_814 : memref<100000x1024xf32, #tpu.memory_space<hbm>>) dst(%arg12 : memref<8x1024xf32, #tpu.memory_space<vmem>>)
    %dma_wait3A_815 = arith.constant 184 : i32
    %dma_wait3A_816 = tpu.memref_slice %arg6[%dma_wait3A_815] : memref<256xi32, #tpu.memory_space<vmem>> -> memref<8xi32, #tpu.memory_space<vmem>>
    %dma_wait3A_817 = arith.constant 0 : i32
    %dma_wait3A_818 = arith.constant 0 : i32
    %dma_wait3A_819 = tpu.memref_slice %arg3[%dma_wait3A_817, %dma_wait3A_818] : memref<100000x1024xf32, #tpu.memory_space<hbm>> -> memref<100000x1024xf32, #tpu.memory_space<hbm>>
    tpu.wait_indirect_dma semaphore(%arg23 : memref<!tpu.dma_semaphore, #tpu.memory_space<semaphore_mem>>) src(%dma_wait3A_819 : memref<100000x1024xf32, #tpu.memory_space<hbm>>) dst(%arg13 : memref<8x1024xf32, #tpu.memory_space<vmem>>)
    %dma_wait3A_820 = arith.constant 248 : i32
    %dma_wait3A_821 = tpu.memref_slice %arg6[%dma_wait3A_820] : memref<256xi32, #tpu.memory_space<vmem>> -> memref<8xi32, #tpu.memory_space<vmem>>
    %dma_wait3A_822 = arith.constant 0 : i32
    %dma_wait3A_823 = arith.constant 0 : i32
    %dma_wait3A_824 = tpu.memref_slice %arg3[%dma_wait3A_822, %dma_wait3A_823] : memref<100000x1024xf32, #tpu.memory_space<hbm>> -> memref<100000x1024xf32, #tpu.memory_space<hbm>>
    tpu.wait_indirect_dma semaphore(%arg24 : memref<!tpu.dma_semaphore, #tpu.memory_space<semaphore_mem>>) src(%dma_wait3A_824 : memref<100000x1024xf32, #tpu.memory_space<hbm>>) dst(%arg14 : memref<8x1024xf32, #tpu.memory_space<vmem>>)
    %scan3A_825 = arith.constant 0 : i32
    %scan3A_826 = arith.constant 0 : i32
    %scan3A_827 = arith.constant 256 : i32
    %scan3A_828 = arith.addi %scan3A_826, %scan3A_827 : i32
    %scan3A_829 = arith.constant 1 : i32
    %scan3A_830 = scf.for %scan3A_896 = %scan3A_826 to %scan3A_828 step %scan3A_829 iter_args(%scan3A_897 = %scan3A_825) -> (i32)  : i32 {
      %jit3A = arith.constant 32 : i32
      %div3A = arith.divsi %scan3A_896, %jit3A : i32
      %sign3A = arith.constant 0 : i32
      %sign3A_898 = arith.cmpi sgt, %scan3A_896, %sign3A : i32
      %sign3A_899 = arith.extui %sign3A_898 : i1 to i32
      %sign3A_900 = arith.constant 0 : i32
      %sign3A_901 = arith.cmpi slt, %scan3A_896, %sign3A_900 : i32
      %sign3A_902 = arith.extui %sign3A_901 : i1 to i32
      %sign3A_903 = arith.subi %sign3A_899, %sign3A_902 : i32
      %sign3A_904 = arith.constant 0 : i32
      %sign3A_905 = arith.cmpi sgt, %jit3A, %sign3A_904 : i32
      %sign3A_906 = arith.extui %sign3A_905 : i1 to i32
      %sign3A_907 = arith.constant 0 : i32
      %sign3A_908 = arith.cmpi slt, %jit3A, %sign3A_907 : i32
      %sign3A_909 = arith.extui %sign3A_908 : i1 to i32
      %sign3A_910 = arith.subi %sign3A_906, %sign3A_909 : i32
      %ne3A = arith.cmpi ne, %sign3A_903, %sign3A_910 : i32
      %rem3A = arith.remsi %scan3A_896, %jit3A : i32
      %ne3A_911 = arith.constant 0 : i32
      %ne3A_912 = arith.cmpi ne, %rem3A, %ne3A_911 : i32
      %and3A = arith.andi %ne3A, %ne3A_912 : i1
      %sub3A = arith.constant 1 : i32
      %sub3A_913 = arith.subi %div3A, %sub3A : i32
      %select_n3A = arith.select %and3A, %sub3A_913, %div3A : i32
      %jit3A_914 = arith.constant 32 : i32
      %eq3A = arith.constant 0 : i32
      %eq3A_915 = arith.cmpi eq, %jit3A_914, %eq3A : i32
      %jit3A_916 = arith.constant 1 : i32
      %select_n3A_917 = arith.select %eq3A_915, %jit3A_916, %jit3A_914 : i32
      %rem3A_918 = arith.remsi %scan3A_896, %select_n3A_917 : i32
      %ne3A_919 = arith.constant 0 : i32
      %ne3A_920 = arith.cmpi ne, %rem3A_918, %ne3A_919 : i32
      %lt3A = arith.constant 0 : i32
      %lt3A_921 = arith.cmpi slt, %rem3A_918, %lt3A : i32
      %lt3A_922 = arith.constant 0 : i32
      %lt3A_923 = arith.cmpi slt, %select_n3A_917, %lt3A_922 : i32
      %ne3A_924 = arith.xori %lt3A_921, %lt3A_923 : i1
      %and3A_925 = arith.andi %ne3A_924, %ne3A_920 : i1
      %add3A_926 = arith.addi %rem3A_918, %select_n3A_917 : i32
      %select_n3A_927 = arith.select %and3A_925, %add3A_926, %rem3A_918 : i32
      %mul3A_928 = arith.constant 2 : i32
      %mul3A_929 = arith.muli %select_n3A_927, %mul3A_928 : i32
      %add3A_930 = arith.constant 0 : i32
      %add3A_931 = arith.addi %mul3A_929, %add3A_930 : i32
      %mul3A_932 = arith.constant 16 : i32
      %mul3A_933 = arith.muli %add3A_931, %mul3A_932 : i32
      %get3A = arith.index_cast %select_n3A : i32 to index
      %get3A_934 = arith.index_cast %mul3A_933 : i32 to index
      %get3A_935 = tpu.vector_load %arg16[%get3A, %get3A_934] {strides = array<i32>} : memref<8x1024xf32, #tpu.memory_space<vmem>>, vector<1x16xf32>,
      %get3A_936 = vector.shape_cast %get3A_935 : vector<1x16xf32> to vector<16xf32>
      %swap3A = arith.index_cast %select_n3A : i32 to index
      %swap3A_937 = arith.index_cast %mul3A_933 : i32 to index
      %swap3A_938 = tpu.vector_load %arg11[%swap3A, %swap3A_937] {strides = array<i32>} : memref<8x1024xf32, #tpu.memory_space<vmem>>, vector<1x16xf32>,
      %swap3A_939 = vector.shape_cast %swap3A_938 : vector<1x16xf32> to vector<16xf32>
      %swap3A_940 = vector.shape_cast %get3A_936 : vector<16xf32> to vector<1x16xf32>
      tpu.vector_store %arg11[%swap3A, %swap3A_937], %swap3A_940 {add = true, strides = array<i32>} : memref<8x1024xf32, #tpu.memory_space<vmem>>, vector<1x16xf32>,
      %swap3A_941 = arith.index_cast %select_n3A : i32 to index
      %swap3A_942 = arith.index_cast %mul3A_933 : i32 to index
      %swap3A_943 = tpu.vector_load %arg12[%swap3A_941, %swap3A_942] {strides = array<i32>} : memref<8x1024xf32, #tpu.memory_space<vmem>>, vector<1x16xf32>,
      %swap3A_944 = vector.shape_cast %swap3A_943 : vector<1x16xf32> to vector<16xf32>
      %swap3A_945 = vector.shape_cast %get3A_936 : vector<16xf32> to vector<1x16xf32>
      tpu.vector_store %arg12[%swap3A_941, %swap3A_942], %swap3A_945 {add = true, strides = array<i32>} : memref<8x1024xf32, #tpu.memory_space<vmem>>, vector<1x16xf32>,
      %swap3A_946 = arith.index_cast %select_n3A : i32 to index
      %swap3A_947 = arith.index_cast %mul3A_933 : i32 to index
      %swap3A_948 = tpu.vector_load %arg13[%swap3A_946, %swap3A_947] {strides = array<i32>} : memref<8x1024xf32, #tpu.memory_space<vmem>>, vector<1x16xf32>,
      %swap3A_949 = vector.shape_cast %swap3A_948 : vector<1x16xf32> to vector<16xf32>
      %swap3A_950 = vector.shape_cast %get3A_936 : vector<16xf32> to vector<1x16xf32>
      tpu.vector_store %arg13[%swap3A_946, %swap3A_947], %swap3A_950 {add = true, strides = array<i32>} : memref<8x1024xf32, #tpu.memory_space<vmem>>, vector<1x16xf32>,
      %swap3A_951 = arith.index_cast %select_n3A : i32 to index
      %swap3A_952 = arith.index_cast %mul3A_933 : i32 to index
      %swap3A_953 = tpu.vector_load %arg14[%swap3A_951, %swap3A_952] {strides = array<i32>} : memref<8x1024xf32, #tpu.memory_space<vmem>>, vector<1x16xf32>,
      %swap3A_954 = vector.shape_cast %swap3A_953 : vector<1x16xf32> to vector<16xf32>
      %swap3A_955 = vector.shape_cast %get3A_936 : vector<16xf32> to vector<1x16xf32>
      tpu.vector_store %arg14[%swap3A_951, %swap3A_952], %swap3A_955 {add = true, strides = array<i32>} : memref<8x1024xf32, #tpu.memory_space<vmem>>, vector<1x16xf32>,
      %add3A_956 = arith.constant 1 : i32
      %add3A_957 = arith.addi %mul3A_929, %add3A_956 : i32
      %mul3A_958 = arith.constant 16 : i32
      %mul3A_959 = arith.muli %add3A_957, %mul3A_958 : i32
      %get3A_960 = arith.index_cast %select_n3A : i32 to index
      %get3A_961 = arith.index_cast %mul3A_959 : i32 to index
      %get3A_962 = tpu.vector_load %arg16[%get3A_960, %get3A_961] {strides = array<i32>} : memref<8x1024xf32, #tpu.memory_space<vmem>>, vector<1x16xf32>,
      %get3A_963 = vector.shape_cast %get3A_962 : vector<1x16xf32> to vector<16xf32>
      %swap3A_964 = arith.index_cast %select_n3A : i32 to index
      %swap3A_965 = arith.index_cast %mul3A_959 : i32 to index
      %swap3A_966 = tpu.vector_load %arg11[%swap3A_964, %swap3A_965] {strides = array<i32>} : memref<8x1024xf32, #tpu.memory_space<vmem>>, vector<1x16xf32>,
      %swap3A_967 = vector.shape_cast %swap3A_966 : vector<1x16xf32> to vector<16xf32>
      %swap3A_968 = vector.shape_cast %get3A_963 : vector<16xf32> to vector<1x16xf32>
      tpu.vector_store %arg11[%swap3A_964, %swap3A_965], %swap3A_968 {add = true, strides = array<i32>} : memref<8x1024xf32, #tpu.memory_space<vmem>>, vector<1x16xf32>,
      %swap3A_969 = arith.index_cast %select_n3A : i32 to index
      %swap3A_970 = arith.index_cast %mul3A_959 : i32 to index
      %swap3A_971 = tpu.vector_load %arg12[%swap3A_969, %swap3A_970] {strides = array<i32>} : memref<8x1024xf32, #tpu.memory_space<vmem>>, vector<1x16xf32>,
      %swap3A_972 = vector.shape_cast %swap3A_971 : vector<1x16xf32> to vector<16xf32>
      %swap3A_973 = vector.shape_cast %get3A_963 : vector<16xf32> to vector<1x16xf32>
      tpu.vector_store %arg12[%swap3A_969, %swap3A_970], %swap3A_973 {add = true, strides = array<i32>} : memref<8x1024xf32, #tpu.memory_space<vmem>>, vector<1x16xf32>,
      %swap3A_974 = arith.index_cast %select_n3A : i32 to index
      %swap3A_975 = arith.index_cast %mul3A_959 : i32 to index
      %swap3A_976 = tpu.vector_load %arg13[%swap3A_974, %swap3A_975] {strides = array<i32>} : memref<8x1024xf32, #tpu.memory_space<vmem>>, vector<1x16xf32>,
      %swap3A_977 = vector.shape_cast %swap3A_976 : vector<1x16xf32> to vector<16xf32>
      %swap3A_978 = vector.shape_cast %get3A_963 : vector<16xf32> to vector<1x16xf32>
      tpu.vector_store %arg13[%swap3A_974, %swap3A_975], %swap3A_978 {add = true, strides = array<i32>} : memref<8x1024xf32, #tpu.memory_space<vmem>>, vector<1x16xf32>,
      %swap3A_979 = arith.index_cast %select_n3A : i32 to index
      %swap3A_980 = arith.index_cast %mul3A_959 : i32 to index
      %swap3A_981 = tpu.vector_load %arg14[%swap3A_979, %swap3A_980] {strides = array<i32>} : memref<8x1024xf32, #tpu.memory_space<vmem>>, vector<1x16xf32>,
      %swap3A_982 = vector.shape_cast %swap3A_981 : vector<1x16xf32> to vector<16xf32>
      %swap3A_983 = vector.shape_cast %get3A_963 : vector<16xf32> to vector<1x16xf32>
      tpu.vector_store %arg14[%swap3A_979, %swap3A_980], %swap3A_983 {add = true, strides = array<i32>} : memref<8x1024xf32, #tpu.memory_space<vmem>>, vector<1x16xf32>,
      %scan3A_984 = arith.constant 0 : i32
      scf.yield %scan3A_984 : i32
    }
    %scan3A_831 = arith.constant 256 : i32
    %add3A_832 = arith.constant 0 : i32
    %add3A_833 = arith.addi %add3A_832, %mul3A_2 : i32
    %add3A_834 = arith.constant 56 : i32
    %add3A_835 = arith.addi %add3A_833, %add3A_834 : i32
    %dma_start3A_836 = arith.constant 0 : i32
    %dma_start3A_837 = tpu.memref_slice %arg5[%add3A_835, %dma_start3A_836] : memref<8192x1024xf32, #tpu.memory_space<hbm>> -> memref<8x1024xf32, #tpu.memory_space<hbm>>
    %dma_start3A_838 = arith.constant 0 : i32
    %dma_start3A_839 = tpu.memref_slice %arg5[%add3A_835, %dma_start3A_838] : memref<8192x1024xf32, #tpu.memory_space<hbm>> -> memref<8x1024xf32, #tpu.memory_space<hbm>>
    tpu.enqueue_dma source(%arg11 : memref<8x1024xf32, #tpu.memory_space<vmem>>) target(%dma_start3A_839 : memref<8x1024xf32, #tpu.memory_space<hbm>>) target_semaphore(%arg29 : memref<!tpu.dma_semaphore, #tpu.memory_space<semaphore_mem>>)
    %add3A_840 = arith.constant 2048 : i32
    %add3A_841 = arith.addi %add3A_840, %mul3A_2 : i32
    %add3A_842 = arith.constant 56 : i32
    %add3A_843 = arith.addi %add3A_841, %add3A_842 : i32
    %dma_start3A_844 = arith.constant 0 : i32
    %dma_start3A_845 = tpu.memref_slice %arg5[%add3A_843, %dma_start3A_844] : memref<8192x1024xf32, #tpu.memory_space<hbm>> -> memref<8x1024xf32, #tpu.memory_space<hbm>>
    %dma_start3A_846 = arith.constant 0 : i32
    %dma_start3A_847 = tpu.memref_slice %arg5[%add3A_843, %dma_start3A_846] : memref<8192x1024xf32, #tpu.memory_space<hbm>> -> memref<8x1024xf32, #tpu.memory_space<hbm>>
    tpu.enqueue_dma source(%arg12 : memref<8x1024xf32, #tpu.memory_space<vmem>>) target(%dma_start3A_847 : memref<8x1024xf32, #tpu.memory_space<hbm>>) target_semaphore(%arg30 : memref<!tpu.dma_semaphore, #tpu.memory_space<semaphore_mem>>)
    %add3A_848 = arith.constant 4096 : i32
    %add3A_849 = arith.addi %add3A_848, %mul3A_2 : i32
    %add3A_850 = arith.constant 56 : i32
    %add3A_851 = arith.addi %add3A_849, %add3A_850 : i32
    %dma_start3A_852 = arith.constant 0 : i32
    %dma_start3A_853 = tpu.memref_slice %arg5[%add3A_851, %dma_start3A_852] : memref<8192x1024xf32, #tpu.memory_space<hbm>> -> memref<8x1024xf32, #tpu.memory_space<hbm>>
    %dma_start3A_854 = arith.constant 0 : i32
    %dma_start3A_855 = tpu.memref_slice %arg5[%add3A_851, %dma_start3A_854] : memref<8192x1024xf32, #tpu.memory_space<hbm>> -> memref<8x1024xf32, #tpu.memory_space<hbm>>
    tpu.enqueue_dma source(%arg13 : memref<8x1024xf32, #tpu.memory_space<vmem>>) target(%dma_start3A_855 : memref<8x1024xf32, #tpu.memory_space<hbm>>) target_semaphore(%arg31 : memref<!tpu.dma_semaphore, #tpu.memory_space<semaphore_mem>>)
    %add3A_856 = arith.constant 6144 : i32
    %add3A_857 = arith.addi %add3A_856, %mul3A_2 : i32
    %add3A_858 = arith.constant 56 : i32
    %add3A_859 = arith.addi %add3A_857, %add3A_858 : i32
    %dma_start3A_860 = arith.constant 0 : i32
    %dma_start3A_861 = tpu.memref_slice %arg5[%add3A_859, %dma_start3A_860] : memref<8192x1024xf32, #tpu.memory_space<hbm>> -> memref<8x1024xf32, #tpu.memory_space<hbm>>
    %dma_start3A_862 = arith.constant 0 : i32
    %dma_start3A_863 = tpu.memref_slice %arg5[%add3A_859, %dma_start3A_862] : memref<8192x1024xf32, #tpu.memory_space<hbm>> -> memref<8x1024xf32, #tpu.memory_space<hbm>>
    tpu.enqueue_dma source(%arg14 : memref<8x1024xf32, #tpu.memory_space<vmem>>) target(%dma_start3A_863 : memref<8x1024xf32, #tpu.memory_space<hbm>>) target_semaphore(%arg32 : memref<!tpu.dma_semaphore, #tpu.memory_space<semaphore_mem>>)
    %dma_wait3A_864 = arith.constant 0 : i32
    %dma_wait3A_865 = tpu.memref_slice %arg5[%add3A_772, %dma_wait3A_864] : memref<8192x1024xf32, #tpu.memory_space<hbm>> -> memref<8x1024xf32, #tpu.memory_space<hbm>>
    %dma_wait3A_866 = arith.constant 0 : i32
    %dma_wait3A_867 = tpu.memref_slice %arg5[%add3A_772, %dma_wait3A_866] : memref<8192x1024xf32, #tpu.memory_space<hbm>> -> memref<8x1024xf32, #tpu.memory_space<hbm>>
    tpu.wait_dma2 semaphore(%arg25 : memref<!tpu.dma_semaphore, #tpu.memory_space<semaphore_mem>>) src(%arg7 : memref<8x1024xf32, #tpu.memory_space<vmem>>) dst(%dma_wait3A_867 : memref<8x1024xf32, #tpu.memory_space<hbm>>)
    %dma_wait3A_868 = arith.constant 0 : i32
    %dma_wait3A_869 = tpu.memref_slice %arg5[%add3A_835, %dma_wait3A_868] : memref<8192x1024xf32, #tpu.memory_space<hbm>> -> memref<8x1024xf32, #tpu.memory_space<hbm>>
    %dma_wait3A_870 = arith.constant 0 : i32
    %dma_wait3A_871 = tpu.memref_slice %arg5[%add3A_835, %dma_wait3A_870] : memref<8192x1024xf32, #tpu.memory_space<hbm>> -> memref<8x1024xf32, #tpu.memory_space<hbm>>
    tpu.wait_dma2 semaphore(%arg29 : memref<!tpu.dma_semaphore, #tpu.memory_space<semaphore_mem>>) src(%arg11 : memref<8x1024xf32, #tpu.memory_space<vmem>>) dst(%dma_wait3A_871 : memref<8x1024xf32, #tpu.memory_space<hbm>>)
    %dma_wait3A_872 = arith.constant 0 : i32
    %dma_wait3A_873 = tpu.memref_slice %arg5[%add3A_780, %dma_wait3A_872] : memref<8192x1024xf32, #tpu.memory_space<hbm>> -> memref<8x1024xf32, #tpu.memory_space<hbm>>
    %dma_wait3A_874 = arith.constant 0 : i32
    %dma_wait3A_875 = tpu.memref_slice %arg5[%add3A_780, %dma_wait3A_874] : memref<8192x1024xf32, #tpu.memory_space<hbm>> -> memref<8x1024xf32, #tpu.memory_space<hbm>>
    tpu.wait_dma2 semaphore(%arg26 : memref<!tpu.dma_semaphore, #tpu.memory_space<semaphore_mem>>) src(%arg8 : memref<8x1024xf32, #tpu.memory_space<vmem>>) dst(%dma_wait3A_875 : memref<8x1024xf32, #tpu.memory_space<hbm>>)
    %dma_wait3A_876 = arith.constant 0 : i32
    %dma_wait3A_877 = tpu.memref_slice %arg5[%add3A_843, %dma_wait3A_876] : memref<8192x1024xf32, #tpu.memory_space<hbm>> -> memref<8x1024xf32, #tpu.memory_space<hbm>>
    %dma_wait3A_878 = arith.constant 0 : i32
    %dma_wait3A_879 = tpu.memref_slice %arg5[%add3A_843, %dma_wait3A_878] : memref<8192x1024xf32, #tpu.memory_space<hbm>> -> memref<8x1024xf32, #tpu.memory_space<hbm>>
    tpu.wait_dma2 semaphore(%arg30 : memref<!tpu.dma_semaphore, #tpu.memory_space<semaphore_mem>>) src(%arg12 : memref<8x1024xf32, #tpu.memory_space<vmem>>) dst(%dma_wait3A_879 : memref<8x1024xf32, #tpu.memory_space<hbm>>)
    %dma_wait3A_880 = arith.constant 0 : i32
    %dma_wait3A_881 = tpu.memref_slice %arg5[%add3A_788, %dma_wait3A_880] : memref<8192x1024xf32, #tpu.memory_space<hbm>> -> memref<8x1024xf32, #tpu.memory_space<hbm>>
    %dma_wait3A_882 = arith.constant 0 : i32
    %dma_wait3A_883 = tpu.memref_slice %arg5[%add3A_788, %dma_wait3A_882] : memref<8192x1024xf32, #tpu.memory_space<hbm>> -> memref<8x1024xf32, #tpu.memory_space<hbm>>
    tpu.wait_dma2 semaphore(%arg27 : memref<!tpu.dma_semaphore, #tpu.memory_space<semaphore_mem>>) src(%arg9 : memref<8x1024xf32, #tpu.memory_space<vmem>>) dst(%dma_wait3A_883 : memref<8x1024xf32, #tpu.memory_space<hbm>>)
    %dma_wait3A_884 = arith.constant 0 : i32
    %dma_wait3A_885 = tpu.memref_slice %arg5[%add3A_851, %dma_wait3A_884] : memref<8192x1024xf32, #tpu.memory_space<hbm>> -> memref<8x1024xf32, #tpu.memory_space<hbm>>
    %dma_wait3A_886 = arith.constant 0 : i32
    %dma_wait3A_887 = tpu.memref_slice %arg5[%add3A_851, %dma_wait3A_886] : memref<8192x1024xf32, #tpu.memory_space<hbm>> -> memref<8x1024xf32, #tpu.memory_space<hbm>>
    tpu.wait_dma2 semaphore(%arg31 : memref<!tpu.dma_semaphore, #tpu.memory_space<semaphore_mem>>) src(%arg13 : memref<8x1024xf32, #tpu.memory_space<vmem>>) dst(%dma_wait3A_887 : memref<8x1024xf32, #tpu.memory_space<hbm>>)
    %dma_wait3A_888 = arith.constant 0 : i32
    %dma_wait3A_889 = tpu.memref_slice %arg5[%add3A_796, %dma_wait3A_888] : memref<8192x1024xf32, #tpu.memory_space<hbm>> -> memref<8x1024xf32, #tpu.memory_space<hbm>>
    %dma_wait3A_890 = arith.constant 0 : i32
    %dma_wait3A_891 = tpu.memref_slice %arg5[%add3A_796, %dma_wait3A_890] : memref<8192x1024xf32, #tpu.memory_space<hbm>> -> memref<8x1024xf32, #tpu.memory_space<hbm>>
    tpu.wait_dma2 semaphore(%arg28 : memref<!tpu.dma_semaphore, #tpu.memory_space<semaphore_mem>>) src(%arg10 : memref<8x1024xf32, #tpu.memory_space<vmem>>) dst(%dma_wait3A_891 : memref<8x1024xf32, #tpu.memory_space<hbm>>)
    %dma_wait3A_892 = arith.constant 0 : i32
    %dma_wait3A_893 = tpu.memref_slice %arg5[%add3A_859, %dma_wait3A_892] : memref<8192x1024xf32, #tpu.memory_space<hbm>> -> memref<8x1024xf32, #tpu.memory_space<hbm>>
    %dma_wait3A_894 = arith.constant 0 : i32
    %dma_wait3A_895 = tpu.memref_slice %arg5[%add3A_859, %dma_wait3A_894] : memref<8192x1024xf32, #tpu.memory_space<hbm>> -> memref<8x1024xf32, #tpu.memory_space<hbm>>
    tpu.wait_dma2 semaphore(%arg32 : memref<!tpu.dma_semaphore, #tpu.memory_space<semaphore_mem>>) src(%arg14 : memref<8x1024xf32, #tpu.memory_space<vmem>>) dst(%dma_wait3A_895 : memref<8x1024xf32, #tpu.memory_space<hbm>>)
    return
  }
}

</mosaic_0001>

<sc_bundles>
// kernel: kernel.3.cloned.1.call-start
scs
__scs_entry_jumppad:
0x0: {  	(pc) =	sbr.rel $0x88, $3  }
0x1: {  	(tag) =	ssettag $0x0;
	lr =	simm.s32 $0x1  }
0x2: {  	[smem:$0x3F9E] =	sst lr;
	_ =	strace $0xD0000000  }
0x3: {  	_ = 	snop  }
0x4: {  	_ = 	snop  }
0x5: {  	_ = 	snop  }
0x6: {  	_ = 	snop  }
0x7: {  	_ = 	snop  }
__scs_overlays_trampoline_lowered:
0x8: {  	[smem:$0x3FAD] =	sst s0  }
0x9: {  	[smem:$0x3FAE] =	sst s1  }
0xa: {  	[smem:$0x3FAF] =	sst s2  }
0xb: {  	[smem:$0x3FB0] =	sst s3  }
0xc: {  	[smem:$0x3FB1] =	sst s4  }
0xd: {  	[smem:$0x3FB2] =	sst s5  }
0xe: {  	[smem:$0x3FB3] =	sst s6  }
0xf: {  	[smem:$0x3FB4] =	sst s7  }
0x10: {  	[smem:$0x3FB5] =	sst s8  }
0x11: {  	[smem:$0x3FB6] =	sst s9;
	s0 =	simm.s32 @!p0 $0x0  }
0x12: {  	s1 =	sld [smem:$0x3F9C];
	s0 =	simm.s32 @p0 $0x1  }
0x13: {  	[smem:$0x3FB7] =	sst s0;
	s0 =	simm.s32 @!p1 $0x0  }
0x14: {  	s2 =	sld [smem:$0x3F9B];
	s0 =	simm.s32 @p1 $0x1  }
0x15: {  	[smem:$0x3FB8] =	sst s0;
	s0 =	simm.s32 @!p2 $0x0  }
0x16: {  	s3 =	sld [smem:$0x3FDB];
	s0 =	simm.s32 @p2 $0x1  }
0x17: {  	s4 =	simm.s32 $0x1BF5;
	[smem:$0x3FBA] =	sst s0  }
0x18: {  	s0 =	sld [smem:$0x3F9D];
	_ =	swait.ge [sflag:s4], $0x0  }
0x19: {  	s7 =	sld [smem:$0x3F9E]  }
0x1a: {  	s8 =	sadd.s32 $0xFFFFE003, lr  }
0x1b: {  	s9 =	sadd.s32 $0xFFFFFEF7, lr;
	s5 =	simm.s32 $0xFFFFFFFF;
	p2 =	slt.u32 s8, $0xFFFFF086  }
0x1c: {  	p1 =	slt.u32 s9, $0xF7A;
	s5 =	simm.s32 @!p2 $0x0  }
0x1d: {  	s5 =	simm.s32 @p1 $0x1;
	p0 =	seq.s32 s7, s2  }
0x1e: {  	s7 =	smul.u32 @!p0 $0xF7A, s2;
	p2 =	seq.s32 @!p0 s5, $0x0  }
0x1f: {  	s9 =	smul.u32 $0xF7A, s1;
	s8 =	simm.s32 @!p0 $0x1BF5;
	p2 =	por !p2, p0  }
0x20: {  	[sflag:s8] =	ssyncset.s32 @!p0 $0xFFFFF086;
	s6 =	sadd.s32 @!p0 s3, s7;
	s7 =	simm.s32 @!p0 $0x108  }
0x21: {  	s3 =	sadd.s32 s3, s9;
	s6 =	sadd.s32 @!p0 $0x88, s6;
	s7 =	simm.s32 @p2 $0x1082  }
0x22: {  	[simem:s7], [sflag:s8] =	dma.local @!p0 [hbm:s6], $0xF7A  }
0x23: {  	s9 =	sor.u32 $0xD0000000, s2;
	s6 =	simm.s32 $0x108;
	_ =	swait.ge @!p0 [sflag:s8], $0x0  }
0x24: {  	s3 =	sadd.s32 $0x88, s3;
	s6 =	simm.s32 @!p1 $0x1082;
	[sflag:s4] =	ssyncset.s32 $0xFFFFF086  }
0x25: {  	[simem:s6], [sflag:s4] =	dma.local [hbm:s3], $0xF7A  }
0x26: {  	[smem:$0x3F9E] =	sst s1;
	(tag) =	ssettag s2;
	_ =	strace s9  }
0x27: {  	s1 =	sld [smem:$0x3FAE]  }
0x28: {  	s2 =	sld [smem:$0x3FAF]  }
0x29: {  	s4 =	sld [smem:$0x3FB1]  }
0x2a: {  	p0 =	seq.s32 s5, $0x0;
	s5 =	sld [smem:$0x3FB2]  }
0x2b: {  	s6 =	sld [smem:$0x3FB3]  }
0x2c: {  	s7 =	sld [smem:$0x3FB4]  }
0x2d: {  	s3 =	simm.s32 $0x108;
	s8 =	sld [smem:$0x3FB5]  }
0x2e: {  	s3 =	simm.s32 @!p0 $0x1082;
	s9 =	sld [smem:$0x3FB6]  }
0x2f: {  	lr =	sadd.s32 s0, s3;
	s0 =	sld [smem:$0x3FAD]  }
0x30: {  	s3 =	sld [smem:$0x3FB0]  }
0x31: {  	[smem:$0x3FB9] =	sst s10  }
0x32: {  	s10 =	sld [smem:$0x3FB7];
	_ =	sdelay $0x3  }
0x33: {  	p0 =	seq.s32 s10, $0x1;
	s10 =	sld [smem:$0x3FB9];
	_ =	sdelay $0x3  }
0x34: {  	[smem:$0x3FB9] =	sst s10  }
0x35: {  	s10 =	sld [smem:$0x3FB8];
	_ =	sdelay $0x3  }
0x36: {  	p1 =	seq.s32 s10, $0x1;
	s10 =	sld [smem:$0x3FB9];
	_ =	sdelay $0x3  }
0x37: {  	[smem:$0x3FB9] =	sst s10  }
0x38: {  	s10 =	sld [smem:$0x3FBA]  }
0x39: {  	_ = 	snop;
	(pc) =	sbr.ind lr, $3  }
0x3a: {  	_ = 	snop  }
0x3b: {  	_ = 	snop  }
0x3c: {  	p2 =	seq.s32 s10, $0x1;
	s10 =	sld [smem:$0x3FB9]  }
0x3d: {  	_ =	shalt  }
0x3e: {  	_ =	shalt  }
0x3f: {  	_ =	shalt  }
0x40: {  	_ =	shalt  }
0x41: {  	_ =	shalt  }
0x42: {  	_ =	shalt  }
0x43: {  	_ =	shalt  }
0x44: {  	_ =	shalt  }
0x45: {  	_ =	shalt  }
0x46: {  	_ =	shalt  }
0x47: {  	_ =	shalt  }
0x48: {  	_ =	shalt  }
0x49: {  	_ =	shalt  }
0x4a: {  	_ =	shalt  }
0x4b: {  	_ =	shalt  }
0x4c: {  	_ =	shalt  }
0x4d: {  	_ =	shalt  }
0x4e: {  	_ =	shalt  }
0x4f: {  	_ =	shalt  }
0x50: {  	_ =	shalt  }
0x51: {  	_ =	shalt  }
0x52: {  	_ =	shalt  }
0x53: {  	_ =	shalt  }
0x54: {  	_ =	shalt  }
0x55: {  	_ =	shalt  }
0x56: {  	_ =	shalt  }
0x57: {  	_ =	shalt  }
0x58: {  	_ =	shalt  }
0x59: {  	_ =	shalt  }
0x5a: {  	_ =	shalt  }
0x5b: {  	_ =	shalt  }
0x5c: {  	_ =	shalt  }
0x5d: {  	_ =	shalt  }
0x5e: {  	_ =	shalt  }
0x5f: {  	_ =	shalt  }
0x60: {  	_ =	shalt  }
0x61: {  	_ =	shalt  }
0x62: {  	_ =	shalt  }
0x63: {  	_ =	shalt  }
0x64: {  	_ =	shalt  }
0x65: {  	_ =	shalt  }
0x66: {  	_ =	shalt  }
0x67: {  	_ =	shalt  }
0x68: {  	_ =	shalt  }
0x69: {  	_ =	shalt  }
0x6a: {  	_ =	shalt  }
0x6b: {  	_ =	shalt  }
0x6c: {  	_ =	shalt  }
0x6d: {  	_ =	shalt  }
0x6e: {  	_ =	shalt  }
0x6f: {  	_ =	shalt  }
0x70: {  	_ =	shalt  }
0x71: {  	_ =	shalt  }
0x72: {  	_ =	shalt  }
0x73: {  	_ =	shalt  }
0x74: {  	_ =	shalt  }
0x75: {  	_ =	shalt  }
0x76: {  	_ =	shalt  }
0x77: {  	_ =	shalt  }
0x78: {  	_ =	shalt  }
0x79: {  	_ =	shalt  }
0x7a: {  	_ =	shalt  }
0x7b: {  	_ =	shalt  }
0x7c: {  	_ =	shalt  }
0x7d: {  	_ =	shalt  }
0x7e: {  	_ =	shalt  }
0x7f: {  	_ =	shalt  }
0x80: {  	_ =	shalt  }
0x81: {  	_ =	shalt  }
0x82: {  	_ =	shalt  }
0x83: {  	_ =	shalt  }
0x84: {  	_ =	shalt  }
0x85: {  	_ =	shalt  }
0x86: {  	_ =	shalt  }
0x87: {  	_ =	shalt  }
.Lfunc_end0:
.L_simem_size_0:
called_computation_lowered:
.L_overlay_start_0:
0x88: {  	s2 =	sld [smem:$0x3FD9]  }
0x89: {  	s3 =	sld [smem:$0x3FFE];
	_ =	sdelay $0x1  }
0x8a: {  	s1 =	srdreg.scid  }
0x8b: {  	s0 =	sand.u32 $0x1, s1  }
0x8c: {  	s17 =	sshll.u32 s0, $0xA;
	s2 =	sadd.s32 s3, s2  }
0x8d: {  	s2 =	sadd.s32 s2, s17  }
0x8e: {  	[smem:$0x3FC5] =	sst s2  }
0x8f: {  	_ = 	snop  }
0x90: {  	s2 =	sld [smem:$0x3FC8]  }
0x91: {  	s18 =	sld [smem:$0x3FC7]  }
0x92: {  	s4 =	sld [smem:$0x3FD0];
	(tm) =	ssettm $0x1  }
0x93: {  	s5 =	sld [smem:$0x3FFB];
	_ =	sdelay $0x3  }
0x94: {  	_ =	strace s5  }
0x95: {  	s5 =	sld [smem:$0x3FFC];
	_ =	sdelay $0x3  }
0x96: {  	_ =	strace s5  }
0x97: {  	s5 =	sld [smem:$0x3FFD];
	_ =	sdelay $0x3  }
0x98: {  	_ =	strace s5  }
0x99: {  	_ =	strace $0x8FFFFFFF  }
0x9a: {  	s19 =	sld [smem:$0x3FDB];
	_ =	sdelay $0x1  }
0x9b: {  	s6 =	simm.s32 $_scs_section_size  }
0x9c: {  	s7 =	simm.s32 $_size__tile_overlayer_lowered;
	s8 =	simm.s32 $_tile_overlayer_lowered  }
0x9d: {  	s22 =	simm.s32 $0x1BFF;
	s21 =	sshll.u32 s8, $0x1;
	s5 =	sadd.s32 s6, s19  }
0x9e: {  	s9 =	simm.s32 $0x0;
	s20 =	sshll.u32 s7, $0x1;
	s7 =	sadd.s32 s21, s5  }
0x9f: {  	[timem:s9], [sflag:s22] =	dma.local [hbm:s7], s20  }
0xa0: {  	_ =	swait.ge [sflag:s22], s20  }
0xa1: {  	s6 =	ssub.s32 $0x0, s20;
	[sflag:s22] =	ssyncset.done $0x0  }
0xa2: {  	[sflag:s22] =	ssyncadd.s32 s6;
	_ =	sdelay $0x1  }
0xa3: {  	s23 =	simm.s32 $0x1B8B  }
0xa4: {  	_ =	swait.ge [sflag:s23], $0x1  }
0xa5: {  	[sflag:s23] =	ssyncset.done $0x0  }
0xa6: {  	s25 =	simm.s32 $0x1B8E;
	s24 =	sld [smem:$0x3FFE];
	[sflag:s23] =	ssyncadd.s32 $0xFFFFFFFF  }
0xa7: {  	s26 =	simm.s32 $execute0_lowered;
	[smem:$0x3FD2] =	sst s25  }
0xa8: {  	s7 =	sshll.u32 s26, $0x1;
	_ =	strace $0x80000046;
	[dreg:$0x1] =	wrdreg $0xFFFFFFFF  }
0xa9: {  	s28 =	simm.s32 $_size_execute0_lowered;
	s5 =	sadd.s32 s5, s7;
	[dreg:$0x0] =	wrdreg $0x0  }
0xaa: {  	s7 =	sshll.u32 s28, $0x1;
	[dreg:$0x2] =	wrdreg s5  }
0xab: {  	[dreg:$0x3] =	wrdreg s7  }
0xac: {  	[dreg:$0x4] =	wrdreg $0xC0  }
0xad: {  	_ =	task [dreg:s9], $0x5FFFF  }
0xae: {  	[dreg:$0x1] =	wrdreg $0xFFFFFFFF  }
0xaf: {  	[dreg:$0x0] =	wrdreg $0x60  }
0xb0: {  	[dreg:$0x2] =	wrdreg s24  }
0xb1: {  	[dreg:$0x3] =	wrdreg s2  }
0xb2: {  	[dreg:$0x4] =	wrdreg s18  }
0xb3: {  	[dreg:$0x5] =	wrdreg s4  }
0xb4: {  	[dreg:$0x6] =	wrdreg $0x9  }
0xb5: {  	_ =	task.clear_ibuf [dreg:s9], $0x7FFFF;
	_ =	strace $0x90000046  }
0xb6: {  	s29 =	simm.s32 $0x9;
	_ =	strace $0x80000048  }
0xb7: {  	_ =	swait.ge [sflag:s29], $0x1  }
0xb8: {  	[sflag:s29] =	ssyncadd.s32 $0xFFFFFFFF  }
0xb9: {  	_ =	strace $0x90000048  }
0xba: {  	_ =	sfence  }
0xbb: {  	s30 =	sld [smem:$0x0];
	_ =	sdelay $0x2  }
0xbc: {  	s31 =	sshll.u32 s1, $0xD;
	s1 =	sshrl.u32 s1, $0x2  }
0xbd: {  	s3 =	sand.u32 $0x4000, s31;
	s1 =	sadd.s32 s1, s30  }
0xbe: {  	s0 =	sor.u32 s3, s0;
	s1 =	sshll.u32 s1, $0x11  }
0xbf: {  	s0 =	sor.u32 s1, s0  }
0xc0: {  	s0 =	sadd.s32 $0x8F2B, s0  }
0xc1: {  	[sflag:s0] =	ssyncadd.remote.s32 $0x1  }
0xc2: {  	_ =	sfence.sel $0xFFFF  }
0xc3: {  	[dreg:$0x0] =	wrdreg $0xFFFFFFFF;
	(pc) =	sbr.abs _section_cstart, $3  }
0xc4: {  	[dreg:$0x1] =	wrdreg $0xFFFFFFFF  }
0xc5: {  	_ =	task.clear_ibuf [dreg:s9], $0x2FFFF;
	_ =	strace $0x9FFFFFFF  }
0xc6: {  	(tm) =	ssettm $0x7FFFFFFF  }
0xc7: {  	_ =	shalt  }
tec
execute0_lowered:
.L_overlay_start_1:
0x0: {  	(tag) =	ssettag $0x1  }
0x1: {  	s0 =	rddreg [dreg:$0x0];
	s4 =	srdreg.scid  }
0x2: {  	s2 =	rddreg [dreg:$0x2];
	s6 =	stileid.u32;
	s4 =	sand.u32 $0x1, s4  }
0x3: {  	s6 =	sshll.u32 s6, $0x7;
	s5 =	ssub.s32 $0x2, s4;
	s4 =	sshll.u32 s4, $0x6  }
0x4: {  	s3 =	rddreg [dreg:$0x3];
	s1 =	simm.s32 $0x0;
	s4 =	sor.u32 s4, s6  }
0x5: {  	[smem:$0x7FF] =	sst s1;
	s0 =	sadd.s32 $0x400, s0;
	s6 =	sshrl.u32 s4, $0x3  }
0x6: {  	s21 =	sor.u32 $0x800, s4;
	s8 =	sor.u32 $0x1000, s4;
	s9 =	sor.u32 $0x1800, s4  }
0x7: {  	s4 =	sshll.u32 s4, $0x7;
	s6 =	sadd.s32 s0, s6;
	s22 =	sshrl.u32 s21, $0x3  }
0x8: {  	s25 =	sadd.s32 s2, s4;
	s26 =	sor.u32 $0x400, s4;
	[dreg:$0x5] =	wrdreg s6  }
0x9: {  	s11 =	sshll.u32 s21, $0x7;
	s6 =	sadd.s32 s0, s22;
	[dreg:$0x9] =	wrdreg s25  }
0xa: {  	s13 =	sshll.u32 s9, $0x7;
	s10 =	sadd.s32 s2, s26;
	[dreg:$0x6] =	wrdreg s6  }
0xb: {  	s15 =	sor.u32 $0x800, s4;
	s14 =	sadd.s32 s3, s13;
	[dreg:$0xa] =	wrdreg s10  }
0xc: {  	s17 =	sor.u32 $0xC00, s4;
	s16 =	sadd.s32 s2, s15;
	[dreg:$0xe] =	wrdreg s14  }
0xd: {  	s19 =	sor.u32 $0x1000, s4;
	s18 =	sadd.s32 s2, s17;
	[dreg:$0xf] =	wrdreg s16  }
0xe: {  	s21 =	sor.u32 $0x1400, s4;
	s20 =	sadd.s32 s2, s19;
	[dreg:$0x11] =	wrdreg s18  }
0xf: {  	s22 =	sadd.s32 s2, s21;
	[dreg:$0x13] =	wrdreg s20  }
0x10: {  	s23 =	sshrl.u32 s8, $0x3;
	[dreg:$0x15] =	wrdreg s22  }
0x11: {  	s24 =	sshrl.u32 s9, $0x3;
	s6 =	sadd.s32 s0, s23;
	s22 =	rddreg [dreg:$0x1]  }
0x12: {  	s0 =	sadd.s32 s0, s24;
	[dreg:$0x7] =	wrdreg s6  }
0x13: {  	[dreg:$0x8] =	wrdreg s0;
	s6 =	sadd.s32 s3, s11  }
0x14: {  	s23 =	sor.u32 $0x1800, s4;
	s0 =	sadd.s32 s3, s26;
	[dreg:$0xc] =	wrdreg s6  }
0x15: {  	s24 =	sor.u32 $0x1C00, s4;
	s25 =	sadd.s32 s2, s23;
	[dreg:$0x10] =	wrdreg s0  }
0x16: {  	s2 =	sadd.s32 s2, s24;
	[dreg:$0x18] =	wrdreg s25  }
0x17: {  	s12 =	sshll.u32 s8, $0x7;
	s26 =	sadd.s32 s3, s23;
	[dreg:$0x19] =	wrdreg s2  }
0x18: {  	s6 =	sadd.s32 s3, s12;
	[dreg:$0x1a] =	wrdreg s26  }
0x19: {  	s0 =	sadd.s32 s3, s17;
	[dreg:$0xd] =	wrdreg s6  }
0x1a: {  	s6 =	sadd.s32 s3, s15;
	[dreg:$0x14] =	wrdreg s0  }
0x1b: {  	s0 =	sadd.s32 s3, s21;
	[dreg:$0x12] =	wrdreg s6  }
0x1c: {  	s7 =	sshrl.u32 s5, $0x1;
	s6 =	sadd.s32 s3, s19;
	[dreg:$0x17] =	wrdreg s0  }
0x1d: {  	s5 =	ssub.s32 s5, s7;
	s0 =	sadd.s32 s3, s24;
	[dreg:$0x16] =	wrdreg s6  }
0x1e: {  	s10 =	sadd.s32 s3, s4;
	s3 =	smax.u32 s5, $0x1;
	[dreg:$0x1b] =	wrdreg s0  }
0x1f: {  	s4 =	sadd.s32 $0x40400, s10;
	_ =	strace $0x80000047;
	[dreg:$0x1c] =	wrdreg s3  }
0x20: {  	s5 =	sadd.s32 $0x80400, s10;
	[dreg:$0x1d] =	wrdreg s4  }
0x21: {  	s6 =	sadd.s32 $0xC0400, s10;
	[dreg:$0x1e] =	wrdreg s5  }
0x22: {  	s7 =	sadd.s32 $0x40800, s10;
	[dreg:$0x1f] =	wrdreg s6  }
0x23: {  	s8 =	sadd.s32 $0x80800, s10;
	[smem:$0x7EC] =	sst s7  }
0x24: {  	s9 =	sadd.s32 $0xC0800, s10;
	[smem:$0x7ED] =	sst s8  }
0x25: {  	s11 =	sadd.s32 $0x40C00, s10;
	[smem:$0x7EE] =	sst s9  }
0x26: {  	s12 =	sadd.s32 $0x80C00, s10;
	[smem:$0x7EF] =	sst s11  }
0x27: {  	s13 =	sadd.s32 $0xC0C00, s10;
	[smem:$0x7F0] =	sst s12  }
0x28: {  	s14 =	sadd.s32 $0x41000, s10;
	[smem:$0x7F1] =	sst s13  }
0x29: {  	s15 =	sadd.s32 $0x81000, s10;
	[smem:$0x7F2] =	sst s14  }
0x2a: {  	s16 =	sadd.s32 $0xC1000, s10;
	[smem:$0x7F3] =	sst s15  }
0x2b: {  	s17 =	sadd.s32 $0x41400, s10;
	[smem:$0x7F4] =	sst s16  }
0x2c: {  	s18 =	sadd.s32 $0x81400, s10;
	[smem:$0x7F5] =	sst s17  }
0x2d: {  	s19 =	sadd.s32 $0xC1400, s10;
	[smem:$0x7F6] =	sst s18  }
0x2e: {  	s20 =	sadd.s32 $0x41800, s10;
	[smem:$0x7F7] =	sst s19  }
0x2f: {  	s21 =	sadd.s32 $0x81800, s10;
	[smem:$0x7F8] =	sst s20  }
0x30: {  	s28 =	simm.s32 $0xC;
	s23 =	sadd.s32 $0xC1800, s10;
	[smem:$0x7F9] =	sst s21  }
0x31: {  	s29 =	sadd.s32 $0x100, s22;
	s24 =	sadd.s32 $0x41C00, s10;
	[smem:$0x7FA] =	sst s23  }
0x32: {  	s30 =	sadd.s32 $0x200, s22;
	s25 =	sadd.s32 $0x81C00, s10;
	[smem:$0x7FB] =	sst s24  }
0x33: {  	s31 =	sadd.s32 $0x300, s22;
	s26 =	sadd.s32 $0xC1C00, s10;
	[smem:$0x7FC] =	sst s25  }
0x34: {  	s2 =	simm.s32 $0x12;
	s0 =	simm.s32 $0x0;
	[dreg:$0xb] =	wrdreg s10  }
0x35: {  	[smem:$0x7FD] =	sst s26;
	s24 =	simm.s32 $0x9;
	s25 =	simm.s32 $0xA  }
0x36: {  	s26 =	simm.s32 $0xB;
	s17 =	simm.s32 $0x100;
	s18 =	simm.s32 $0x2100  }
0x37: {  	s21 =	simm.s32 $0x4100;
	s23 =	simm.s32 $0x6100;
	s10 =	simm.s32 $0x8100  }
0x38: {  	s12 =	simm.s32 $0xA100;
	s14 =	simm.s32 $0xC100;
	s19 =	simm.s32 $0xE100  }
0x39: {  	v0 =	vlaneseq.u32;
	s8 =	simm.s32 $0x4;
	s3 =	simm.s32 $0x5;
	s4 =	simm.s32 $0x6  }
0x3a: {  	v1 =	vshrl.u32 v0, $0x3;
	s7 =	simm.s32 $0x7;
	s9 =	simm.s32 $0x8;
	s11 =	simm.s32 $0xD  }
0x3b: {  	vm0 =	vmmov $0xffff;
	v0 =	vand.u32 $0x7, v0;
	v1 =	vmul.u32 $0x8, v1;
	s13 =	simm.s32 $0xE;
	s15 =	simm.s32 $0xF;
	s16 =	simm.s32 $0x10  }
.LBB2_1:
0x3c: {  	s5 =	rddreg [dreg:$0x5]  }
0x3d: {  	[tilespmem:s1], [sflag:$0x9] =	stream.linear.gather [hbm4b:s5+s1], $0x40, $0x38;
	[tilespmem:$0x14100] =	vst v63  }
0x3e: {  	s20 =	rddreg [dreg:$0x6];
	s6 =	simm.s32 $0x40  }
0x3f: {  	[tilespmem:s6], [sflag:$0xA] =	stream.linear.gather [hbm4b:s20+s1], $0x40, $0x38;
	[tilespmem:$0x14100] =	vst v63  }
0x40: {  	s6 =	rddreg [dreg:$0x7];
	s20 =	simm.s32 $0x80  }
0x41: {  	[tilespmem:s20], [sflag:$0xB] =	stream.linear.gather [hbm4b:s6+s1], $0x40, $0x38;
	[tilespmem:$0x14100] =	vst v63  }
0x42: {  	s6 =	rddreg [dreg:$0x8];
	s20 =	simm.s32 $0xC0  }
0x43: {  	[tilespmem:s20], [sflag:$0xC] =	stream.linear.gather [hbm4b:s6+s1], $0x40, $0x38;
	[tilespmem:$0x14100] =	vst v63  }
0x44: {  	_ =	swait.ge [sflag:s24], $0x40  }
0x45: {  	[sflag:s24] =	ssyncset.done $0x0  }
0x46: {  	[sflag:s24] =	ssyncadd.s32 $0xFFFFFFC0  }
0x47: {  	_ =	swait.ge [sflag:s25], $0x40  }
0x48: {  	[sflag:s25] =	ssyncset.done $0x0  }
0x49: {  	[sflag:s25] =	ssyncadd.s32 $0xFFFFFFC0  }
0x4a: {  	_ =	swait.ge [sflag:s26], $0x40  }
0x4b: {  	[sflag:s26] =	ssyncset.done $0x0  }
0x4c: {  	[sflag:s26] =	ssyncadd.s32 $0xFFFFFFC0  }
0x4d: {  	_ =	swait.ge [sflag:s28], $0x40  }
0x4e: {  	[sflag:s28] =	ssyncset.done $0x0  }
0x4f: {  	s20 =	simm.s32 $0x10100;
	s6 =	rddreg [dreg:$0x9];
	[sflag:s28] =	ssyncadd.s32 $0xFFFFFFC0  }
0x50: {  	[tilespmem:s20], [sflag:$0x11] =	stream.linear.gather [hbm4b:s6+s1], $0x2000, $0x38;
	[tilespmem:$0x14100] =	vst v63  }
0x51: {  	v2 =	vld.msk [tilespmem:$0x0], $0xff;
	_ =	sdelay $0x4  }
0x52: {  	v3 =	vshll.u32 v2, $0x3  }
0x53: {  	v2 =	vand.u32 $0x7, v2;
	v3 =	vand.u32 $0xFFFFFFC0, v3  }
0x54: {  	v2 =	vor.u32 v2, v3  }
0x55: {  	v2 =	vperm.xlane v2, v0;
	_ =	sdelay $0x1  }
0x56: {  	v2 =	vadd.s32 v1, v2;
	_ =	sdelay $0x4  }
0x57: {  	[tilespmem:s17], [sflag:$0x1] =	stream.indirect_vreg.gather [hbm4b:s22+s1], $0x80, v2, vm0, $0xb8;
	[tilespmem:$0x14100] =	vst v63  }
0x58: {  	s20 =	simm.s32 $0x900  }
0x59: {  	[tilespmem:s20], [sflag:$0x1] =	stream.indirect_vreg.gather [hbm4b:s29+s1], $0x80, v2, vm0, $0xb8;
	[tilespmem:$0x14100] =	vst v63  }
0x5a: {  	s6 =	simm.s32 $0x1100  }
0x5b: {  	[tilespmem:s6], [sflag:$0x1] =	stream.indirect_vreg.gather [hbm4b:s30+s1], $0x80, v2, vm0, $0xb8;
	[tilespmem:$0x14100] =	vst v63  }
0x5c: {  	s17 =	simm.s32 $0x1900  }
0x5d: {  	[tilespmem:s17], [sflag:$0x1] =	stream.indirect_vreg.gather [hbm4b:s31+s1], $0x80, v2, vm0, $0xb8;
	[tilespmem:$0x14100] =	vst v63  }
0x5e: {  	v2 =	vld.msk [tilespmem:$0x40], $0xff;
	_ =	sdelay $0x4  }
0x5f: {  	v3 =	vshll.u32 v2, $0x3  }
0x60: {  	v2 =	vand.u32 $0x7, v2;
	v3 =	vand.u32 $0xFFFFFFC0, v3  }
0x61: {  	v2 =	vor.u32 v2, v3  }
0x62: {  	v2 =	vperm.xlane v2, v0;
	_ =	sdelay $0x1  }
0x63: {  	v2 =	vadd.s32 v1, v2;
	_ =	sdelay $0x4  }
0x64: {  	[tilespmem:s18], [sflag:$0x2] =	stream.indirect_vreg.gather [hbm4b:s22+s1], $0x80, v2, vm0, $0xb8;
	[tilespmem:$0x14100] =	vst v63  }
0x65: {  	s20 =	simm.s32 $0x2900  }
0x66: {  	[tilespmem:s20], [sflag:$0x2] =	stream.indirect_vreg.gather [hbm4b:s29+s1], $0x80, v2, vm0, $0xb8;
	[tilespmem:$0x14100] =	vst v63  }
0x67: {  	s6 =	simm.s32 $0x3100  }
0x68: {  	[tilespmem:s6], [sflag:$0x2] =	stream.indirect_vreg.gather [hbm4b:s30+s1], $0x80, v2, vm0, $0xb8;
	[tilespmem:$0x14100] =	vst v63  }
0x69: {  	s17 =	simm.s32 $0x3900  }
0x6a: {  	[tilespmem:s17], [sflag:$0x2] =	stream.indirect_vreg.gather [hbm4b:s31+s1], $0x80, v2, vm0, $0xb8;
	[tilespmem:$0x14100] =	vst v63  }
0x6b: {  	v2 =	vld.msk [tilespmem:$0x80], $0xff;
	_ =	sdelay $0x4  }
0x6c: {  	v3 =	vshll.u32 v2, $0x3  }
0x6d: {  	v2 =	vand.u32 $0x7, v2;
	v3 =	vand.u32 $0xFFFFFFC0, v3  }
0x6e: {  	v2 =	vor.u32 v2, v3  }
0x6f: {  	v2 =	vperm.xlane v2, v0;
	_ =	sdelay $0x1  }
0x70: {  	v2 =	vadd.s32 v1, v2;
	_ =	sdelay $0x4  }
0x71: {  	[tilespmem:s21], [sflag:$0x3] =	stream.indirect_vreg.gather [hbm4b:s22+s1], $0x80, v2, vm0, $0xb8;
	[tilespmem:$0x14100] =	vst v63  }
0x72: {  	s18 =	simm.s32 $0x4900  }
0x73: {  	[tilespmem:s18], [sflag:$0x3] =	stream.indirect_vreg.gather [hbm4b:s29+s1], $0x80, v2, vm0, $0xb8;
	[tilespmem:$0x14100] =	vst v63  }
0x74: {  	s20 =	simm.s32 $0x5100  }
0x75: {  	[tilespmem:s20], [sflag:$0x3] =	stream.indirect_vreg.gather [hbm4b:s30+s1], $0x80, v2, vm0, $0xb8;
	[tilespmem:$0x14100] =	vst v63  }
0x76: {  	s21 =	simm.s32 $0x5900  }
0x77: {  	[tilespmem:s21], [sflag:$0x3] =	stream.indirect_vreg.gather [hbm4b:s31+s1], $0x80, v2, vm0, $0xb8;
	[tilespmem:$0x14100] =	vst v63  }
0x78: {  	v2 =	vld.msk [tilespmem:$0xC0], $0xff;
	_ =	sdelay $0x4  }
0x79: {  	v3 =	vshll.u32 v2, $0x3  }
0x7a: {  	v2 =	vand.u32 $0x7, v2;
	v3 =	vand.u32 $0xFFFFFFC0, v3  }
0x7b: {  	v2 =	vor.u32 v2, v3  }
0x7c: {  	v2 =	vperm.xlane v2, v0;
	_ =	sdelay $0x1  }
0x7d: {  	v2 =	vadd.s32 v1, v2;
	_ =	sdelay $0x4  }
0x7e: {  	[tilespmem:s23], [sflag:$0x4] =	stream.indirect_vreg.gather [hbm4b:s22+s1], $0x80, v2, vm0, $0xb8;
	[tilespmem:$0x14100] =	vst v63  }
0x7f: {  	s23 =	simm.s32 $0x6900  }
0x80: {  	[tilespmem:s23], [sflag:$0x4] =	stream.indirect_vreg.gather [hbm4b:s29+s1], $0x80, v2, vm0, $0xb8;
	[tilespmem:$0x14100] =	vst v63  }
0x81: {  	s6 =	simm.s32 $0x7100  }
0x82: {  	[tilespmem:s6], [sflag:$0x4] =	stream.indirect_vreg.gather [hbm4b:s30+s1], $0x80, v2, vm0, $0xb8;
	[tilespmem:$0x14100] =	vst v63  }
0x83: {  	s17 =	simm.s32 $0x7900  }
0x84: {  	[tilespmem:s17], [sflag:$0x4] =	stream.indirect_vreg.gather [hbm4b:s31+s1], $0x80, v2, vm0, $0xb8;
	[tilespmem:$0x14100] =	vst v63  }
0x85: {  	s18 =	rddreg [dreg:$0xa];
	s20 =	simm.s32 $0x12100  }
0x86: {  	[tilespmem:s20], [sflag:$0x12] =	stream.linear.gather [hbm4b:s18+s1], $0x2000, $0x38;
	[tilespmem:$0x14100] =	vst v63  }
0x87: {  	v2 =	vld.msk [tilespmem:$0x8], $0xff;
	_ =	sdelay $0x4  }
0x88: {  	v3 =	vshll.u32 v2, $0x3  }
0x89: {  	v2 =	vand.u32 $0x7, v2;
	v3 =	vand.u32 $0xFFFFFFC0, v3  }
0x8a: {  	v2 =	vor.u32 v2, v3  }
0x8b: {  	v2 =	vperm.xlane v2, v0;
	_ =	sdelay $0x1  }
0x8c: {  	v2 =	vadd.s32 v1, v2;
	_ =	sdelay $0x4  }
0x8d: {  	[tilespmem:s10], [sflag:$0x5] =	stream.indirect_vreg.gather [hbm4b:s22+s1], $0x80, v2, vm0, $0xb8;
	[tilespmem:$0x14100] =	vst v63  }
0x8e: {  	s21 =	simm.s32 $0x8900  }
0x8f: {  	[tilespmem:s21], [sflag:$0x5] =	stream.indirect_vreg.gather [hbm4b:s29+s1], $0x80, v2, vm0, $0xb8;
	[tilespmem:$0x14100] =	vst v63  }
0x90: {  	s23 =	simm.s32 $0x9100  }
0x91: {  	[tilespmem:s23], [sflag:$0x5] =	stream.indirect_vreg.gather [hbm4b:s30+s1], $0x80, v2, vm0, $0xb8;
	[tilespmem:$0x14100] =	vst v63  }
0x92: {  	s6 =	simm.s32 $0x9900  }
0x93: {  	[tilespmem:s6], [sflag:$0x5] =	stream.indirect_vreg.gather [hbm4b:s31+s1], $0x80, v2, vm0, $0xb8;
	[tilespmem:$0x14100] =	vst v63  }
0x94: {  	v2 =	vld.msk [tilespmem:$0x48], $0xff;
	_ =	sdelay $0x4  }
0x95: {  	v3 =	vshll.u32 v2, $0x3  }
0x96: {  	v2 =	vand.u32 $0x7, v2;
	v3 =	vand.u32 $0xFFFFFFC0, v3  }
0x97: {  	v2 =	vor.u32 v2, v3  }
0x98: {  	v2 =	vperm.xlane v2, v0;
	_ =	sdelay $0x1  }
0x99: {  	v2 =	vadd.s32 v1, v2;
	_ =	sdelay $0x4  }
0x9a: {  	[tilespmem:s12], [sflag:$0x6] =	stream.indirect_vreg.gather [hbm4b:s22+s1], $0x80, v2, vm0, $0xb8;
	[tilespmem:$0x14100] =	vst v63  }
0x9b: {  	s10 =	simm.s32 $0xA900  }
0x9c: {  	[tilespmem:s10], [sflag:$0x6] =	stream.indirect_vreg.gather [hbm4b:s29+s1], $0x80, v2, vm0, $0xb8;
	[tilespmem:$0x14100] =	vst v63  }
0x9d: {  	s12 =	simm.s32 $0xB100  }
0x9e: {  	[tilespmem:s12], [sflag:$0x6] =	stream.indirect_vreg.gather [hbm4b:s30+s1], $0x80, v2, vm0, $0xb8;
	[tilespmem:$0x14100] =	vst v63  }
0x9f: {  	s17 =	simm.s32 $0xB900  }
0xa0: {  	[tilespmem:s17], [sflag:$0x6] =	stream.indirect_vreg.gather [hbm4b:s31+s1], $0x80, v2, vm0, $0xb8;
	[tilespmem:$0x14100] =	vst v63  }
0xa1: {  	v2 =	vld.msk [tilespmem:$0x88], $0xff;
	_ =	sdelay $0x4  }
0xa2: {  	v3 =	vshll.u32 v2, $0x3  }
0xa3: {  	v2 =	vand.u32 $0x7, v2;
	v3 =	vand.u32 $0xFFFFFFC0, v3  }
0xa4: {  	v2 =	vor.u32 v2, v3  }
0xa5: {  	v2 =	vperm.xlane v2, v0;
	_ =	sdelay $0x1  }
0xa6: {  	v2 =	vadd.s32 v1, v2;
	_ =	sdelay $0x4  }
0xa7: {  	[tilespmem:s14], [sflag:$0x7] =	stream.indirect_vreg.gather [hbm4b:s22+s1], $0x80, v2, vm0, $0xb8;
	[tilespmem:$0x14100] =	vst v63  }
0xa8: {  	s18 =	simm.s32 $0xC900  }
0xa9: {  	[tilespmem:s18], [sflag:$0x7] =	stream.indirect_vreg.gather [hbm4b:s29+s1], $0x80, v2, vm0, $0xb8;
	[tilespmem:$0x14100] =	vst v63  }
0xaa: {  	s20 =	simm.s32 $0xD100  }
0xab: {  	[tilespmem:s20], [sflag:$0x7] =	stream.indirect_vreg.gather [hbm4b:s30+s1], $0x80, v2, vm0, $0xb8;
	[tilespmem:$0x14100] =	vst v63  }
0xac: {  	s21 =	simm.s32 $0xD900  }
0xad: {  	[tilespmem:s21], [sflag:$0x7] =	stream.indirect_vreg.gather [hbm4b:s31+s1], $0x80, v2, vm0, $0xb8;
	[tilespmem:$0x14100] =	vst v63  }
0xae: {  	v2 =	vld.msk [tilespmem:$0xC8], $0xff;
	_ =	sdelay $0x4  }
0xaf: {  	v3 =	vshll.u32 v2, $0x3  }
0xb0: {  	v2 =	vand.u32 $0x7, v2;
	v3 =	vand.u32 $0xFFFFFFC0, v3  }
0xb1: {  	v2 =	vor.u32 v2, v3  }
0xb2: {  	v2 =	vperm.xlane v2, v0;
	_ =	sdelay $0x1  }
0xb3: {  	v2 =	vadd.s32 v1, v2;
	_ =	sdelay $0x4  }
0xb4: {  	[tilespmem:s19], [sflag:$0x8] =	stream.indirect_vreg.gather [hbm4b:s22+s1], $0x80, v2, vm0, $0xb8;
	[tilespmem:$0x14100] =	vst v63  }
0xb5: {  	s23 =	simm.s32 $0xE900  }
0xb6: {  	[tilespmem:s23], [sflag:$0x8] =	stream.indirect_vreg.gather [hbm4b:s29+s1], $0x80, v2, vm0, $0xb8;
	[tilespmem:$0x14100] =	vst v63  }
0xb7: {  	s6 =	simm.s32 $0xF100  }
0xb8: {  	[tilespmem:s6], [sflag:$0x8] =	stream.indirect_vreg.gather [hbm4b:s30+s1], $0x80, v2, vm0, $0xb8;
	[tilespmem:$0x14100] =	vst v63  }
0xb9: {  	s10 =	simm.s32 $0xF900;
	s12 =	simm.s32 $0x11  }
0xba: {  	[tilespmem:s10], [sflag:$0x8] =	stream.indirect_vreg.gather [hbm4b:s31+s1], $0x80, v2, vm0, $0xb8;
	[tilespmem:$0x14100] =	vst v63  }
0xbb: {  	_ =	swait.ge [sflag:s12], $0x2000  }
0xbc: {  	[sflag:s12] =	ssyncset.done $0x0  }
0xbd: {  	s14 =	simm.s32 $0x1;
	[sflag:s12] =	ssyncadd.s32 $0xFFFFE000  }
0xbe: {  	_ =	swait.ge [sflag:s14], $0x2000  }
0xbf: {  	[sflag:s14] =	ssyncset.done $0x0  }
0xc0: {  	s17 =	simm.s32 $0x2;
	[sflag:s14] =	ssyncadd.s32 $0xFFFFE000  }
0xc1: {  	_ =	swait.ge [sflag:s17], $0x2000  }
0xc2: {  	[sflag:s17] =	ssyncset.done $0x0  }
0xc3: {  	s18 =	simm.s32 $0x3;
	[sflag:s17] =	ssyncadd.s32 $0xFFFFE000  }
0xc4: {  	_ =	swait.ge [sflag:s18], $0x2000  }
0xc5: {  	[sflag:s18] =	ssyncset.done $0x0  }
0xc6: {  	[sflag:s18] =	ssyncadd.s32 $0xFFFFE000  }
0xc7: {  	s20 =	sand.u32 $0x1C00, s1;
	s19 =	sand.u32 $0x60, s1;
	_ =	swait.ge [sflag:s8], $0x2000  }
0xc8: {  	s21 =	sand.u32 $0x380, s1;
	s5 =	sor.u32 s19, s20;
	[sflag:s8] =	ssyncset.done $0x0  }
0xc9: {  	s5 =	sor.u32 s21, s5;
	[sflag:s8] =	ssyncadd.s32 $0xFFFFE000  }
0xca: {  	v2 =	vld [tilespmem:s5+$0x10110]  }
0xcb: {  	v3 =	vld [tilespmem:s5+$0x10100];
	_ =	sdelay $0x3  }
0xcc: {  	s19 =	simm.s32 $0x40;
	s23 =	simm.s32 $0x20;
	[tilespmem:s5+$0x6110] =	vst.add.f32.msk $0xffff, v2  }
0xcd: {  	s21 =	simm.s32 $0x8100;
	s20 =	sand.u32 $0x60, s23;
	s14 =	simm.s32 $0x100;
	[tilespmem:s5+$0x100] =	vst.add.f32.msk $0xffff, v3  }
0xce: {  	s23 =	simm.s32 $0xA100;
	s10 =	simm.s32 $0x4;
	s6 =	sand.u32 $0x1C00, s14;
	[tilespmem:s5+$0x2100] =	vst.add.f32.msk $0xffff, v3  }
.LBB2_2:
0xcf: {  	p0 =	sne.s32 s19, $0x1FE0;
	s12 =	sand.u32 $0x380, s10;
	s6 =	sor.u32 s20, s6;
	[tilespmem:s5+$0x4100] =	vst.add.f32.msk $0xffff, v3  }
0xd0: {  	s6 =	sor.u32 s12, s6;
	[tilespmem:s5+$0x6100] =	vst.add.f32.msk $0xffff, v3  }
0xd1: {  	v4 =	vld [tilespmem:s6+$0x10110]  }
0xd2: {  	v3 =	vld [tilespmem:s6+$0x10100]  }
0xd3: {  	[tilespmem:s5+$0x110] =	vst.add.f32.msk $0xffff, v2  }
.Ltmp0:
0xd4: {  	[tilespmem:s5+$0x2110] =	vst.add.f32.msk $0xffff, v2;
	(pc) =	sbr.rel @p0 .LBB2_2-.Ltmp0, $4  }
0xd5: {  	[tilespmem:s5+$0x4110] =	vst.add.f32.msk $0xffff, v2;
	s5 =	smov.u32 s6  }
0xd6: {  	[tilespmem:s5+$0x6110] =	vst.add.f32.msk $0xffff, v4;
	v2 =	vmov v4  }
0xd7: {  	s14 =	sadd.s32 $0x100, s14;
	s10 =	sadd.s32 $0x4, s10;
	[tilespmem:s5+$0x100] =	vst.add.f32.msk $0xffff, v3  }
0xd8: {  	s20 =	sand.u32 $0x60, s19;
	s19 =	sadd.s32 $0x20, s19;
	s6 =	sand.u32 $0x1C00, s14;
	[tilespmem:s5+$0x2100] =	vst.add.f32.msk $0xffff, v3  }
0xd9: {  	s10 =	sand.u32 $0x380, s10;
	s6 =	sor.u32 s20, s6;
	[tilespmem:s5+$0x4100] =	vst.add.f32.msk $0xffff, v3  }
0xda: {  	[tilespmem:s5+$0x6100] =	vst.add.f32.msk $0xffff, v3;
	s6 =	sor.u32 s10, s6  }
0xdb: {  	v3 =	vld [tilespmem:s6+$0x10110]  }
0xdc: {  	v4 =	vld [tilespmem:s6+$0x10100]  }
0xdd: {  	[tilespmem:s5+$0x110] =	vst.add.f32.msk $0xffff, v2  }
0xde: {  	[tilespmem:s5+$0x2110] =	vst.add.f32.msk $0xffff, v2  }
0xdf: {  	[tilespmem:s5+$0x4110] =	vst.add.f32.msk $0xffff, v2  }
0xe0: {  	[tilespmem:s6+$0x6110] =	vst.add.f32.msk $0xffff, v3  }
0xe1: {  	[tilespmem:s6+$0x100] =	vst.add.f32.msk $0xffff, v4  }
0xe2: {  	[tilespmem:s6+$0x2100] =	vst.add.f32.msk $0xffff, v4  }
0xe3: {  	[tilespmem:s6+$0x4100] =	vst.add.f32.msk $0xffff, v4  }
0xe4: {  	[tilespmem:s6+$0x6100] =	vst.add.f32.msk $0xffff, v4  }
0xe5: {  	[tilespmem:s6+$0x110] =	vst.add.f32.msk $0xffff, v3  }
0xe6: {  	[tilespmem:s6+$0x2110] =	vst.add.f32.msk $0xffff, v3  }
0xe7: {  	s18 =	rddreg [dreg:$0xb];
	s12 =	simm.s32 $0x100;
	s5 =	simm.s32 $0x0;
	[tilespmem:s6+$0x4110] =	vst.add.f32.msk $0xffff, v3  }
0xe8: {  	[hbm4b:s18+s5] =	stream.linear.scatter [tilespmem:s12], [sflag:$0x9], $0x2000, $0x38;
	[tilespmem:$0x14100] =	vst v63  }
0xe9: {  	s19 =	rddreg [dreg:$0xc];
	s14 =	simm.s32 $0x2100  }
0xea: {  	[hbm4b:s19+s5] =	stream.linear.scatter [tilespmem:s14], [sflag:$0xA], $0x2000, $0x38;
	[tilespmem:$0x14100] =	vst v63  }
0xeb: {  	s20 =	rddreg [dreg:$0xd];
	s17 =	simm.s32 $0x4100  }
0xec: {  	[hbm4b:s20+s5] =	stream.linear.scatter [tilespmem:s17], [sflag:$0xB], $0x2000, $0x38;
	[tilespmem:$0x14100] =	vst v63  }
0xed: {  	s10 =	rddreg [dreg:$0xe];
	s18 =	simm.s32 $0x6100  }
0xee: {  	[hbm4b:s10+s5] =	stream.linear.scatter [tilespmem:s18], [sflag:$0xC], $0x2000, $0x38;
	[tilespmem:$0x14100] =	vst v63  }
0xef: {  	s19 =	rddreg [dreg:$0xf];
	s20 =	simm.s32 $0x10100  }
0xf0: {  	[tilespmem:s20], [sflag:$0x11] =	stream.linear.gather [hbm4b:s19+s5], $0x2000, $0x38;
	[tilespmem:$0x14100] =	vst v63  }
0xf1: {  	_ =	swait.ge [sflag:s24], $0x2000  }
0xf2: {  	[sflag:s24] =	ssyncset.done $0x0  }
0xf3: {  	[sflag:s24] =	ssyncadd.s32 $0xFFFFE000  }
0xf4: {  	_ =	swait.ge [sflag:s25], $0x2000  }
0xf5: {  	[sflag:s25] =	ssyncset.done $0x0  }
0xf6: {  	[sflag:s25] =	ssyncadd.s32 $0xFFFFE000  }
0xf7: {  	_ =	swait.ge [sflag:s26], $0x2000  }
0xf8: {  	[sflag:s26] =	ssyncset.done $0x0  }
0xf9: {  	[sflag:s26] =	ssyncadd.s32 $0xFFFFE000  }
0xfa: {  	_ =	swait.ge [sflag:s28], $0x2000  }
0xfb: {  	[sflag:s28] =	ssyncset.done $0x0  }
0xfc: {  	[sflag:s28] =	ssyncadd.s32 $0xFFFFE000  }
0xfd: {  	v2 =	vld.msk [tilespmem:$0x10], $0xff;
	_ =	sdelay $0x4  }
0xfe: {  	v3 =	vshll.u32 v2, $0x3  }
0xff: {  	v2 =	vand.u32 $0x7, v2;
	v3 =	vand.u32 $0xFFFFFFC0, v3  }
0x100: {  	v2 =	vor.u32 v2, v3  }
0x101: {  	v2 =	vperm.xlane v2, v0;
	_ =	sdelay $0x1  }
0x102: {  	v2 =	vadd.s32 v1, v2;
	_ =	sdelay $0x4  }
0x103: {  	[tilespmem:s12], [sflag:$0x1] =	stream.indirect_vreg.gather [hbm4b:s22+s5], $0x80, v2, vm0, $0xb8;
	[tilespmem:$0x14100] =	vst v63  }
0x104: {  	s12 =	simm.s32 $0x900  }
0x105: {  	[tilespmem:s12], [sflag:$0x1] =	stream.indirect_vreg.gather [hbm4b:s29+s5], $0x80, v2, vm0, $0xb8;
	[tilespmem:$0x14100] =	vst v63  }
0x106: {  	s19 =	simm.s32 $0x1100  }
0x107: {  	[tilespmem:s19], [sflag:$0x1] =	stream.indirect_vreg.gather [hbm4b:s30+s5], $0x80, v2, vm0, $0xb8;
	[tilespmem:$0x14100] =	vst v63  }
0x108: {  	s20 =	simm.s32 $0x1900  }
0x109: {  	[tilespmem:s20], [sflag:$0x1] =	stream.indirect_vreg.gather [hbm4b:s31+s5], $0x80, v2, vm0, $0xb8;
	[tilespmem:$0x14100] =	vst v63  }
0x10a: {  	v2 =	vld.msk [tilespmem:$0x50], $0xff;
	_ =	sdelay $0x4  }
0x10b: {  	v3 =	vshll.u32 v2, $0x3  }
0x10c: {  	v2 =	vand.u32 $0x7, v2;
	v3 =	vand.u32 $0xFFFFFFC0, v3  }
0x10d: {  	v2 =	vor.u32 v2, v3  }
0x10e: {  	v2 =	vperm.xlane v2, v0;
	_ =	sdelay $0x1  }
0x10f: {  	v2 =	vadd.s32 v1, v2;
	_ =	sdelay $0x4  }
0x110: {  	[tilespmem:s14], [sflag:$0x2] =	stream.indirect_vreg.gather [hbm4b:s22+s5], $0x80, v2, vm0, $0xb8;
	[tilespmem:$0x14100] =	vst v63  }
0x111: {  	s10 =	simm.s32 $0x2900  }
0x112: {  	[tilespmem:s10], [sflag:$0x2] =	stream.indirect_vreg.gather [hbm4b:s29+s5], $0x80, v2, vm0, $0xb8;
	[tilespmem:$0x14100] =	vst v63  }
0x113: {  	s12 =	simm.s32 $0x3100  }
0x114: {  	[tilespmem:s12], [sflag:$0x2] =	stream.indirect_vreg.gather [hbm4b:s30+s5], $0x80, v2, vm0, $0xb8;
	[tilespmem:$0x14100] =	vst v63  }
0x115: {  	s14 =	simm.s32 $0x3900  }
0x116: {  	[tilespmem:s14], [sflag:$0x2] =	stream.indirect_vreg.gather [hbm4b:s31+s5], $0x80, v2, vm0, $0xb8;
	[tilespmem:$0x14100] =	vst v63  }
0x117: {  	v2 =	vld.msk [tilespmem:$0x90], $0xff;
	_ =	sdelay $0x4  }
0x118: {  	v3 =	vshll.u32 v2, $0x3  }
0x119: {  	v2 =	vand.u32 $0x7, v2;
	v3 =	vand.u32 $0xFFFFFFC0, v3  }
0x11a: {  	v2 =	vor.u32 v2, v3  }
0x11b: {  	v2 =	vperm.xlane v2, v0;
	_ =	sdelay $0x1  }
0x11c: {  	v2 =	vadd.s32 v1, v2;
	_ =	sdelay $0x4  }
0x11d: {  	[tilespmem:s17], [sflag:$0x3] =	stream.indirect_vreg.gather [hbm4b:s22+s5], $0x80, v2, vm0, $0xb8;
	[tilespmem:$0x14100] =	vst v63  }
0x11e: {  	s19 =	simm.s32 $0x4900  }
0x11f: {  	[tilespmem:s19], [sflag:$0x3] =	stream.indirect_vreg.gather [hbm4b:s29+s5], $0x80, v2, vm0, $0xb8;
	[tilespmem:$0x14100] =	vst v63  }
0x120: {  	s20 =	simm.s32 $0x5100  }
0x121: {  	[tilespmem:s20], [sflag:$0x3] =	stream.indirect_vreg.gather [hbm4b:s30+s5], $0x80, v2, vm0, $0xb8;
	[tilespmem:$0x14100] =	vst v63  }
0x122: {  	s10 =	simm.s32 $0x5900  }
0x123: {  	[tilespmem:s10], [sflag:$0x3] =	stream.indirect_vreg.gather [hbm4b:s31+s5], $0x80, v2, vm0, $0xb8;
	[tilespmem:$0x14100] =	vst v63  }
0x124: {  	v2 =	vld.msk [tilespmem:$0xD0], $0xff;
	_ =	sdelay $0x4  }
0x125: {  	v3 =	vshll.u32 v2, $0x3  }
0x126: {  	v2 =	vand.u32 $0x7, v2;
	v3 =	vand.u32 $0xFFFFFFC0, v3  }
0x127: {  	v2 =	vor.u32 v2, v3  }
0x128: {  	v2 =	vperm.xlane v2, v0;
	_ =	sdelay $0x1  }
0x129: {  	v2 =	vadd.s32 v1, v2;
	_ =	sdelay $0x4  }
0x12a: {  	[tilespmem:s18], [sflag:$0x4] =	stream.indirect_vreg.gather [hbm4b:s22+s5], $0x80, v2, vm0, $0xb8;
	[tilespmem:$0x14100] =	vst v63  }
0x12b: {  	s12 =	simm.s32 $0x6900  }
0x12c: {  	[tilespmem:s12], [sflag:$0x4] =	stream.indirect_vreg.gather [hbm4b:s29+s5], $0x80, v2, vm0, $0xb8;
	[tilespmem:$0x14100] =	vst v63  }
0x12d: {  	s14 =	simm.s32 $0x7100  }
0x12e: {  	[tilespmem:s14], [sflag:$0x4] =	stream.indirect_vreg.gather [hbm4b:s30+s5], $0x80, v2, vm0, $0xb8;
	[tilespmem:$0x14100] =	vst v63  }
0x12f: {  	s17 =	simm.s32 $0x7900  }
0x130: {  	[tilespmem:s17], [sflag:$0x4] =	stream.indirect_vreg.gather [hbm4b:s31+s5], $0x80, v2, vm0, $0xb8;
	[tilespmem:$0x14100] =	vst v63  }
0x131: {  	_ =	swait.ge [sflag:s2], $0x2000  }
0x132: {  	[sflag:s2] =	ssyncset.done $0x0  }
0x133: {  	[sflag:s2] =	ssyncadd.s32 $0xFFFFE000  }
0x134: {  	_ =	swait.ge [sflag:s3], $0x2000  }
0x135: {  	[sflag:s3] =	ssyncset.done $0x0  }
0x136: {  	[sflag:s3] =	ssyncadd.s32 $0xFFFFE000  }
0x137: {  	_ =	swait.ge [sflag:s4], $0x2000  }
0x138: {  	[sflag:s4] =	ssyncset.done $0x0  }
0x139: {  	[sflag:s4] =	ssyncadd.s32 $0xFFFFE000  }
0x13a: {  	_ =	swait.ge [sflag:s7], $0x2000  }
0x13b: {  	[sflag:s7] =	ssyncset.done $0x0  }
0x13c: {  	[sflag:s7] =	ssyncadd.s32 $0xFFFFE000  }
0x13d: {  	s19 =	sand.u32 $0x1C00, s5;
	s18 =	sand.u32 $0x60, s5;
	_ =	swait.ge [sflag:s9], $0x2000  }
0x13e: {  	s6 =	sor.u32 s18, s19;
	s5 =	sand.u32 $0x380, s5;
	[sflag:s9] =	ssyncset.done $0x0  }
0x13f: {  	s5 =	sor.u32 s5, s6;
	[sflag:s9] =	ssyncadd.s32 $0xFFFFE000  }
0x140: {  	v2 =	vld [tilespmem:s5+$0x12110]  }
0x141: {  	v3 =	vld [tilespmem:s5+$0x12100];
	_ =	sdelay $0x3  }
0x142: {  	s20 =	simm.s32 $0x20;
	[tilespmem:s5+$0xE110] =	vst.add.f32.msk $0xffff, v2  }
0x143: {  	s20 =	sand.u32 $0x60, s20;
	s14 =	simm.s32 $0x100;
	[tilespmem:s5+$0x8100] =	vst.add.f32.msk $0xffff, v3  }
0x144: {  	s10 =	simm.s32 $0x4;
	s19 =	simm.s32 $0x40;
	s6 =	sand.u32 $0x1C00, s14;
	[tilespmem:s5+$0xA100] =	vst.add.f32.msk $0xffff, v3  }
.LBB2_4:
0x145: {  	p0 =	sne.s32 s19, $0x1FE0;
	s12 =	sand.u32 $0x380, s10;
	s6 =	sor.u32 s20, s6;
	[tilespmem:s5+$0xC100] =	vst.add.f32.msk $0xffff, v3  }
0x146: {  	s6 =	sor.u32 s12, s6;
	[tilespmem:s5+$0xE100] =	vst.add.f32.msk $0xffff, v3  }
0x147: {  	v4 =	vld [tilespmem:s6+$0x12110]  }
0x148: {  	v3 =	vld [tilespmem:s6+$0x12100]  }
0x149: {  	[tilespmem:s5+$0x8110] =	vst.add.f32.msk $0xffff, v2  }
.Ltmp1:
0x14a: {  	[tilespmem:s5+$0xA110] =	vst.add.f32.msk $0xffff, v2;
	(pc) =	sbr.rel @p0 .LBB2_4-.Ltmp1, $4  }
0x14b: {  	[tilespmem:s5+$0xC110] =	vst.add.f32.msk $0xffff, v2;
	s5 =	smov.u32 s6  }
0x14c: {  	[tilespmem:s5+$0xE110] =	vst.add.f32.msk $0xffff, v4;
	v2 =	vmov v4  }
0x14d: {  	s14 =	sadd.s32 $0x100, s14;
	s10 =	sadd.s32 $0x4, s10;
	[tilespmem:s5+$0x8100] =	vst.add.f32.msk $0xffff, v3  }
0x14e: {  	s20 =	sand.u32 $0x60, s19;
	s19 =	sadd.s32 $0x20, s19;
	s6 =	sand.u32 $0x1C00, s14;
	[tilespmem:s5+$0xA100] =	vst.add.f32.msk $0xffff, v3  }
0x14f: {  	s10 =	sand.u32 $0x380, s10;
	s6 =	sor.u32 s20, s6;
	[tilespmem:s5+$0xC100] =	vst.add.f32.msk $0xffff, v3  }
0x150: {  	[tilespmem:s5+$0xE100] =	vst.add.f32.msk $0xffff, v3;
	s6 =	sor.u32 s10, s6  }
0x151: {  	v3 =	vld [tilespmem:s6+$0x12110]  }
0x152: {  	v4 =	vld [tilespmem:s6+$0x12100]  }
0x153: {  	[tilespmem:s5+$0x8110] =	vst.add.f32.msk $0xffff, v2  }
0x154: {  	[tilespmem:s5+$0xA110] =	vst.add.f32.msk $0xffff, v2  }
0x155: {  	[tilespmem:s5+$0xC110] =	vst.add.f32.msk $0xffff, v2  }
0x156: {  	[tilespmem:s6+$0xE110] =	vst.add.f32.msk $0xffff, v3  }
0x157: {  	[tilespmem:s6+$0x8100] =	vst.add.f32.msk $0xffff, v4  }
0x158: {  	[tilespmem:s6+$0xA100] =	vst.add.f32.msk $0xffff, v4  }
0x159: {  	[tilespmem:s6+$0xC100] =	vst.add.f32.msk $0xffff, v4  }
0x15a: {  	[tilespmem:s6+$0xE100] =	vst.add.f32.msk $0xffff, v4  }
0x15b: {  	[tilespmem:s6+$0x8110] =	vst.add.f32.msk $0xffff, v3  }
0x15c: {  	[tilespmem:s6+$0xA110] =	vst.add.f32.msk $0xffff, v3  }
0x15d: {  	s10 =	rddreg [dreg:$0x10];
	s5 =	simm.s32 $0x0;
	[tilespmem:s6+$0xC110] =	vst.add.f32.msk $0xffff, v3  }
0x15e: {  	[hbm4b:s10+s5] =	stream.linear.scatter [tilespmem:s21], [sflag:$0xD], $0x2000, $0x38;
	[tilespmem:$0x14100] =	vst v63  }
0x15f: {  	s12 =	rddreg [dreg:$0x1d]  }
0x160: {  	[hbm4b:s12+s5] =	stream.linear.scatter [tilespmem:s23], [sflag:$0xE], $0x2000, $0x38;
	[tilespmem:$0x14100] =	vst v63  }
0x161: {  	s14 =	rddreg [dreg:$0x1e];
	s12 =	simm.s32 $0xC100  }
0x162: {  	[hbm4b:s14+s5] =	stream.linear.scatter [tilespmem:s12], [sflag:$0xF], $0x2000, $0x38;
	[tilespmem:$0x14100] =	vst v63  }
0x163: {  	s17 =	rddreg [dreg:$0x1f];
	s14 =	simm.s32 $0xE100  }
0x164: {  	[hbm4b:s17+s5] =	stream.linear.scatter [tilespmem:s14], [sflag:$0x10], $0x2000, $0x38;
	[tilespmem:$0x14100] =	vst v63  }
0x165: {  	s18 =	rddreg [dreg:$0x11];
	s19 =	simm.s32 $0x12100  }
0x166: {  	[tilespmem:s19], [sflag:$0x12] =	stream.linear.gather [hbm4b:s18+s5], $0x2000, $0x38;
	[tilespmem:$0x14100] =	vst v63  }
0x167: {  	_ =	swait.ge [sflag:s11], $0x2000  }
0x168: {  	[sflag:s11] =	ssyncset.done $0x0  }
0x169: {  	[sflag:s11] =	ssyncadd.s32 $0xFFFFE000  }
0x16a: {  	_ =	swait.ge [sflag:s13], $0x2000  }
0x16b: {  	[sflag:s13] =	ssyncset.done $0x0  }
0x16c: {  	[sflag:s13] =	ssyncadd.s32 $0xFFFFE000  }
0x16d: {  	_ =	swait.ge [sflag:s15], $0x2000  }
0x16e: {  	[sflag:s15] =	ssyncset.done $0x0  }
0x16f: {  	[sflag:s15] =	ssyncadd.s32 $0xFFFFE000  }
0x170: {  	_ =	swait.ge [sflag:s16], $0x2000  }
0x171: {  	[sflag:s16] =	ssyncset.done $0x0  }
0x172: {  	[sflag:s16] =	ssyncadd.s32 $0xFFFFE000  }
0x173: {  	v2 =	vld.msk [tilespmem:$0x18], $0xff;
	_ =	sdelay $0x4  }
0x174: {  	v3 =	vshll.u32 v2, $0x3  }
0x175: {  	v2 =	vand.u32 $0x7, v2;
	v3 =	vand.u32 $0xFFFFFFC0, v3  }
0x176: {  	v2 =	vor.u32 v2, v3  }
0x177: {  	v2 =	vperm.xlane v2, v0;
	_ =	sdelay $0x1  }
0x178: {  	v2 =	vadd.s32 v1, v2;
	_ =	sdelay $0x4  }
0x179: {  	[tilespmem:s21], [sflag:$0x5] =	stream.indirect_vreg.gather [hbm4b:s22+s5], $0x80, v2, vm0, $0xb8;
	[tilespmem:$0x14100] =	vst v63  }
0x17a: {  	s20 =	simm.s32 $0x8900  }
0x17b: {  	[tilespmem:s20], [sflag:$0x5] =	stream.indirect_vreg.gather [hbm4b:s29+s5], $0x80, v2, vm0, $0xb8;
	[tilespmem:$0x14100] =	vst v63  }
0x17c: {  	s10 =	simm.s32 $0x9100  }
0x17d: {  	[tilespmem:s10], [sflag:$0x5] =	stream.indirect_vreg.gather [hbm4b:s30+s5], $0x80, v2, vm0, $0xb8;
	[tilespmem:$0x14100] =	vst v63  }
0x17e: {  	s17 =	simm.s32 $0x9900  }
0x17f: {  	[tilespmem:s17], [sflag:$0x5] =	stream.indirect_vreg.gather [hbm4b:s31+s5], $0x80, v2, vm0, $0xb8;
	[tilespmem:$0x14100] =	vst v63  }
0x180: {  	v2 =	vld.msk [tilespmem:$0x58], $0xff;
	_ =	sdelay $0x4  }
0x181: {  	v3 =	vshll.u32 v2, $0x3  }
0x182: {  	v2 =	vand.u32 $0x7, v2;
	v3 =	vand.u32 $0xFFFFFFC0, v3  }
0x183: {  	v2 =	vor.u32 v2, v3  }
0x184: {  	v2 =	vperm.xlane v2, v0;
	_ =	sdelay $0x1  }
0x185: {  	v2 =	vadd.s32 v1, v2;
	_ =	sdelay $0x4  }
0x186: {  	[tilespmem:s23], [sflag:$0x6] =	stream.indirect_vreg.gather [hbm4b:s22+s5], $0x80, v2, vm0, $0xb8;
	[tilespmem:$0x14100] =	vst v63  }
0x187: {  	s18 =	simm.s32 $0xA900  }
0x188: {  	[tilespmem:s18], [sflag:$0x6] =	stream.indirect_vreg.gather [hbm4b:s29+s5], $0x80, v2, vm0, $0xb8;
	[tilespmem:$0x14100] =	vst v63  }
0x189: {  	s19 =	simm.s32 $0xB100  }
0x18a: {  	[tilespmem:s19], [sflag:$0x6] =	stream.indirect_vreg.gather [hbm4b:s30+s5], $0x80, v2, vm0, $0xb8;
	[tilespmem:$0x14100] =	vst v63  }
0x18b: {  	s20 =	simm.s32 $0xB900  }
0x18c: {  	[tilespmem:s20], [sflag:$0x6] =	stream.indirect_vreg.gather [hbm4b:s31+s5], $0x80, v2, vm0, $0xb8;
	[tilespmem:$0x14100] =	vst v63  }
0x18d: {  	v2 =	vld.msk [tilespmem:$0x98], $0xff;
	_ =	sdelay $0x4  }
0x18e: {  	v3 =	vshll.u32 v2, $0x3  }
0x18f: {  	v2 =	vand.u32 $0x7, v2;
	v3 =	vand.u32 $0xFFFFFFC0, v3  }
0x190: {  	v2 =	vor.u32 v2, v3  }
0x191: {  	v2 =	vperm.xlane v2, v0;
	_ =	sdelay $0x1  }
0x192: {  	v2 =	vadd.s32 v1, v2;
	_ =	sdelay $0x4  }
0x193: {  	[tilespmem:s12], [sflag:$0x7] =	stream.indirect_vreg.gather [hbm4b:s22+s5], $0x80, v2, vm0, $0xb8;
	[tilespmem:$0x14100] =	vst v63  }
0x194: {  	s10 =	simm.s32 $0xC900  }
0x195: {  	[tilespmem:s10], [sflag:$0x7] =	stream.indirect_vreg.gather [hbm4b:s29+s5], $0x80, v2, vm0, $0xb8;
	[tilespmem:$0x14100] =	vst v63  }
0x196: {  	s12 =	simm.s32 $0xD100  }
0x197: {  	[tilespmem:s12], [sflag:$0x7] =	stream.indirect_vreg.gather [hbm4b:s30+s5], $0x80, v2, vm0, $0xb8;
	[tilespmem:$0x14100] =	vst v63  }
0x198: {  	s17 =	simm.s32 $0xD900  }
0x199: {  	[tilespmem:s17], [sflag:$0x7] =	stream.indirect_vreg.gather [hbm4b:s31+s5], $0x80, v2, vm0, $0xb8;
	[tilespmem:$0x14100] =	vst v63  }
0x19a: {  	v2 =	vld.msk [tilespmem:$0xD8], $0xff;
	_ =	sdelay $0x4  }
0x19b: {  	v3 =	vshll.u32 v2, $0x3  }
0x19c: {  	v2 =	vand.u32 $0x7, v2;
	v3 =	vand.u32 $0xFFFFFFC0, v3  }
0x19d: {  	v2 =	vor.u32 v2, v3  }
0x19e: {  	v2 =	vperm.xlane v2, v0;
	_ =	sdelay $0x1  }
0x19f: {  	v2 =	vadd.s32 v1, v2;
	_ =	sdelay $0x4  }
0x1a0: {  	[tilespmem:s14], [sflag:$0x8] =	stream.indirect_vreg.gather [hbm4b:s22+s5], $0x80, v2, vm0, $0xb8;
	[tilespmem:$0x14100] =	vst v63  }
0x1a1: {  	s18 =	simm.s32 $0xE900  }
0x1a2: {  	[tilespmem:s18], [sflag:$0x8] =	stream.indirect_vreg.gather [hbm4b:s29+s5], $0x80, v2, vm0, $0xb8;
	[tilespmem:$0x14100] =	vst v63  }
0x1a3: {  	s19 =	simm.s32 $0xF100  }
0x1a4: {  	[tilespmem:s19], [sflag:$0x8] =	stream.indirect_vreg.gather [hbm4b:s30+s5], $0x80, v2, vm0, $0xb8;
	[tilespmem:$0x14100] =	vst v63  }
0x1a5: {  	s20 =	simm.s32 $0xF900;
	s10 =	simm.s32 $0x11  }
0x1a6: {  	[tilespmem:s20], [sflag:$0x8] =	stream.indirect_vreg.gather [hbm4b:s31+s5], $0x80, v2, vm0, $0xb8;
	[tilespmem:$0x14100] =	vst v63  }
0x1a7: {  	_ =	swait.ge [sflag:s10], $0x2000  }
0x1a8: {  	[sflag:s10] =	ssyncset.done $0x0  }
0x1a9: {  	s12 =	simm.s32 $0x1;
	[sflag:s10] =	ssyncadd.s32 $0xFFFFE000  }
0x1aa: {  	_ =	swait.ge [sflag:s12], $0x2000  }
0x1ab: {  	[sflag:s12] =	ssyncset.done $0x0  }
0x1ac: {  	s14 =	simm.s32 $0x2;
	[sflag:s12] =	ssyncadd.s32 $0xFFFFE000  }
0x1ad: {  	_ =	swait.ge [sflag:s14], $0x2000  }
0x1ae: {  	[sflag:s14] =	ssyncset.done $0x0  }
0x1af: {  	s17 =	simm.s32 $0x3;
	[sflag:s14] =	ssyncadd.s32 $0xFFFFE000  }
0x1b0: {  	_ =	swait.ge [sflag:s17], $0x2000  }
0x1b1: {  	[sflag:s17] =	ssyncset.done $0x0  }
0x1b2: {  	[sflag:s17] =	ssyncadd.s32 $0xFFFFE000  }
0x1b3: {  	s18 =	sand.u32 $0x60, s5;
	s19 =	sand.u32 $0x1C00, s5;
	_ =	swait.ge [sflag:s8], $0x2000  }
0x1b4: {  	s6 =	sor.u32 s18, s19;
	s5 =	sand.u32 $0x380, s5;
	[sflag:s8] =	ssyncset.done $0x0  }
0x1b5: {  	s5 =	sor.u32 s5, s6;
	[sflag:s8] =	ssyncadd.s32 $0xFFFFE000  }
0x1b6: {  	v2 =	vld [tilespmem:s5+$0x10110]  }
0x1b7: {  	v3 =	vld [tilespmem:s5+$0x10100];
	_ =	sdelay $0x3  }
0x1b8: {  	[tilespmem:s5+$0x6110] =	vst.add.f32.msk $0xffff, v2  }
0x1b9: {  	s19 =	simm.s32 $0x40;
	s20 =	simm.s32 $0x20;
	s14 =	simm.s32 $0x100;
	[tilespmem:s5+$0x100] =	vst.add.f32.msk $0xffff, v3  }
0x1ba: {  	s20 =	sand.u32 $0x60, s20;
	s10 =	simm.s32 $0x4;
	s6 =	sand.u32 $0x1C00, s14;
	[tilespmem:s5+$0x2100] =	vst.add.f32.msk $0xffff, v3  }
.LBB2_6:
0x1bb: {  	p0 =	sne.s32 s19, $0x1FE0;
	s12 =	sand.u32 $0x380, s10;
	s6 =	sor.u32 s20, s6;
	[tilespmem:s5+$0x4100] =	vst.add.f32.msk $0xffff, v3  }
0x1bc: {  	s6 =	sor.u32 s12, s6;
	[tilespmem:s5+$0x6100] =	vst.add.f32.msk $0xffff, v3  }
0x1bd: {  	v4 =	vld [tilespmem:s6+$0x10110]  }
0x1be: {  	v3 =	vld [tilespmem:s6+$0x10100]  }
0x1bf: {  	[tilespmem:s5+$0x110] =	vst.add.f32.msk $0xffff, v2  }
.Ltmp2:
0x1c0: {  	[tilespmem:s5+$0x2110] =	vst.add.f32.msk $0xffff, v2;
	(pc) =	sbr.rel @p0 .LBB2_6-.Ltmp2, $4  }
0x1c1: {  	[tilespmem:s5+$0x4110] =	vst.add.f32.msk $0xffff, v2;
	s5 =	smov.u32 s6  }
0x1c2: {  	[tilespmem:s5+$0x6110] =	vst.add.f32.msk $0xffff, v4;
	v2 =	vmov v4  }
0x1c3: {  	s14 =	sadd.s32 $0x100, s14;
	s10 =	sadd.s32 $0x4, s10;
	[tilespmem:s5+$0x100] =	vst.add.f32.msk $0xffff, v3  }
0x1c4: {  	s20 =	sand.u32 $0x60, s19;
	s19 =	sadd.s32 $0x20, s19;
	s6 =	sand.u32 $0x1C00, s14;
	[tilespmem:s5+$0x2100] =	vst.add.f32.msk $0xffff, v3  }
0x1c5: {  	s10 =	sand.u32 $0x380, s10;
	s6 =	sor.u32 s20, s6;
	[tilespmem:s5+$0x4100] =	vst.add.f32.msk $0xffff, v3  }
0x1c6: {  	[tilespmem:s5+$0x6100] =	vst.add.f32.msk $0xffff, v3;
	s6 =	sor.u32 s10, s6  }
0x1c7: {  	v3 =	vld [tilespmem:s6+$0x10110]  }
0x1c8: {  	v4 =	vld [tilespmem:s6+$0x10100]  }
0x1c9: {  	[tilespmem:s5+$0x110] =	vst.add.f32.msk $0xffff, v2  }
0x1ca: {  	[tilespmem:s5+$0x2110] =	vst.add.f32.msk $0xffff, v2  }
0x1cb: {  	[tilespmem:s5+$0x4110] =	vst.add.f32.msk $0xffff, v2  }
0x1cc: {  	[tilespmem:s6+$0x6110] =	vst.add.f32.msk $0xffff, v3  }
0x1cd: {  	[tilespmem:s6+$0x100] =	vst.add.f32.msk $0xffff, v4  }
0x1ce: {  	[tilespmem:s6+$0x2100] =	vst.add.f32.msk $0xffff, v4  }
0x1cf: {  	[tilespmem:s6+$0x4100] =	vst.add.f32.msk $0xffff, v4  }
0x1d0: {  	[tilespmem:s6+$0x6100] =	vst.add.f32.msk $0xffff, v4  }
0x1d1: {  	[tilespmem:s6+$0x110] =	vst.add.f32.msk $0xffff, v3  }
0x1d2: {  	s18 =	rddreg [dreg:$0x12];
	[tilespmem:s6+$0x2110] =	vst.add.f32.msk $0xffff, v3  }
0x1d3: {  	s12 =	simm.s32 $0x100;
	s19 =	sld [smem:$0x7EC];
	s5 =	simm.s32 $0x0;
	[tilespmem:s6+$0x4110] =	vst.add.f32.msk $0xffff, v3  }
0x1d4: {  	[hbm4b:s18+s5] =	stream.linear.scatter [tilespmem:s12], [sflag:$0x9], $0x2000, $0x38;
	[tilespmem:$0x14100] =	vst v63  }
0x1d5: {  	s14 =	simm.s32 $0x2100;
	s20 =	sld [smem:$0x7ED]  }
0x1d6: {  	[hbm4b:s19+s5] =	stream.linear.scatter [tilespmem:s14], [sflag:$0xA], $0x2000, $0x38;
	[tilespmem:$0x14100] =	vst v63  }
0x1d7: {  	s17 =	simm.s32 $0x4100;
	s10 =	sld [smem:$0x7EE]  }
0x1d8: {  	[hbm4b:s20+s5] =	stream.linear.scatter [tilespmem:s17], [sflag:$0xB], $0x2000, $0x38;
	[tilespmem:$0x14100] =	vst v63  }
0x1d9: {  	s18 =	simm.s32 $0x6100  }
0x1da: {  	[hbm4b:s10+s5] =	stream.linear.scatter [tilespmem:s18], [sflag:$0xC], $0x2000, $0x38;
	[tilespmem:$0x14100] =	vst v63  }
0x1db: {  	s19 =	rddreg [dreg:$0x13];
	s20 =	simm.s32 $0x10100  }
0x1dc: {  	[tilespmem:s20], [sflag:$0x11] =	stream.linear.gather [hbm4b:s19+s5], $0x2000, $0x38;
	[tilespmem:$0x14100] =	vst v63  }
0x1dd: {  	_ =	swait.ge [sflag:s24], $0x2000  }
0x1de: {  	[sflag:s24] =	ssyncset.done $0x0  }
0x1df: {  	[sflag:s24] =	ssyncadd.s32 $0xFFFFE000  }
0x1e0: {  	_ =	swait.ge [sflag:s25], $0x2000  }
0x1e1: {  	[sflag:s25] =	ssyncset.done $0x0  }
0x1e2: {  	[sflag:s25] =	ssyncadd.s32 $0xFFFFE000  }
0x1e3: {  	_ =	swait.ge [sflag:s26], $0x2000  }
0x1e4: {  	[sflag:s26] =	ssyncset.done $0x0  }
0x1e5: {  	[sflag:s26] =	ssyncadd.s32 $0xFFFFE000  }
0x1e6: {  	_ =	swait.ge [sflag:s28], $0x2000  }
0x1e7: {  	[sflag:s28] =	ssyncset.done $0x0  }
0x1e8: {  	[sflag:s28] =	ssyncadd.s32 $0xFFFFE000  }
0x1e9: {  	v2 =	vld.msk [tilespmem:$0x20], $0xff;
	_ =	sdelay $0x4  }
0x1ea: {  	v3 =	vshll.u32 v2, $0x3  }
0x1eb: {  	v2 =	vand.u32 $0x7, v2;
	v3 =	vand.u32 $0xFFFFFFC0, v3  }
0x1ec: {  	v2 =	vor.u32 v2, v3  }
0x1ed: {  	v2 =	vperm.xlane v2, v0;
	_ =	sdelay $0x1  }
0x1ee: {  	v2 =	vadd.s32 v1, v2;
	_ =	sdelay $0x4  }
0x1ef: {  	[tilespmem:s12], [sflag:$0x1] =	stream.indirect_vreg.gather [hbm4b:s22+s5], $0x80, v2, vm0, $0xb8;
	[tilespmem:$0x14100] =	vst v63  }
0x1f0: {  	s12 =	simm.s32 $0x900  }
0x1f1: {  	[tilespmem:s12], [sflag:$0x1] =	stream.indirect_vreg.gather [hbm4b:s29+s5], $0x80, v2, vm0, $0xb8;
	[tilespmem:$0x14100] =	vst v63  }
0x1f2: {  	s19 =	simm.s32 $0x1100  }
0x1f3: {  	[tilespmem:s19], [sflag:$0x1] =	stream.indirect_vreg.gather [hbm4b:s30+s5], $0x80, v2, vm0, $0xb8;
	[tilespmem:$0x14100] =	vst v63  }
0x1f4: {  	s20 =	simm.s32 $0x1900  }
0x1f5: {  	[tilespmem:s20], [sflag:$0x1] =	stream.indirect_vreg.gather [hbm4b:s31+s5], $0x80, v2, vm0, $0xb8;
	[tilespmem:$0x14100] =	vst v63  }
0x1f6: {  	v2 =	vld.msk [tilespmem:$0x60], $0xff;
	_ =	sdelay $0x4  }
0x1f7: {  	v3 =	vshll.u32 v2, $0x3  }
0x1f8: {  	v2 =	vand.u32 $0x7, v2;
	v3 =	vand.u32 $0xFFFFFFC0, v3  }
0x1f9: {  	v2 =	vor.u32 v2, v3  }
0x1fa: {  	v2 =	vperm.xlane v2, v0;
	_ =	sdelay $0x1  }
0x1fb: {  	v2 =	vadd.s32 v1, v2;
	_ =	sdelay $0x4  }
0x1fc: {  	[tilespmem:s14], [sflag:$0x2] =	stream.indirect_vreg.gather [hbm4b:s22+s5], $0x80, v2, vm0, $0xb8;
	[tilespmem:$0x14100] =	vst v63  }
0x1fd: {  	s10 =	simm.s32 $0x2900  }
0x1fe: {  	[tilespmem:s10], [sflag:$0x2] =	stream.indirect_vreg.gather [hbm4b:s29+s5], $0x80, v2, vm0, $0xb8;
	[tilespmem:$0x14100] =	vst v63  }
0x1ff: {  	s12 =	simm.s32 $0x3100  }
0x200: {  	[tilespmem:s12], [sflag:$0x2] =	stream.indirect_vreg.gather [hbm4b:s30+s5], $0x80, v2, vm0, $0xb8;
	[tilespmem:$0x14100] =	vst v63  }
0x201: {  	s14 =	simm.s32 $0x3900  }
0x202: {  	[tilespmem:s14], [sflag:$0x2] =	stream.indirect_vreg.gather [hbm4b:s31+s5], $0x80, v2, vm0, $0xb8;
	[tilespmem:$0x14100] =	vst v63  }
0x203: {  	v2 =	vld.msk [tilespmem:$0xA0], $0xff;
	_ =	sdelay $0x4  }
0x204: {  	v3 =	vshll.u32 v2, $0x3  }
0x205: {  	v2 =	vand.u32 $0x7, v2;
	v3 =	vand.u32 $0xFFFFFFC0, v3  }
0x206: {  	v2 =	vor.u32 v2, v3  }
0x207: {  	v2 =	vperm.xlane v2, v0;
	_ =	sdelay $0x1  }
0x208: {  	v2 =	vadd.s32 v1, v2;
	_ =	sdelay $0x4  }
0x209: {  	[tilespmem:s17], [sflag:$0x3] =	stream.indirect_vreg.gather [hbm4b:s22+s5], $0x80, v2, vm0, $0xb8;
	[tilespmem:$0x14100] =	vst v63  }
0x20a: {  	s19 =	simm.s32 $0x4900  }
0x20b: {  	[tilespmem:s19], [sflag:$0x3] =	stream.indirect_vreg.gather [hbm4b:s29+s5], $0x80, v2, vm0, $0xb8;
	[tilespmem:$0x14100] =	vst v63  }
0x20c: {  	s20 =	simm.s32 $0x5100  }
0x20d: {  	[tilespmem:s20], [sflag:$0x3] =	stream.indirect_vreg.gather [hbm4b:s30+s5], $0x80, v2, vm0, $0xb8;
	[tilespmem:$0x14100] =	vst v63  }
0x20e: {  	s10 =	simm.s32 $0x5900  }
0x20f: {  	[tilespmem:s10], [sflag:$0x3] =	stream.indirect_vreg.gather [hbm4b:s31+s5], $0x80, v2, vm0, $0xb8;
	[tilespmem:$0x14100] =	vst v63  }
0x210: {  	v2 =	vld.msk [tilespmem:$0xE0], $0xff;
	_ =	sdelay $0x4  }
0x211: {  	v3 =	vshll.u32 v2, $0x3  }
0x212: {  	v2 =	vand.u32 $0x7, v2;
	v3 =	vand.u32 $0xFFFFFFC0, v3  }
0x213: {  	v2 =	vor.u32 v2, v3  }
0x214: {  	v2 =	vperm.xlane v2, v0;
	_ =	sdelay $0x1  }
0x215: {  	v2 =	vadd.s32 v1, v2;
	_ =	sdelay $0x4  }
0x216: {  	[tilespmem:s18], [sflag:$0x4] =	stream.indirect_vreg.gather [hbm4b:s22+s5], $0x80, v2, vm0, $0xb8;
	[tilespmem:$0x14100] =	vst v63  }
0x217: {  	s12 =	simm.s32 $0x6900  }
0x218: {  	[tilespmem:s12], [sflag:$0x4] =	stream.indirect_vreg.gather [hbm4b:s29+s5], $0x80, v2, vm0, $0xb8;
	[tilespmem:$0x14100] =	vst v63  }
0x219: {  	s14 =	simm.s32 $0x7100  }
0x21a: {  	[tilespmem:s14], [sflag:$0x4] =	stream.indirect_vreg.gather [hbm4b:s30+s5], $0x80, v2, vm0, $0xb8;
	[tilespmem:$0x14100] =	vst v63  }
0x21b: {  	s17 =	simm.s32 $0x7900  }
0x21c: {  	[tilespmem:s17], [sflag:$0x4] =	stream.indirect_vreg.gather [hbm4b:s31+s5], $0x80, v2, vm0, $0xb8;
	[tilespmem:$0x14100] =	vst v63  }
0x21d: {  	_ =	swait.ge [sflag:s2], $0x2000  }
0x21e: {  	[sflag:s2] =	ssyncset.done $0x0  }
0x21f: {  	[sflag:s2] =	ssyncadd.s32 $0xFFFFE000  }
0x220: {  	_ =	swait.ge [sflag:s3], $0x2000  }
0x221: {  	[sflag:s3] =	ssyncset.done $0x0  }
0x222: {  	[sflag:s3] =	ssyncadd.s32 $0xFFFFE000  }
0x223: {  	_ =	swait.ge [sflag:s4], $0x2000  }
0x224: {  	[sflag:s4] =	ssyncset.done $0x0  }
0x225: {  	[sflag:s4] =	ssyncadd.s32 $0xFFFFE000  }
0x226: {  	_ =	swait.ge [sflag:s7], $0x2000  }
0x227: {  	[sflag:s7] =	ssyncset.done $0x0  }
0x228: {  	[sflag:s7] =	ssyncadd.s32 $0xFFFFE000  }
0x229: {  	s19 =	sand.u32 $0x1C00, s5;
	s18 =	sand.u32 $0x60, s5;
	_ =	swait.ge [sflag:s9], $0x2000  }
0x22a: {  	s6 =	sor.u32 s18, s19;
	s5 =	sand.u32 $0x380, s5;
	[sflag:s9] =	ssyncset.done $0x0  }
0x22b: {  	s5 =	sor.u32 s5, s6;
	[sflag:s9] =	ssyncadd.s32 $0xFFFFE000  }
0x22c: {  	v2 =	vld [tilespmem:s5+$0x12110]  }
0x22d: {  	v3 =	vld [tilespmem:s5+$0x12100];
	_ =	sdelay $0x3  }
0x22e: {  	s20 =	simm.s32 $0x20;
	[tilespmem:s5+$0xE110] =	vst.add.f32.msk $0xffff, v2  }
0x22f: {  	s20 =	sand.u32 $0x60, s20;
	s14 =	simm.s32 $0x100;
	[tilespmem:s5+$0x8100] =	vst.add.f32.msk $0xffff, v3  }
0x230: {  	s10 =	simm.s32 $0x4;
	s19 =	simm.s32 $0x40;
	s6 =	sand.u32 $0x1C00, s14;
	[tilespmem:s5+$0xA100] =	vst.add.f32.msk $0xffff, v3  }
.LBB2_8:
0x231: {  	p0 =	sne.s32 s19, $0x1FE0;
	s12 =	sand.u32 $0x380, s10;
	s6 =	sor.u32 s20, s6;
	[tilespmem:s5+$0xC100] =	vst.add.f32.msk $0xffff, v3  }
0x232: {  	s6 =	sor.u32 s12, s6;
	[tilespmem:s5+$0xE100] =	vst.add.f32.msk $0xffff, v3  }
0x233: {  	v4 =	vld [tilespmem:s6+$0x12110]  }
0x234: {  	v3 =	vld [tilespmem:s6+$0x12100]  }
0x235: {  	[tilespmem:s5+$0x8110] =	vst.add.f32.msk $0xffff, v2  }
.Ltmp3:
0x236: {  	[tilespmem:s5+$0xA110] =	vst.add.f32.msk $0xffff, v2;
	(pc) =	sbr.rel @p0 .LBB2_8-.Ltmp3, $4  }
0x237: {  	[tilespmem:s5+$0xC110] =	vst.add.f32.msk $0xffff, v2;
	s5 =	smov.u32 s6  }
0x238: {  	[tilespmem:s5+$0xE110] =	vst.add.f32.msk $0xffff, v4;
	v2 =	vmov v4  }
0x239: {  	s14 =	sadd.s32 $0x100, s14;
	s10 =	sadd.s32 $0x4, s10;
	[tilespmem:s5+$0x8100] =	vst.add.f32.msk $0xffff, v3  }
0x23a: {  	s20 =	sand.u32 $0x60, s19;
	s19 =	sadd.s32 $0x20, s19;
	s6 =	sand.u32 $0x1C00, s14;
	[tilespmem:s5+$0xA100] =	vst.add.f32.msk $0xffff, v3  }
0x23b: {  	s10 =	sand.u32 $0x380, s10;
	s6 =	sor.u32 s20, s6;
	[tilespmem:s5+$0xC100] =	vst.add.f32.msk $0xffff, v3  }
0x23c: {  	[tilespmem:s5+$0xE100] =	vst.add.f32.msk $0xffff, v3;
	s6 =	sor.u32 s10, s6  }
0x23d: {  	v3 =	vld [tilespmem:s6+$0x12110]  }
0x23e: {  	v4 =	vld [tilespmem:s6+$0x12100]  }
0x23f: {  	[tilespmem:s5+$0x8110] =	vst.add.f32.msk $0xffff, v2  }
0x240: {  	[tilespmem:s5+$0xA110] =	vst.add.f32.msk $0xffff, v2  }
0x241: {  	[tilespmem:s5+$0xC110] =	vst.add.f32.msk $0xffff, v2  }
0x242: {  	[tilespmem:s6+$0xE110] =	vst.add.f32.msk $0xffff, v3  }
0x243: {  	[tilespmem:s6+$0x8100] =	vst.add.f32.msk $0xffff, v4  }
0x244: {  	[tilespmem:s6+$0xA100] =	vst.add.f32.msk $0xffff, v4  }
0x245: {  	[tilespmem:s6+$0xC100] =	vst.add.f32.msk $0xffff, v4  }
0x246: {  	[tilespmem:s6+$0xE100] =	vst.add.f32.msk $0xffff, v4  }
0x247: {  	[tilespmem:s6+$0x8110] =	vst.add.f32.msk $0xffff, v3  }
0x248: {  	s18 =	rddreg [dreg:$0x14];
	[tilespmem:s6+$0xA110] =	vst.add.f32.msk $0xffff, v3  }
0x249: {  	s19 =	sld [smem:$0x7EF];
	s5 =	simm.s32 $0x0;
	[tilespmem:s6+$0xC110] =	vst.add.f32.msk $0xffff, v3  }
0x24a: {  	[hbm4b:s18+s5] =	stream.linear.scatter [tilespmem:s21], [sflag:$0xD], $0x2000, $0x38;
	[tilespmem:$0x14100] =	vst v63  }
0x24b: {  	s20 =	sld [smem:$0x7F0]  }
0x24c: {  	[hbm4b:s19+s5] =	stream.linear.scatter [tilespmem:s23], [sflag:$0xE], $0x2000, $0x38;
	[tilespmem:$0x14100] =	vst v63  }
0x24d: {  	s12 =	simm.s32 $0xC100;
	s10 =	sld [smem:$0x7F1]  }
0x24e: {  	[hbm4b:s20+s5] =	stream.linear.scatter [tilespmem:s12], [sflag:$0xF], $0x2000, $0x38;
	[tilespmem:$0x14100] =	vst v63  }
0x24f: {  	s14 =	simm.s32 $0xE100  }
0x250: {  	[hbm4b:s10+s5] =	stream.linear.scatter [tilespmem:s14], [sflag:$0x10], $0x2000, $0x38;
	[tilespmem:$0x14100] =	vst v63  }
0x251: {  	s17 =	rddreg [dreg:$0x15];
	s18 =	simm.s32 $0x12100  }
0x252: {  	[tilespmem:s18], [sflag:$0x12] =	stream.linear.gather [hbm4b:s17+s5], $0x2000, $0x38;
	[tilespmem:$0x14100] =	vst v63  }
0x253: {  	_ =	swait.ge [sflag:s11], $0x2000  }
0x254: {  	[sflag:s11] =	ssyncset.done $0x0  }
0x255: {  	[sflag:s11] =	ssyncadd.s32 $0xFFFFE000  }
0x256: {  	_ =	swait.ge [sflag:s13], $0x2000  }
0x257: {  	[sflag:s13] =	ssyncset.done $0x0  }
0x258: {  	[sflag:s13] =	ssyncadd.s32 $0xFFFFE000  }
0x259: {  	_ =	swait.ge [sflag:s15], $0x2000  }
0x25a: {  	[sflag:s15] =	ssyncset.done $0x0  }
0x25b: {  	[sflag:s15] =	ssyncadd.s32 $0xFFFFE000  }
0x25c: {  	_ =	swait.ge [sflag:s16], $0x2000  }
0x25d: {  	[sflag:s16] =	ssyncset.done $0x0  }
0x25e: {  	[sflag:s16] =	ssyncadd.s32 $0xFFFFE000  }
0x25f: {  	v2 =	vld.msk [tilespmem:$0x28], $0xff;
	_ =	sdelay $0x4  }
0x260: {  	v3 =	vshll.u32 v2, $0x3  }
0x261: {  	v2 =	vand.u32 $0x7, v2;
	v3 =	vand.u32 $0xFFFFFFC0, v3  }
0x262: {  	v2 =	vor.u32 v2, v3  }
0x263: {  	v2 =	vperm.xlane v2, v0;
	_ =	sdelay $0x1  }
0x264: {  	v2 =	vadd.s32 v1, v2;
	_ =	sdelay $0x4  }
0x265: {  	[tilespmem:s21], [sflag:$0x5] =	stream.indirect_vreg.gather [hbm4b:s22+s5], $0x80, v2, vm0, $0xb8;
	[tilespmem:$0x14100] =	vst v63  }
0x266: {  	s19 =	simm.s32 $0x8900  }
0x267: {  	[tilespmem:s19], [sflag:$0x5] =	stream.indirect_vreg.gather [hbm4b:s29+s5], $0x80, v2, vm0, $0xb8;
	[tilespmem:$0x14100] =	vst v63  }
0x268: {  	s20 =	simm.s32 $0x9100  }
0x269: {  	[tilespmem:s20], [sflag:$0x5] =	stream.indirect_vreg.gather [hbm4b:s30+s5], $0x80, v2, vm0, $0xb8;
	[tilespmem:$0x14100] =	vst v63  }
0x26a: {  	s21 =	simm.s32 $0x9900  }
0x26b: {  	[tilespmem:s21], [sflag:$0x5] =	stream.indirect_vreg.gather [hbm4b:s31+s5], $0x80, v2, vm0, $0xb8;
	[tilespmem:$0x14100] =	vst v63  }
0x26c: {  	v2 =	vld.msk [tilespmem:$0x68], $0xff;
	_ =	sdelay $0x4  }
0x26d: {  	v3 =	vshll.u32 v2, $0x3  }
0x26e: {  	v2 =	vand.u32 $0x7, v2;
	v3 =	vand.u32 $0xFFFFFFC0, v3  }
0x26f: {  	v2 =	vor.u32 v2, v3  }
0x270: {  	v2 =	vperm.xlane v2, v0;
	_ =	sdelay $0x1  }
0x271: {  	v2 =	vadd.s32 v1, v2;
	_ =	sdelay $0x4  }
0x272: {  	[tilespmem:s23], [sflag:$0x6] =	stream.indirect_vreg.gather [hbm4b:s22+s5], $0x80, v2, vm0, $0xb8;
	[tilespmem:$0x14100] =	vst v63  }
0x273: {  	s10 =	simm.s32 $0xA900  }
0x274: {  	[tilespmem:s10], [sflag:$0x6] =	stream.indirect_vreg.gather [hbm4b:s29+s5], $0x80, v2, vm0, $0xb8;
	[tilespmem:$0x14100] =	vst v63  }
0x275: {  	s17 =	simm.s32 $0xB100  }
0x276: {  	[tilespmem:s17], [sflag:$0x6] =	stream.indirect_vreg.gather [hbm4b:s30+s5], $0x80, v2, vm0, $0xb8;
	[tilespmem:$0x14100] =	vst v63  }
0x277: {  	s18 =	simm.s32 $0xB900  }
0x278: {  	[tilespmem:s18], [sflag:$0x6] =	stream.indirect_vreg.gather [hbm4b:s31+s5], $0x80, v2, vm0, $0xb8;
	[tilespmem:$0x14100] =	vst v63  }
0x279: {  	v2 =	vld.msk [tilespmem:$0xA8], $0xff;
	_ =	sdelay $0x4  }
0x27a: {  	v3 =	vshll.u32 v2, $0x3  }
0x27b: {  	v2 =	vand.u32 $0x7, v2;
	v3 =	vand.u32 $0xFFFFFFC0, v3  }
0x27c: {  	v2 =	vor.u32 v2, v3  }
0x27d: {  	v2 =	vperm.xlane v2, v0;
	_ =	sdelay $0x1  }
0x27e: {  	v2 =	vadd.s32 v1, v2;
	_ =	sdelay $0x4  }
0x27f: {  	[tilespmem:s12], [sflag:$0x7] =	stream.indirect_vreg.gather [hbm4b:s22+s5], $0x80, v2, vm0, $0xb8;
	[tilespmem:$0x14100] =	vst v63  }
0x280: {  	s19 =	simm.s32 $0xC900  }
0x281: {  	[tilespmem:s19], [sflag:$0x7] =	stream.indirect_vreg.gather [hbm4b:s29+s5], $0x80, v2, vm0, $0xb8;
	[tilespmem:$0x14100] =	vst v63  }
0x282: {  	s20 =	simm.s32 $0xD100  }
0x283: {  	[tilespmem:s20], [sflag:$0x7] =	stream.indirect_vreg.gather [hbm4b:s30+s5], $0x80, v2, vm0, $0xb8;
	[tilespmem:$0x14100] =	vst v63  }
0x284: {  	s21 =	simm.s32 $0xD900  }
0x285: {  	[tilespmem:s21], [sflag:$0x7] =	stream.indirect_vreg.gather [hbm4b:s31+s5], $0x80, v2, vm0, $0xb8;
	[tilespmem:$0x14100] =	vst v63  }
0x286: {  	v2 =	vld.msk [tilespmem:$0xE8], $0xff;
	_ =	sdelay $0x4  }
0x287: {  	v3 =	vshll.u32 v2, $0x3  }
0x288: {  	v2 =	vand.u32 $0x7, v2;
	v3 =	vand.u32 $0xFFFFFFC0, v3  }
0x289: {  	v2 =	vor.u32 v2, v3  }
0x28a: {  	v2 =	vperm.xlane v2, v0;
	_ =	sdelay $0x1  }
0x28b: {  	v2 =	vadd.s32 v1, v2;
	_ =	sdelay $0x4  }
0x28c: {  	[tilespmem:s14], [sflag:$0x8] =	stream.indirect_vreg.gather [hbm4b:s22+s5], $0x80, v2, vm0, $0xb8;
	[tilespmem:$0x14100] =	vst v63  }
0x28d: {  	s23 =	simm.s32 $0xE900  }
0x28e: {  	[tilespmem:s23], [sflag:$0x8] =	stream.indirect_vreg.gather [hbm4b:s29+s5], $0x80, v2, vm0, $0xb8;
	[tilespmem:$0x14100] =	vst v63  }
0x28f: {  	s10 =	simm.s32 $0xF100  }
0x290: {  	[tilespmem:s10], [sflag:$0x8] =	stream.indirect_vreg.gather [hbm4b:s30+s5], $0x80, v2, vm0, $0xb8;
	[tilespmem:$0x14100] =	vst v63  }
0x291: {  	s12 =	simm.s32 $0xF900;
	s14 =	simm.s32 $0x11  }
0x292: {  	[tilespmem:s12], [sflag:$0x8] =	stream.indirect_vreg.gather [hbm4b:s31+s5], $0x80, v2, vm0, $0xb8;
	[tilespmem:$0x14100] =	vst v63  }
0x293: {  	_ =	swait.ge [sflag:s14], $0x2000  }
0x294: {  	[sflag:s14] =	ssyncset.done $0x0  }
0x295: {  	s17 =	simm.s32 $0x1;
	[sflag:s14] =	ssyncadd.s32 $0xFFFFE000  }
0x296: {  	_ =	swait.ge [sflag:s17], $0x2000  }
0x297: {  	[sflag:s17] =	ssyncset.done $0x0  }
0x298: {  	s18 =	simm.s32 $0x2;
	[sflag:s17] =	ssyncadd.s32 $0xFFFFE000  }
0x299: {  	_ =	swait.ge [sflag:s18], $0x2000  }
0x29a: {  	[sflag:s18] =	ssyncset.done $0x0  }
0x29b: {  	s19 =	simm.s32 $0x3;
	[sflag:s18] =	ssyncadd.s32 $0xFFFFE000  }
0x29c: {  	_ =	swait.ge [sflag:s19], $0x2000  }
0x29d: {  	[sflag:s19] =	ssyncset.done $0x0  }
0x29e: {  	[sflag:s19] =	ssyncadd.s32 $0xFFFFE000  }
0x29f: {  	s20 =	sand.u32 $0x60, s5;
	s21 =	sand.u32 $0x1C00, s5;
	_ =	swait.ge [sflag:s8], $0x2000  }
0x2a0: {  	s6 =	sor.u32 s20, s21;
	s5 =	sand.u32 $0x380, s5;
	[sflag:s8] =	ssyncset.done $0x0  }
0x2a1: {  	s5 =	sor.u32 s5, s6;
	[sflag:s8] =	ssyncadd.s32 $0xFFFFE000  }
0x2a2: {  	v2 =	vld [tilespmem:s5+$0x10110]  }
0x2a3: {  	v3 =	vld [tilespmem:s5+$0x10100];
	_ =	sdelay $0x3  }
0x2a4: {  	s23 =	simm.s32 $0x20;
	[tilespmem:s5+$0x6110] =	vst.add.f32.msk $0xffff, v2  }
0x2a5: {  	s20 =	sand.u32 $0x60, s23;
	s14 =	simm.s32 $0x100;
	[tilespmem:s5+$0x100] =	vst.add.f32.msk $0xffff, v3  }
0x2a6: {  	s10 =	simm.s32 $0x4;
	s6 =	sand.u32 $0x1C00, s14;
	s19 =	simm.s32 $0x40;
	[tilespmem:s5+$0x2100] =	vst.add.f32.msk $0xffff, v3  }
.LBB2_10:
0x2a7: {  	p0 =	sne.s32 s19, $0x1FE0;
	s12 =	sand.u32 $0x380, s10;
	s6 =	sor.u32 s20, s6;
	[tilespmem:s5+$0x4100] =	vst.add.f32.msk $0xffff, v3  }
0x2a8: {  	s6 =	sor.u32 s12, s6;
	[tilespmem:s5+$0x6100] =	vst.add.f32.msk $0xffff, v3  }
0x2a9: {  	v4 =	vld [tilespmem:s6+$0x10110]  }
0x2aa: {  	v3 =	vld [tilespmem:s6+$0x10100]  }
0x2ab: {  	[tilespmem:s5+$0x110] =	vst.add.f32.msk $0xffff, v2  }
.Ltmp4:
0x2ac: {  	[tilespmem:s5+$0x2110] =	vst.add.f32.msk $0xffff, v2;
	(pc) =	sbr.rel @p0 .LBB2_10-.Ltmp4, $4  }
0x2ad: {  	[tilespmem:s5+$0x4110] =	vst.add.f32.msk $0xffff, v2;
	s5 =	smov.u32 s6  }
0x2ae: {  	[tilespmem:s5+$0x6110] =	vst.add.f32.msk $0xffff, v4;
	v2 =	vmov v4  }
0x2af: {  	s14 =	sadd.s32 $0x100, s14;
	s10 =	sadd.s32 $0x4, s10;
	[tilespmem:s5+$0x100] =	vst.add.f32.msk $0xffff, v3  }
0x2b0: {  	s20 =	sand.u32 $0x60, s19;
	s19 =	sadd.s32 $0x20, s19;
	s6 =	sand.u32 $0x1C00, s14;
	[tilespmem:s5+$0x2100] =	vst.add.f32.msk $0xffff, v3  }
0x2b1: {  	s10 =	sand.u32 $0x380, s10;
	s6 =	sor.u32 s20, s6;
	[tilespmem:s5+$0x4100] =	vst.add.f32.msk $0xffff, v3  }
0x2b2: {  	[tilespmem:s5+$0x6100] =	vst.add.f32.msk $0xffff, v3;
	s6 =	sor.u32 s10, s6  }
0x2b3: {  	v3 =	vld [tilespmem:s6+$0x10110]  }
0x2b4: {  	v4 =	vld [tilespmem:s6+$0x10100]  }
0x2b5: {  	[tilespmem:s5+$0x110] =	vst.add.f32.msk $0xffff, v2  }
0x2b6: {  	[tilespmem:s5+$0x2110] =	vst.add.f32.msk $0xffff, v2  }
0x2b7: {  	[tilespmem:s5+$0x4110] =	vst.add.f32.msk $0xffff, v2  }
0x2b8: {  	[tilespmem:s6+$0x6110] =	vst.add.f32.msk $0xffff, v3  }
0x2b9: {  	[tilespmem:s6+$0x100] =	vst.add.f32.msk $0xffff, v4  }
0x2ba: {  	[tilespmem:s6+$0x2100] =	vst.add.f32.msk $0xffff, v4  }
0x2bb: {  	[tilespmem:s6+$0x4100] =	vst.add.f32.msk $0xffff, v4  }
0x2bc: {  	[tilespmem:s6+$0x6100] =	vst.add.f32.msk $0xffff, v4  }
0x2bd: {  	[tilespmem:s6+$0x110] =	vst.add.f32.msk $0xffff, v3  }
0x2be: {  	s23 =	rddreg [dreg:$0x16];
	[tilespmem:s6+$0x2110] =	vst.add.f32.msk $0xffff, v3  }
0x2bf: {  	s12 =	simm.s32 $0x100;
	s10 =	sld [smem:$0x7F2];
	s5 =	simm.s32 $0x0;
	[tilespmem:s6+$0x4110] =	vst.add.f32.msk $0xffff, v3  }
0x2c0: {  	[hbm4b:s23+s5] =	stream.linear.scatter [tilespmem:s12], [sflag:$0x9], $0x2000, $0x38;
	[tilespmem:$0x14100] =	vst v63  }
0x2c1: {  	s14 =	simm.s32 $0x2100;
	s17 =	sld [smem:$0x7F3]  }
0x2c2: {  	[hbm4b:s10+s5] =	stream.linear.scatter [tilespmem:s14], [sflag:$0xA], $0x2000, $0x38;
	[tilespmem:$0x14100] =	vst v63  }
0x2c3: {  	s19 =	simm.s32 $0x4100;
	s18 =	sld [smem:$0x7F4]  }
0x2c4: {  	[hbm4b:s17+s5] =	stream.linear.scatter [tilespmem:s19], [sflag:$0xB], $0x2000, $0x38;
	[tilespmem:$0x14100] =	vst v63  }
0x2c5: {  	s20 =	simm.s32 $0x6100  }
0x2c6: {  	[hbm4b:s18+s5] =	stream.linear.scatter [tilespmem:s20], [sflag:$0xC], $0x2000, $0x38;
	[tilespmem:$0x14100] =	vst v63  }
0x2c7: {  	s21 =	rddreg [dreg:$0x18];
	s23 =	simm.s32 $0x10100  }
0x2c8: {  	[tilespmem:s23], [sflag:$0x11] =	stream.linear.gather [hbm4b:s21+s5], $0x2000, $0x38;
	[tilespmem:$0x14100] =	vst v63  }
0x2c9: {  	_ =	swait.ge [sflag:s24], $0x2000  }
0x2ca: {  	[sflag:s24] =	ssyncset.done $0x0  }
0x2cb: {  	[sflag:s24] =	ssyncadd.s32 $0xFFFFE000  }
0x2cc: {  	_ =	swait.ge [sflag:s25], $0x2000  }
0x2cd: {  	[sflag:s25] =	ssyncset.done $0x0  }
0x2ce: {  	[sflag:s25] =	ssyncadd.s32 $0xFFFFE000  }
0x2cf: {  	_ =	swait.ge [sflag:s26], $0x2000  }
0x2d0: {  	[sflag:s26] =	ssyncset.done $0x0  }
0x2d1: {  	[sflag:s26] =	ssyncadd.s32 $0xFFFFE000  }
0x2d2: {  	_ =	swait.ge [sflag:s28], $0x2000  }
0x2d3: {  	[sflag:s28] =	ssyncset.done $0x0  }
0x2d4: {  	[sflag:s28] =	ssyncadd.s32 $0xFFFFE000  }
0x2d5: {  	v2 =	vld.msk [tilespmem:$0x30], $0xff;
	_ =	sdelay $0x4  }
0x2d6: {  	v3 =	vshll.u32 v2, $0x3  }
0x2d7: {  	v2 =	vand.u32 $0x7, v2;
	v3 =	vand.u32 $0xFFFFFFC0, v3  }
0x2d8: {  	v2 =	vor.u32 v2, v3  }
0x2d9: {  	v2 =	vperm.xlane v2, v0;
	_ =	sdelay $0x1  }
0x2da: {  	v2 =	vadd.s32 v1, v2;
	_ =	sdelay $0x4  }
0x2db: {  	[tilespmem:s12], [sflag:$0x1] =	stream.indirect_vreg.gather [hbm4b:s22+s5], $0x80, v2, vm0, $0xb8;
	[tilespmem:$0x14100] =	vst v63  }
0x2dc: {  	s10 =	simm.s32 $0x900  }
0x2dd: {  	[tilespmem:s10], [sflag:$0x1] =	stream.indirect_vreg.gather [hbm4b:s29+s5], $0x80, v2, vm0, $0xb8;
	[tilespmem:$0x14100] =	vst v63  }
0x2de: {  	s12 =	simm.s32 $0x1100  }
0x2df: {  	[tilespmem:s12], [sflag:$0x1] =	stream.indirect_vreg.gather [hbm4b:s30+s5], $0x80, v2, vm0, $0xb8;
	[tilespmem:$0x14100] =	vst v63  }
0x2e0: {  	s18 =	simm.s32 $0x1900  }
0x2e1: {  	[tilespmem:s18], [sflag:$0x1] =	stream.indirect_vreg.gather [hbm4b:s31+s5], $0x80, v2, vm0, $0xb8;
	[tilespmem:$0x14100] =	vst v63  }
0x2e2: {  	v2 =	vld.msk [tilespmem:$0x70], $0xff;
	_ =	sdelay $0x4  }
0x2e3: {  	v3 =	vshll.u32 v2, $0x3  }
0x2e4: {  	v2 =	vand.u32 $0x7, v2;
	v3 =	vand.u32 $0xFFFFFFC0, v3  }
0x2e5: {  	v2 =	vor.u32 v2, v3  }
0x2e6: {  	v2 =	vperm.xlane v2, v0;
	_ =	sdelay $0x1  }
0x2e7: {  	v2 =	vadd.s32 v1, v2;
	_ =	sdelay $0x4  }
0x2e8: {  	[tilespmem:s14], [sflag:$0x2] =	stream.indirect_vreg.gather [hbm4b:s22+s5], $0x80, v2, vm0, $0xb8;
	[tilespmem:$0x14100] =	vst v63  }
0x2e9: {  	s21 =	simm.s32 $0x2900  }
0x2ea: {  	[tilespmem:s21], [sflag:$0x2] =	stream.indirect_vreg.gather [hbm4b:s29+s5], $0x80, v2, vm0, $0xb8;
	[tilespmem:$0x14100] =	vst v63  }
0x2eb: {  	s23 =	simm.s32 $0x3100  }
0x2ec: {  	[tilespmem:s23], [sflag:$0x2] =	stream.indirect_vreg.gather [hbm4b:s30+s5], $0x80, v2, vm0, $0xb8;
	[tilespmem:$0x14100] =	vst v63  }
0x2ed: {  	s10 =	simm.s32 $0x3900  }
0x2ee: {  	[tilespmem:s10], [sflag:$0x2] =	stream.indirect_vreg.gather [hbm4b:s31+s5], $0x80, v2, vm0, $0xb8;
	[tilespmem:$0x14100] =	vst v63  }
0x2ef: {  	v2 =	vld.msk [tilespmem:$0xB0], $0xff;
	_ =	sdelay $0x4  }
0x2f0: {  	v3 =	vshll.u32 v2, $0x3  }
0x2f1: {  	v2 =	vand.u32 $0x7, v2;
	v3 =	vand.u32 $0xFFFFFFC0, v3  }
0x2f2: {  	v2 =	vor.u32 v2, v3  }
0x2f3: {  	v2 =	vperm.xlane v2, v0;
	_ =	sdelay $0x1  }
0x2f4: {  	v2 =	vadd.s32 v1, v2;
	_ =	sdelay $0x4  }
0x2f5: {  	[tilespmem:s19], [sflag:$0x3] =	stream.indirect_vreg.gather [hbm4b:s22+s5], $0x80, v2, vm0, $0xb8;
	[tilespmem:$0x14100] =	vst v63  }
0x2f6: {  	s12 =	simm.s32 $0x4900  }
0x2f7: {  	[tilespmem:s12], [sflag:$0x3] =	stream.indirect_vreg.gather [hbm4b:s29+s5], $0x80, v2, vm0, $0xb8;
	[tilespmem:$0x14100] =	vst v63  }
0x2f8: {  	s14 =	simm.s32 $0x5100  }
0x2f9: {  	[tilespmem:s14], [sflag:$0x3] =	stream.indirect_vreg.gather [hbm4b:s30+s5], $0x80, v2, vm0, $0xb8;
	[tilespmem:$0x14100] =	vst v63  }
0x2fa: {  	s19 =	simm.s32 $0x5900  }
0x2fb: {  	[tilespmem:s19], [sflag:$0x3] =	stream.indirect_vreg.gather [hbm4b:s31+s5], $0x80, v2, vm0, $0xb8;
	[tilespmem:$0x14100] =	vst v63  }
0x2fc: {  	v2 =	vld.msk [tilespmem:$0xF0], $0xff;
	_ =	sdelay $0x4  }
0x2fd: {  	v3 =	vshll.u32 v2, $0x3  }
0x2fe: {  	v2 =	vand.u32 $0x7, v2;
	v3 =	vand.u32 $0xFFFFFFC0, v3  }
0x2ff: {  	v2 =	vor.u32 v2, v3  }
0x300: {  	v2 =	vperm.xlane v2, v0;
	_ =	sdelay $0x1  }
0x301: {  	v2 =	vadd.s32 v1, v2;
	_ =	sdelay $0x4  }
0x302: {  	[tilespmem:s20], [sflag:$0x4] =	stream.indirect_vreg.gather [hbm4b:s22+s5], $0x80, v2, vm0, $0xb8;
	[tilespmem:$0x14100] =	vst v63  }
0x303: {  	s20 =	simm.s32 $0x6900  }
0x304: {  	[tilespmem:s20], [sflag:$0x4] =	stream.indirect_vreg.gather [hbm4b:s29+s5], $0x80, v2, vm0, $0xb8;
	[tilespmem:$0x14100] =	vst v63  }
0x305: {  	s10 =	simm.s32 $0x7100  }
0x306: {  	[tilespmem:s10], [sflag:$0x4] =	stream.indirect_vreg.gather [hbm4b:s30+s5], $0x80, v2, vm0, $0xb8;
	[tilespmem:$0x14100] =	vst v63  }
0x307: {  	s12 =	simm.s32 $0x7900  }
0x308: {  	[tilespmem:s12], [sflag:$0x4] =	stream.indirect_vreg.gather [hbm4b:s31+s5], $0x80, v2, vm0, $0xb8;
	[tilespmem:$0x14100] =	vst v63  }
0x309: {  	_ =	swait.ge [sflag:s2], $0x2000  }
0x30a: {  	[sflag:s2] =	ssyncset.done $0x0  }
0x30b: {  	[sflag:s2] =	ssyncadd.s32 $0xFFFFE000  }
0x30c: {  	_ =	swait.ge [sflag:s3], $0x2000  }
0x30d: {  	[sflag:s3] =	ssyncset.done $0x0  }
0x30e: {  	[sflag:s3] =	ssyncadd.s32 $0xFFFFE000  }
0x30f: {  	_ =	swait.ge [sflag:s4], $0x2000  }
0x310: {  	[sflag:s4] =	ssyncset.done $0x0  }
0x311: {  	[sflag:s4] =	ssyncadd.s32 $0xFFFFE000  }
0x312: {  	_ =	swait.ge [sflag:s7], $0x2000  }
0x313: {  	[sflag:s7] =	ssyncset.done $0x0  }
0x314: {  	[sflag:s7] =	ssyncadd.s32 $0xFFFFE000  }
0x315: {  	s14 =	sand.u32 $0x60, s5;
	s19 =	sand.u32 $0x1C00, s5;
	_ =	swait.ge [sflag:s9], $0x2000  }
0x316: {  	s6 =	sor.u32 s14, s19;
	s5 =	sand.u32 $0x380, s5;
	[sflag:s9] =	ssyncset.done $0x0  }
0x317: {  	s5 =	sor.u32 s5, s6;
	[sflag:s9] =	ssyncadd.s32 $0xFFFFE000  }
0x318: {  	v2 =	vld [tilespmem:s5+$0x12110]  }
0x319: {  	v3 =	vld [tilespmem:s5+$0x12100];
	_ =	sdelay $0x2  }
0x31a: {  	s17 =	simm.s32 $0x100  }
0x31b: {  	s18 =	simm.s32 $0x2100;
	s21 =	simm.s32 $0x4100;
	s23 =	simm.s32 $0x6100;
	[tilespmem:s5+$0xE110] =	vst.add.f32.msk $0xffff, v2  }
0x31c: {  	s14 =	simm.s32 $0x100;
	s19 =	simm.s32 $0x40;
	s20 =	simm.s32 $0x20;
	[tilespmem:s5+$0x8100] =	vst.add.f32.msk $0xffff, v3  }
0x31d: {  	s20 =	sand.u32 $0x60, s20;
	s10 =	simm.s32 $0x4;
	s6 =	sand.u32 $0x1C00, s14;
	[tilespmem:s5+$0xA100] =	vst.add.f32.msk $0xffff, v3  }
.LBB2_12:
0x31e: {  	p0 =	sne.s32 s19, $0x1FE0;
	s12 =	sand.u32 $0x380, s10;
	s6 =	sor.u32 s20, s6;
	[tilespmem:s5+$0xC100] =	vst.add.f32.msk $0xffff, v3  }
0x31f: {  	s6 =	sor.u32 s12, s6;
	[tilespmem:s5+$0xE100] =	vst.add.f32.msk $0xffff, v3  }
0x320: {  	v4 =	vld [tilespmem:s6+$0x12110]  }
0x321: {  	v3 =	vld [tilespmem:s6+$0x12100]  }
0x322: {  	[tilespmem:s5+$0x8110] =	vst.add.f32.msk $0xffff, v2  }
.Ltmp5:
0x323: {  	[tilespmem:s5+$0xA110] =	vst.add.f32.msk $0xffff, v2;
	(pc) =	sbr.rel @p0 .LBB2_12-.Ltmp5, $4  }
0x324: {  	[tilespmem:s5+$0xC110] =	vst.add.f32.msk $0xffff, v2;
	s5 =	smov.u32 s6  }
0x325: {  	[tilespmem:s5+$0xE110] =	vst.add.f32.msk $0xffff, v4;
	v2 =	vmov v4  }
0x326: {  	s14 =	sadd.s32 $0x100, s14;
	s10 =	sadd.s32 $0x4, s10;
	[tilespmem:s5+$0x8100] =	vst.add.f32.msk $0xffff, v3  }
0x327: {  	s20 =	sand.u32 $0x60, s19;
	s19 =	sadd.s32 $0x20, s19;
	s6 =	sand.u32 $0x1C00, s14;
	[tilespmem:s5+$0xA100] =	vst.add.f32.msk $0xffff, v3  }
0x328: {  	s10 =	sand.u32 $0x380, s10;
	s6 =	sor.u32 s20, s6;
	[tilespmem:s5+$0xC100] =	vst.add.f32.msk $0xffff, v3  }
0x329: {  	[tilespmem:s5+$0xE100] =	vst.add.f32.msk $0xffff, v3;
	s6 =	sor.u32 s10, s6  }
0x32a: {  	v3 =	vld [tilespmem:s6+$0x12110]  }
0x32b: {  	v4 =	vld [tilespmem:s6+$0x12100]  }
0x32c: {  	[tilespmem:s5+$0x8110] =	vst.add.f32.msk $0xffff, v2  }
0x32d: {  	[tilespmem:s5+$0xA110] =	vst.add.f32.msk $0xffff, v2  }
0x32e: {  	[tilespmem:s5+$0xC110] =	vst.add.f32.msk $0xffff, v2  }
0x32f: {  	[tilespmem:s6+$0xE110] =	vst.add.f32.msk $0xffff, v3  }
0x330: {  	[tilespmem:s6+$0x8100] =	vst.add.f32.msk $0xffff, v4  }
0x331: {  	[tilespmem:s6+$0xA100] =	vst.add.f32.msk $0xffff, v4  }
0x332: {  	[tilespmem:s6+$0xC100] =	vst.add.f32.msk $0xffff, v4  }
0x333: {  	[tilespmem:s6+$0xE100] =	vst.add.f32.msk $0xffff, v4  }
0x334: {  	[tilespmem:s6+$0x8110] =	vst.add.f32.msk $0xffff, v3  }
0x335: {  	s14 =	rddreg [dreg:$0x17];
	[tilespmem:s6+$0xA110] =	vst.add.f32.msk $0xffff, v3  }
0x336: {  	s12 =	simm.s32 $0x8100;
	s19 =	sld [smem:$0x7F5];
	s5 =	simm.s32 $0x0;
	[tilespmem:s6+$0xC110] =	vst.add.f32.msk $0xffff, v3  }
0x337: {  	[hbm4b:s14+s5] =	stream.linear.scatter [tilespmem:s12], [sflag:$0xD], $0x2000, $0x38;
	[tilespmem:$0x14100] =	vst v63  }
0x338: {  	s20 =	sld [smem:$0x7F6];
	s14 =	simm.s32 $0xA100  }
0x339: {  	[hbm4b:s19+s5] =	stream.linear.scatter [tilespmem:s14], [sflag:$0xE], $0x2000, $0x38;
	[tilespmem:$0x14100] =	vst v63  }
0x33a: {  	s10 =	sld [smem:$0x7F7];
	s19 =	simm.s32 $0xC100  }
0x33b: {  	[hbm4b:s20+s5] =	stream.linear.scatter [tilespmem:s19], [sflag:$0xF], $0x2000, $0x38;
	[tilespmem:$0x14100] =	vst v63  }
0x33c: {  	s20 =	simm.s32 $0xE100  }
0x33d: {  	[hbm4b:s10+s5] =	stream.linear.scatter [tilespmem:s20], [sflag:$0x10], $0x2000, $0x38;
	[tilespmem:$0x14100] =	vst v63  }
0x33e: {  	s6 =	rddreg [dreg:$0x19];
	s10 =	simm.s32 $0x12100  }
0x33f: {  	[tilespmem:s10], [sflag:$0x12] =	stream.linear.gather [hbm4b:s6+s5], $0x2000, $0x38;
	[tilespmem:$0x14100] =	vst v63  }
0x340: {  	_ =	swait.ge [sflag:s11], $0x2000  }
0x341: {  	[sflag:s11] =	ssyncset.done $0x0  }
0x342: {  	[sflag:s11] =	ssyncadd.s32 $0xFFFFE000  }
0x343: {  	_ =	swait.ge [sflag:s13], $0x2000  }
0x344: {  	[sflag:s13] =	ssyncset.done $0x0  }
0x345: {  	[sflag:s13] =	ssyncadd.s32 $0xFFFFE000  }
0x346: {  	_ =	swait.ge [sflag:s15], $0x2000  }
0x347: {  	[sflag:s15] =	ssyncset.done $0x0  }
0x348: {  	[sflag:s15] =	ssyncadd.s32 $0xFFFFE000  }
0x349: {  	_ =	swait.ge [sflag:s16], $0x2000  }
0x34a: {  	[sflag:s16] =	ssyncset.done $0x0  }
0x34b: {  	[sflag:s16] =	ssyncadd.s32 $0xFFFFE000  }
0x34c: {  	v2 =	vld.msk [tilespmem:$0x38], $0xff;
	_ =	sdelay $0x4  }
0x34d: {  	v3 =	vshll.u32 v2, $0x3  }
0x34e: {  	v2 =	vand.u32 $0x7, v2;
	v3 =	vand.u32 $0xFFFFFFC0, v3  }
0x34f: {  	v2 =	vor.u32 v2, v3  }
0x350: {  	v2 =	vperm.xlane v2, v0;
	_ =	sdelay $0x1  }
0x351: {  	v2 =	vadd.s32 v1, v2;
	_ =	sdelay $0x4  }
0x352: {  	[tilespmem:s12], [sflag:$0x5] =	stream.indirect_vreg.gather [hbm4b:s22+s5], $0x80, v2, vm0, $0xb8;
	[tilespmem:$0x14100] =	vst v63  }
0x353: {  	s10 =	simm.s32 $0x8900  }
0x354: {  	[tilespmem:s10], [sflag:$0x5] =	stream.indirect_vreg.gather [hbm4b:s29+s5], $0x80, v2, vm0, $0xb8;
	[tilespmem:$0x14100] =	vst v63  }
0x355: {  	s12 =	simm.s32 $0x9100  }
0x356: {  	[tilespmem:s12], [sflag:$0x5] =	stream.indirect_vreg.gather [hbm4b:s30+s5], $0x80, v2, vm0, $0xb8;
	[tilespmem:$0x14100] =	vst v63  }
0x357: {  	s10 =	simm.s32 $0x9900  }
0x358: {  	[tilespmem:s10], [sflag:$0x5] =	stream.indirect_vreg.gather [hbm4b:s31+s5], $0x80, v2, vm0, $0xb8;
	[tilespmem:$0x14100] =	vst v63  }
0x359: {  	v2 =	vld.msk [tilespmem:$0x78], $0xff;
	_ =	sdelay $0x4  }
0x35a: {  	v3 =	vshll.u32 v2, $0x3  }
0x35b: {  	v2 =	vand.u32 $0x7, v2;
	v3 =	vand.u32 $0xFFFFFFC0, v3  }
0x35c: {  	v2 =	vor.u32 v2, v3  }
0x35d: {  	v2 =	vperm.xlane v2, v0;
	_ =	sdelay $0x1  }
0x35e: {  	v2 =	vadd.s32 v1, v2;
	_ =	sdelay $0x4  }
0x35f: {  	[tilespmem:s14], [sflag:$0x6] =	stream.indirect_vreg.gather [hbm4b:s22+s5], $0x80, v2, vm0, $0xb8;
	[tilespmem:$0x14100] =	vst v63  }
0x360: {  	s12 =	simm.s32 $0xA900  }
0x361: {  	[tilespmem:s12], [sflag:$0x6] =	stream.indirect_vreg.gather [hbm4b:s29+s5], $0x80, v2, vm0, $0xb8;
	[tilespmem:$0x14100] =	vst v63  }
0x362: {  	s14 =	simm.s32 $0xB100  }
0x363: {  	[tilespmem:s14], [sflag:$0x6] =	stream.indirect_vreg.gather [hbm4b:s30+s5], $0x80, v2, vm0, $0xb8;
	[tilespmem:$0x14100] =	vst v63  }
0x364: {  	s10 =	simm.s32 $0xB900  }
0x365: {  	[tilespmem:s10], [sflag:$0x6] =	stream.indirect_vreg.gather [hbm4b:s31+s5], $0x80, v2, vm0, $0xb8;
	[tilespmem:$0x14100] =	vst v63  }
0x366: {  	v2 =	vld.msk [tilespmem:$0xB8], $0xff;
	_ =	sdelay $0x4  }
0x367: {  	v3 =	vshll.u32 v2, $0x3  }
0x368: {  	v2 =	vand.u32 $0x7, v2;
	v3 =	vand.u32 $0xFFFFFFC0, v3  }
0x369: {  	v2 =	vor.u32 v2, v3  }
0x36a: {  	v2 =	vperm.xlane v2, v0;
	_ =	sdelay $0x1  }
0x36b: {  	v2 =	vadd.s32 v1, v2;
	_ =	sdelay $0x4  }
0x36c: {  	[tilespmem:s19], [sflag:$0x7] =	stream.indirect_vreg.gather [hbm4b:s22+s5], $0x80, v2, vm0, $0xb8;
	[tilespmem:$0x14100] =	vst v63  }
0x36d: {  	s12 =	simm.s32 $0xC900  }
0x36e: {  	[tilespmem:s12], [sflag:$0x7] =	stream.indirect_vreg.gather [hbm4b:s29+s5], $0x80, v2, vm0, $0xb8;
	[tilespmem:$0x14100] =	vst v63  }
0x36f: {  	s14 =	simm.s32 $0xD100  }
0x370: {  	[tilespmem:s14], [sflag:$0x7] =	stream.indirect_vreg.gather [hbm4b:s30+s5], $0x80, v2, vm0, $0xb8;
	[tilespmem:$0x14100] =	vst v63  }
0x371: {  	s19 =	simm.s32 $0xD900  }
0x372: {  	[tilespmem:s19], [sflag:$0x7] =	stream.indirect_vreg.gather [hbm4b:s31+s5], $0x80, v2, vm0, $0xb8;
	[tilespmem:$0x14100] =	vst v63  }
0x373: {  	v2 =	vld.msk [tilespmem:$0xF8], $0xff;
	_ =	sdelay $0x4  }
0x374: {  	v3 =	vshll.u32 v2, $0x3  }
0x375: {  	v2 =	vand.u32 $0x7, v2;
	v3 =	vand.u32 $0xFFFFFFC0, v3  }
0x376: {  	v2 =	vor.u32 v2, v3  }
0x377: {  	v2 =	vperm.xlane v2, v0;
	_ =	sdelay $0x1  }
0x378: {  	v2 =	vadd.s32 v1, v2;
	_ =	sdelay $0x4  }
0x379: {  	[tilespmem:s20], [sflag:$0x8] =	stream.indirect_vreg.gather [hbm4b:s22+s5], $0x80, v2, vm0, $0xb8;
	[tilespmem:$0x14100] =	vst v63  }
0x37a: {  	s10 =	simm.s32 $0xE900  }
0x37b: {  	[tilespmem:s10], [sflag:$0x8] =	stream.indirect_vreg.gather [hbm4b:s29+s5], $0x80, v2, vm0, $0xb8;
	[tilespmem:$0x14100] =	vst v63  }
0x37c: {  	s12 =	simm.s32 $0xF100  }
0x37d: {  	[tilespmem:s12], [sflag:$0x8] =	stream.indirect_vreg.gather [hbm4b:s30+s5], $0x80, v2, vm0, $0xb8;
	[tilespmem:$0x14100] =	vst v63  }
0x37e: {  	s14 =	simm.s32 $0xF900;
	s19 =	simm.s32 $0x11  }
0x37f: {  	[tilespmem:s14], [sflag:$0x8] =	stream.indirect_vreg.gather [hbm4b:s31+s5], $0x80, v2, vm0, $0xb8;
	[tilespmem:$0x14100] =	vst v63  }
0x380: {  	_ =	swait.ge [sflag:s19], $0x2000  }
0x381: {  	[sflag:s19] =	ssyncset.done $0x0  }
0x382: {  	s20 =	simm.s32 $0x1;
	[sflag:s19] =	ssyncadd.s32 $0xFFFFE000  }
0x383: {  	_ =	swait.ge [sflag:s20], $0x2000  }
0x384: {  	[sflag:s20] =	ssyncset.done $0x0  }
0x385: {  	s10 =	simm.s32 $0x2;
	[sflag:s20] =	ssyncadd.s32 $0xFFFFE000  }
0x386: {  	_ =	swait.ge [sflag:s10], $0x2000  }
0x387: {  	[sflag:s10] =	ssyncset.done $0x0  }
0x388: {  	s12 =	simm.s32 $0x3;
	[sflag:s10] =	ssyncadd.s32 $0xFFFFE000  }
0x389: {  	_ =	swait.ge [sflag:s12], $0x2000  }
0x38a: {  	[sflag:s12] =	ssyncset.done $0x0  }
0x38b: {  	[sflag:s12] =	ssyncadd.s32 $0xFFFFE000  }
0x38c: {  	s14 =	sand.u32 $0x60, s5;
	s19 =	sand.u32 $0x1C00, s5;
	_ =	swait.ge [sflag:s8], $0x2000  }
0x38d: {  	s5 =	sand.u32 $0x380, s5;
	s6 =	sor.u32 s14, s19;
	[sflag:s8] =	ssyncset.done $0x0  }
0x38e: {  	s5 =	sor.u32 s5, s6;
	[sflag:s8] =	ssyncadd.s32 $0xFFFFE000  }
0x38f: {  	v2 =	vld [tilespmem:s5+$0x10110]  }
0x390: {  	v3 =	vld [tilespmem:s5+$0x10100];
	_ =	sdelay $0x3  }
0x391: {  	[tilespmem:s5+$0x6110] =	vst.add.f32.msk $0xffff, v2  }
0x392: {  	s14 =	simm.s32 $0x100;
	s19 =	simm.s32 $0x40;
	s20 =	simm.s32 $0x20;
	[tilespmem:s5+$0x100] =	vst.add.f32.msk $0xffff, v3  }
0x393: {  	s6 =	sand.u32 $0x1C00, s14;
	s20 =	sand.u32 $0x60, s20;
	s10 =	simm.s32 $0x4;
	[tilespmem:s5+$0x2100] =	vst.add.f32.msk $0xffff, v3  }
.LBB2_14:
0x394: {  	p0 =	sne.s32 s19, $0x1FE0;
	s12 =	sand.u32 $0x380, s10;
	s6 =	sor.u32 s20, s6;
	[tilespmem:s5+$0x4100] =	vst.add.f32.msk $0xffff, v3  }
0x395: {  	s6 =	sor.u32 s12, s6;
	[tilespmem:s5+$0x6100] =	vst.add.f32.msk $0xffff, v3  }
0x396: {  	v4 =	vld [tilespmem:s6+$0x10110]  }
0x397: {  	v3 =	vld [tilespmem:s6+$0x10100]  }
0x398: {  	[tilespmem:s5+$0x110] =	vst.add.f32.msk $0xffff, v2  }
.Ltmp6:
0x399: {  	[tilespmem:s5+$0x2110] =	vst.add.f32.msk $0xffff, v2;
	(pc) =	sbr.rel @p0 .LBB2_14-.Ltmp6, $4  }
0x39a: {  	[tilespmem:s5+$0x4110] =	vst.add.f32.msk $0xffff, v2;
	s5 =	smov.u32 s6  }
0x39b: {  	[tilespmem:s5+$0x6110] =	vst.add.f32.msk $0xffff, v4;
	v2 =	vmov v4  }
0x39c: {  	s14 =	sadd.s32 $0x100, s14;
	s10 =	sadd.s32 $0x4, s10;
	[tilespmem:s5+$0x100] =	vst.add.f32.msk $0xffff, v3  }
0x39d: {  	s20 =	sand.u32 $0x60, s19;
	s19 =	sadd.s32 $0x20, s19;
	s6 =	sand.u32 $0x1C00, s14;
	[tilespmem:s5+$0x2100] =	vst.add.f32.msk $0xffff, v3  }
0x39e: {  	s10 =	sand.u32 $0x380, s10;
	s6 =	sor.u32 s20, s6;
	[tilespmem:s5+$0x4100] =	vst.add.f32.msk $0xffff, v3  }
0x39f: {  	[tilespmem:s5+$0x6100] =	vst.add.f32.msk $0xffff, v3;
	s6 =	sor.u32 s10, s6  }
0x3a0: {  	v3 =	vld [tilespmem:s6+$0x10110]  }
0x3a1: {  	v4 =	vld [tilespmem:s6+$0x10100]  }
0x3a2: {  	[tilespmem:s5+$0x110] =	vst.add.f32.msk $0xffff, v2  }
0x3a3: {  	[tilespmem:s5+$0x2110] =	vst.add.f32.msk $0xffff, v2  }
0x3a4: {  	[tilespmem:s5+$0x4110] =	vst.add.f32.msk $0xffff, v2  }
0x3a5: {  	[tilespmem:s6+$0x6110] =	vst.add.f32.msk $0xffff, v3  }
0x3a6: {  	[tilespmem:s6+$0x100] =	vst.add.f32.msk $0xffff, v4  }
0x3a7: {  	[tilespmem:s6+$0x2100] =	vst.add.f32.msk $0xffff, v4  }
0x3a8: {  	[tilespmem:s6+$0x4100] =	vst.add.f32.msk $0xffff, v4  }
0x3a9: {  	[tilespmem:s6+$0x6100] =	vst.add.f32.msk $0xffff, v4  }
0x3aa: {  	[tilespmem:s6+$0x110] =	vst.add.f32.msk $0xffff, v3  }
0x3ab: {  	s19 =	rddreg [dreg:$0x1a];
	[tilespmem:s6+$0x2110] =	vst.add.f32.msk $0xffff, v3  }
0x3ac: {  	s20 =	sld [smem:$0x7F8];
	s5 =	simm.s32 $0x0;
	[tilespmem:s6+$0x4110] =	vst.add.f32.msk $0xffff, v3  }
0x3ad: {  	[hbm4b:s19+s5] =	stream.linear.scatter [tilespmem:s17], [sflag:$0x9], $0x2000, $0x38;
	[tilespmem:$0x14100] =	vst v63  }
0x3ae: {  	s10 =	sld [smem:$0x7F9]  }
0x3af: {  	[hbm4b:s20+s5] =	stream.linear.scatter [tilespmem:s18], [sflag:$0xA], $0x2000, $0x38;
	[tilespmem:$0x14100] =	vst v63  }
0x3b0: {  	s12 =	sld [smem:$0x7FA]  }
0x3b1: {  	[hbm4b:s10+s5] =	stream.linear.scatter [tilespmem:s21], [sflag:$0xB], $0x2000, $0x38;
	[tilespmem:$0x14100] =	vst v63  }
0x3b2: {  	_ = 	snop  }
0x3b3: {  	[hbm4b:s12+s5] =	stream.linear.scatter [tilespmem:s23], [sflag:$0xC], $0x2000, $0x38;
	[tilespmem:$0x14100] =	vst v63  }
0x3b4: {  	_ =	swait.ge [sflag:s2], $0x2000  }
0x3b5: {  	[sflag:s2] =	ssyncset.done $0x0  }
0x3b6: {  	[sflag:s2] =	ssyncadd.s32 $0xFFFFE000  }
0x3b7: {  	_ =	swait.ge [sflag:s3], $0x2000  }
0x3b8: {  	[sflag:s3] =	ssyncset.done $0x0  }
0x3b9: {  	[sflag:s3] =	ssyncadd.s32 $0xFFFFE000  }
0x3ba: {  	_ =	swait.ge [sflag:s4], $0x2000  }
0x3bb: {  	[sflag:s4] =	ssyncset.done $0x0  }
0x3bc: {  	[sflag:s4] =	ssyncadd.s32 $0xFFFFE000  }
0x3bd: {  	_ =	swait.ge [sflag:s7], $0x2000  }
0x3be: {  	[sflag:s7] =	ssyncset.done $0x0  }
0x3bf: {  	[sflag:s7] =	ssyncadd.s32 $0xFFFFE000  }
0x3c0: {  	s14 =	sand.u32 $0x60, s5;
	s19 =	sand.u32 $0x1C00, s5;
	_ =	swait.ge [sflag:s9], $0x2000  }
0x3c1: {  	s6 =	sor.u32 s14, s19;
	s5 =	sand.u32 $0x380, s5;
	[sflag:s9] =	ssyncset.done $0x0  }
0x3c2: {  	s5 =	sor.u32 s5, s6;
	[sflag:s9] =	ssyncadd.s32 $0xFFFFE000  }
0x3c3: {  	v2 =	vld [tilespmem:s5+$0x12110]  }
0x3c4: {  	v3 =	vld [tilespmem:s5+$0x12100];
	_ =	sdelay $0x3  }
0x3c5: {  	[tilespmem:s5+$0xE110] =	vst.add.f32.msk $0xffff, v2  }
0x3c6: {  	s14 =	simm.s32 $0x100;
	s19 =	simm.s32 $0x40;
	s20 =	simm.s32 $0x20;
	[tilespmem:s5+$0x8100] =	vst.add.f32.msk $0xffff, v3  }
0x3c7: {  	s20 =	sand.u32 $0x60, s20;
	s10 =	simm.s32 $0x4;
	s6 =	sand.u32 $0x1C00, s14;
	[tilespmem:s5+$0xA100] =	vst.add.f32.msk $0xffff, v3  }
.LBB2_16:
0x3c8: {  	p0 =	sne.s32 s19, $0x1FE0;
	s12 =	sand.u32 $0x380, s10;
	s6 =	sor.u32 s20, s6;
	[tilespmem:s5+$0xC100] =	vst.add.f32.msk $0xffff, v3  }
0x3c9: {  	s6 =	sor.u32 s12, s6;
	[tilespmem:s5+$0xE100] =	vst.add.f32.msk $0xffff, v3  }
0x3ca: {  	v4 =	vld [tilespmem:s6+$0x12110]  }
0x3cb: {  	v3 =	vld [tilespmem:s6+$0x12100]  }
0x3cc: {  	[tilespmem:s5+$0x8110] =	vst.add.f32.msk $0xffff, v2  }
.Ltmp7:
0x3cd: {  	[tilespmem:s5+$0xA110] =	vst.add.f32.msk $0xffff, v2;
	(pc) =	sbr.rel @p0 .LBB2_16-.Ltmp7, $4  }
0x3ce: {  	[tilespmem:s5+$0xC110] =	vst.add.f32.msk $0xffff, v2;
	s5 =	smov.u32 s6  }
0x3cf: {  	[tilespmem:s5+$0xE110] =	vst.add.f32.msk $0xffff, v4;
	v2 =	vmov v4  }
0x3d0: {  	s14 =	sadd.s32 $0x100, s14;
	s10 =	sadd.s32 $0x4, s10;
	[tilespmem:s5+$0x8100] =	vst.add.f32.msk $0xffff, v3  }
0x3d1: {  	s20 =	sand.u32 $0x60, s19;
	s19 =	sadd.s32 $0x20, s19;
	s6 =	sand.u32 $0x1C00, s14;
	[tilespmem:s5+$0xA100] =	vst.add.f32.msk $0xffff, v3  }
0x3d2: {  	s10 =	sand.u32 $0x380, s10;
	s6 =	sor.u32 s20, s6;
	[tilespmem:s5+$0xC100] =	vst.add.f32.msk $0xffff, v3  }
0x3d3: {  	[tilespmem:s5+$0xE100] =	vst.add.f32.msk $0xffff, v3;
	s6 =	sor.u32 s10, s6  }
0x3d4: {  	v3 =	vld [tilespmem:s6+$0x12110]  }
0x3d5: {  	v4 =	vld [tilespmem:s6+$0x12100]  }
0x3d6: {  	[tilespmem:s5+$0x8110] =	vst.add.f32.msk $0xffff, v2  }
0x3d7: {  	[tilespmem:s5+$0xA110] =	vst.add.f32.msk $0xffff, v2  }
0x3d8: {  	[tilespmem:s5+$0xC110] =	vst.add.f32.msk $0xffff, v2  }
0x3d9: {  	[tilespmem:s6+$0xE110] =	vst.add.f32.msk $0xffff, v3  }
0x3da: {  	[tilespmem:s6+$0x8100] =	vst.add.f32.msk $0xffff, v4  }
0x3db: {  	[tilespmem:s6+$0xA100] =	vst.add.f32.msk $0xffff, v4  }
0x3dc: {  	[tilespmem:s6+$0xC100] =	vst.add.f32.msk $0xffff, v4  }
0x3dd: {  	[tilespmem:s6+$0xE100] =	vst.add.f32.msk $0xffff, v4  }
0x3de: {  	[tilespmem:s6+$0x8110] =	vst.add.f32.msk $0xffff, v3  }
0x3df: {  	s14 =	rddreg [dreg:$0x1b];
	[tilespmem:s6+$0xA110] =	vst.add.f32.msk $0xffff, v3  }
0x3e0: {  	s19 =	sld [smem:$0x7FB];
	s10 =	simm.s32 $0x8100;
	[tilespmem:s6+$0xC110] =	vst.add.f32.msk $0xffff, v3  }
0x3e1: {  	[hbm4b:s14+s1] =	stream.linear.scatter [tilespmem:s10], [sflag:$0xD], $0x2000, $0x38;
	[tilespmem:$0x14100] =	vst v63  }
0x3e2: {  	s12 =	simm.s32 $0xA100;
	s20 =	sld [smem:$0x7FC]  }
0x3e3: {  	[hbm4b:s19+s1] =	stream.linear.scatter [tilespmem:s12], [sflag:$0xE], $0x2000, $0x38;
	[tilespmem:$0x14100] =	vst v63  }
0x3e4: {  	s6 =	sld [smem:$0x7FD];
	s14 =	simm.s32 $0xC100  }
0x3e5: {  	[hbm4b:s20+s1] =	stream.linear.scatter [tilespmem:s14], [sflag:$0xF], $0x2000, $0x38;
	[tilespmem:$0x14100] =	vst v63  }
0x3e6: {  	s19 =	simm.s32 $0xE100  }
0x3e7: {  	[hbm4b:s6+s1] =	stream.linear.scatter [tilespmem:s19], [sflag:$0x10], $0x2000, $0x38;
	[tilespmem:$0x14100] =	vst v63  }
0x3e8: {  	_ =	swait.ge [sflag:s24], $0x2000  }
0x3e9: {  	[sflag:s24] =	ssyncset.done $0x0  }
0x3ea: {  	[sflag:s24] =	ssyncadd.s32 $0xFFFFE000  }
0x3eb: {  	_ =	swait.ge [sflag:s11], $0x2000  }
0x3ec: {  	[sflag:s11] =	ssyncset.done $0x0  }
0x3ed: {  	[sflag:s11] =	ssyncadd.s32 $0xFFFFE000  }
0x3ee: {  	_ =	swait.ge [sflag:s25], $0x2000  }
0x3ef: {  	[sflag:s25] =	ssyncset.done $0x0  }
0x3f0: {  	[sflag:s25] =	ssyncadd.s32 $0xFFFFE000  }
0x3f1: {  	_ =	swait.ge [sflag:s13], $0x2000  }
0x3f2: {  	[sflag:s13] =	ssyncset.done $0x0  }
0x3f3: {  	[sflag:s13] =	ssyncadd.s32 $0xFFFFE000  }
0x3f4: {  	_ =	swait.ge [sflag:s26], $0x2000  }
0x3f5: {  	[sflag:s26] =	ssyncset.done $0x0  }
0x3f6: {  	[sflag:s26] =	ssyncadd.s32 $0xFFFFE000  }
0x3f7: {  	_ =	swait.ge [sflag:s15], $0x2000  }
0x3f8: {  	[sflag:s15] =	ssyncset.done $0x0  }
0x3f9: {  	[sflag:s15] =	ssyncadd.s32 $0xFFFFE000  }
0x3fa: {  	_ =	swait.ge [sflag:s28], $0x2000  }
0x3fb: {  	[sflag:s28] =	ssyncset.done $0x0  }
0x3fc: {  	[sflag:s28] =	ssyncadd.s32 $0xFFFFE000  }
0x3fd: {  	_ =	swait.ge [sflag:s16], $0x2000  }
0x3fe: {  	s0 =	sadd.s32 $0x1, s0;
	s20 =	rddreg [dreg:$0x1c]  }
0x3ff: {  	p0 =	sne.s32 s0, s20  }
.Ltmp8:
0x400: {  	_ = 	snop;
	(pc) =	sbr.rel @p0 .LBB2_1-.Ltmp8, $3  }
0x401: {  	_ =	sdelay $0x1  }
0x402: {  	[sflag:s16] =	ssyncset.done $0x0  }
0x403: {  	[sflag:s16] =	ssyncadd.s32 $0xFFFFE000  }
0x404: {  	_ =	sfence.sel $0x180000  }
0x405: {  	[bflag:$0x0] =	sbarrier.arrive $0xFFFF  }
0x406: {  	_ =	strace $0x90000047  }
0x407: {  	s0 =	stileid.u32;
	[bflag:$0x2] =	sbarrier.arrive $0xFFFF  }
0x408: {  	p0 =	sne.s32 s0, $0x0;
	s0 =	rddreg [dreg:$0x4]  }
0x409: {  	s0 =	sadd.s32 @!p0 $0x100000, s0  }
0x40a: {  	[sflag:s0] =	ssyncadd.tile.s32 @!p0 $0x1;
	_ =	shalt  }
.Lfunc_end2:
_tile_overlayer_lowered:
.L_overlay_start_2:
0x40b: {  	(tag) =	ssettag $0x2  }
0x40c: {  	s0 =	rddreg [dreg:$0x0];
	s2 =	stileid.u32  }
0x40d: {  	s1 =	rddreg [dreg:$0x1];
	p0 =	sne.s32 s2, $0x0  }
0x40e: {  	s3 =	rddreg [dreg:$0x2];
	[bflag:$0x3] =	sbarrier.arrive $0xFFFF;
	s2 =	simm.s32 @!p0 $0x1C13  }
0x40f: {  	[timem:s3], [sflag:s2] =	dma.local @!p0 [hbm:s0], s1  }
0x410: {  	s0 =	simm.s32 @!p0 $0x13  }
0x411: {  	_ =	swait.ge @!p0 [sflag:s0], s1  }
0x412: {  	s1 =	ssub.s32 @!p0 $0x0, s1;
	[sflag:s0] =	ssyncset.done @!p0 $0x0  }
0x413: {  	[sflag:s0] =	ssyncadd.s32 @!p0 s1  }
0x414: {  	[bflag:$0x3] =	sbarrier.arrive $0xFFFF  }
0x415: {  	_ =	shalt  }

</sc_bundles>
